<compile_context>
chip_gen: v7x
topology: tpu7x:2x2x1
jax: 0.10.2.dev20260603
libtpu: 0.0.44.dev20260713+nightly
codegen_flags: <defaults>
</compile_context>

<pallas_src>
import jax
import jax.numpy as jnp
from jax import lax
from jax.experimental import pallas as pl
from jax.experimental.pallas import tpu as pltpu
from jax.experimental.pallas import tpu_sc as plsc

DIM = 2048
ROWS = 2 * 4096
L = 16
NC = 2
NS = 16
NW = NC * NS
ROWS_PER_W = ROWS // NW
G = 16
H = 4
NQ = G // H
NG = ROWS_PER_W // G
CHUNKS = DIM // L


def _body(x_hbm, perm_hbm, out_hbm, perm_v, in0, in1,
          outv0, outv1, outv2, outv3,
          s_in0, s_in1, s_out0, s_out1, s_out2, s_out3, s_perm):
    wid = lax.axis_index("s") * NC + lax.axis_index("c")
    base = wid * ROWS_PER_W

    ins = (in0, in1)
    quarters = (outv0, outv1, outv2, outv3)
    s_ins = (s_in0, s_in1)
    s_outs = (s_out0, s_out1, s_out2, s_out3)

    def src(g):
        return x_hbm.at[pl.ds(base + g * G, G)]

    def dst(g, q):
        return out_hbm.at[pl.ds(base + g * G + q * H, H)]

    pltpu.async_copy(src(0), in0, s_in0)
    pltpu.async_copy(src(1), in1, s_in1)
    pltpu.async_copy(perm_hbm, perm_v, s_perm).wait()

    def pair(go, carry):
        for b in range(2):
            g = go * 2 + b
            in_b = ins[b]
            pltpu.make_async_copy(src(g), in_b, s_ins[b]).wait()

            for q in range(NQ):
                out_q = quarters[q]

                @pl.when(g > 0)
                def _():
                    pltpu.make_async_copy(out_q, dst(g - 1, q), s_outs[q]).wait()

                @plsc.parallel_loop(0, CHUNKS, unroll=4)
                def _(j):
                    col = perm_v[pl.ds(j * L, L)]
                    vals = [
                        plsc.load_gather(
                            in_b, [jnp.full((L,), q * H + r, jnp.int32), col])
                        for r in range(H)
                    ]
                    for r in range(H):
                        out_q[r, pl.ds(j * L, L)] = vals[r]

                pltpu.async_copy(out_q, dst(g, q), s_outs[q])

            @pl.when(go < NG // 2 - 1)
            def _():
                pltpu.async_copy(src(g + 2), in_b, s_ins[b])

        return carry

    lax.fori_loop(0, NG // 2, pair, 0)
    for q in range(NQ):
        pltpu.make_async_copy(quarters[q], dst(NG - 1, q), s_outs[q]).wait()


def kernel(x, perm_idx):
    xf = x.reshape(ROWS, DIM)
    perm = perm_idx.astype(jnp.int32)
    mesh = plsc.VectorSubcoreMesh(core_axis_name="c", subcore_axis_name="s")
    out = pl.kernel(
        _body,
        out_type=jax.ShapeDtypeStruct((ROWS, DIM), jnp.float32),
        mesh=mesh,
        compiler_params=pltpu.CompilerParams(needs_layout_passes=False),
        scratch_types=[
            pltpu.VMEM((DIM,), jnp.int32),
            pltpu.VMEM((G, DIM), jnp.float32),
            pltpu.VMEM((G, DIM), jnp.float32),
            pltpu.VMEM((H, DIM), jnp.float32),
            pltpu.VMEM((H, DIM), jnp.float32),
            pltpu.VMEM((H, DIM), jnp.float32),
            pltpu.VMEM((H, DIM), jnp.float32),
            pltpu.SemaphoreType.DMA,
            pltpu.SemaphoreType.DMA,
            pltpu.SemaphoreType.DMA,
            pltpu.SemaphoreType.DMA,
            pltpu.SemaphoreType.DMA,
            pltpu.SemaphoreType.DMA,
            pltpu.SemaphoreType.DMA,
        ],
    )(xf, perm)
    return (out.reshape(x.shape), 0)

# --- scband reference (transcript-rebuilt; emitter-appended) ---
"""Pipeline reference for scband-invertible-permutation-49821620634129 (READ-ONLY COPY).

The authoritative reference and input builder live on the scoring server;
editing this copy changes nothing except your own understanding.
"""

import jax, jax.numpy as jnp
import numpy as np

DIM = 2048

def setup_inputs(seed: int = 0) -> dict:
    key = jax.random.key(seed)
    x = jax.random.normal(jax.random.fold_in(key, 0), (2, 4096, DIM), dtype=jnp.float32)
    perm_idx = jax.random.permutation(jax.random.fold_in(key, 1), DIM)
    return {"x": x, "perm_idx": perm_idx}

def reference(x, perm_idx):
    # forward: x = x[..., perm_idx]; log|det J| = 0 for a permutation
    out = jnp.take(x, perm_idx, axis=-1)
    return (out, 0)

if __name__ == "__main__":
    import jax
    _d = setup_inputs()
    print(jax.jit(kernel)(*tuple(_d.values())))

</pallas_src>

<mosaic_0001>
#map = affine_map<(d0, d1) -> (0, 0)>
#map1 = affine_map<(d0, d1) -> (0)>
module attributes {stable_mosaic.version = 14 : i64} {
  func.func @_body(%arg0: i32, %arg1: i32, %arg2: memref<8192x2048xf32, #tpu.memory_space<hbm>>, %arg3: memref<2048xi32, #tpu.memory_space<hbm>>, %arg4: memref<8192x2048xf32, #tpu.memory_space<hbm>>, %arg5: memref<2048xi32, #tpu.memory_space<vmem>>, %arg6: memref<16x2048xf32, #tpu.memory_space<vmem>>, %arg7: memref<16x2048xf32, #tpu.memory_space<vmem>>, %arg8: memref<4x2048xf32, #tpu.memory_space<vmem>>, %arg9: memref<4x2048xf32, #tpu.memory_space<vmem>>, %arg10: memref<4x2048xf32, #tpu.memory_space<vmem>>, %arg11: memref<4x2048xf32, #tpu.memory_space<vmem>>, %arg12: memref<!tpu.dma_semaphore, #tpu.memory_space<semaphore_mem>>, %arg13: memref<!tpu.dma_semaphore, #tpu.memory_space<semaphore_mem>>, %arg14: memref<!tpu.dma_semaphore, #tpu.memory_space<semaphore_mem>>, %arg15: memref<!tpu.dma_semaphore, #tpu.memory_space<semaphore_mem>>, %arg16: memref<!tpu.dma_semaphore, #tpu.memory_space<semaphore_mem>>, %arg17: memref<!tpu.dma_semaphore, #tpu.memory_space<semaphore_mem>>, %arg18: memref<!tpu.dma_semaphore, #tpu.memory_space<semaphore_mem>>) attributes {dimension_semantics = [#tpu.dimension_semantics<core_parallel>, #tpu.dimension_semantics<subcore_parallel>], iteration_bounds = array<i64: 2, 16>, scalar_prefetch = 0 : i64, scratch_operands = 14 : i64, tpu.core_type = #tpu.core_type<sc_vector_subcore>, window_params = [{transform_indices = #map}, {transform_indices = #map1}, {transform_indices = #map}]} {
    %mul3A = arith.constant 2 : i32
    %mul3A_0 = arith.muli %arg1, %mul3A : i32
    %add3A = arith.addi %mul3A_0, %arg0 : i32
    %mul3A_1 = arith.constant 256 : i32
    %mul3A_2 = arith.muli %add3A, %mul3A_1 : i32
    %add3A_3 = arith.constant 0 : i32
    %add3A_4 = arith.addi %mul3A_2, %add3A_3 : i32
    %dma_start3A = arith.constant 0 : i32
    %dma_start3A_5 = tpu.memref_slice %arg2[%add3A_4, %dma_start3A] : memref<8192x2048xf32, #tpu.memory_space<hbm>> -> memref<16x2048xf32, #tpu.memory_space<hbm>>
    %dma_start3A_6 = arith.constant 0 : i32
    %dma_start3A_7 = tpu.memref_slice %arg2[%add3A_4, %dma_start3A_6] : memref<8192x2048xf32, #tpu.memory_space<hbm>> -> memref<16x2048xf32, #tpu.memory_space<hbm>>
    tpu.enqueue_dma source(%dma_start3A_7 : memref<16x2048xf32, #tpu.memory_space<hbm>>) target(%arg6 : memref<16x2048xf32, #tpu.memory_space<vmem>>) target_semaphore(%arg12 : memref<!tpu.dma_semaphore, #tpu.memory_space<semaphore_mem>>)
    %add3A_8 = arith.constant 16 : i32
    %add3A_9 = arith.addi %mul3A_2, %add3A_8 : i32
    %dma_start3A_10 = arith.constant 0 : i32
    %dma_start3A_11 = tpu.memref_slice %arg2[%add3A_9, %dma_start3A_10] : memref<8192x2048xf32, #tpu.memory_space<hbm>> -> memref<16x2048xf32, #tpu.memory_space<hbm>>
    %dma_start3A_12 = arith.constant 0 : i32
    %dma_start3A_13 = tpu.memref_slice %arg2[%add3A_9, %dma_start3A_12] : memref<8192x2048xf32, #tpu.memory_space<hbm>> -> memref<16x2048xf32, #tpu.memory_space<hbm>>
    tpu.enqueue_dma source(%dma_start3A_13 : memref<16x2048xf32, #tpu.memory_space<hbm>>) target(%arg7 : memref<16x2048xf32, #tpu.memory_space<vmem>>) target_semaphore(%arg13 : memref<!tpu.dma_semaphore, #tpu.memory_space<semaphore_mem>>)
    tpu.enqueue_dma source(%arg3 : memref<2048xi32, #tpu.memory_space<hbm>>) target(%arg5 : memref<2048xi32, #tpu.memory_space<vmem>>) target_semaphore(%arg18 : memref<!tpu.dma_semaphore, #tpu.memory_space<semaphore_mem>>)
    tpu.wait_dma2 semaphore(%arg18 : memref<!tpu.dma_semaphore, #tpu.memory_space<semaphore_mem>>) src(%arg3 : memref<2048xi32, #tpu.memory_space<hbm>>) dst(%arg5 : memref<2048xi32, #tpu.memory_space<vmem>>)
    %scan3A = arith.constant 0 : i32
    %scan3A_14 = arith.constant 0 : i32
    %scan3A_15 = arith.constant 8 : i32
    %scan3A_16 = arith.addi %scan3A_14, %scan3A_15 : i32
    %scan3A_17 = arith.constant 1 : i32
    scf.for %scan3A_50 = %scan3A_14 to %scan3A_16 step %scan3A_17  : i32 {
      %mul3A_51 = arith.constant 2 : i32
      %mul3A_52 = arith.muli %scan3A_50, %mul3A_51 : i32
      %add3A_53 = arith.constant 0 : i32
      %add3A_54 = arith.addi %mul3A_52, %add3A_53 : i32
      %mul3A_55 = arith.constant 16 : i32
      %mul3A_56 = arith.muli %add3A_54, %mul3A_55 : i32
      %add3A_57 = arith.addi %mul3A_2, %mul3A_56 : i32
      %dma_wait3A_58 = arith.constant 0 : i32
      %dma_wait3A_59 = tpu.memref_slice %arg2[%add3A_57, %dma_wait3A_58] : memref<8192x2048xf32, #tpu.memory_space<hbm>> -> memref<16x2048xf32, #tpu.memory_space<hbm>>
      %dma_wait3A_60 = arith.constant 0 : i32
      %dma_wait3A_61 = tpu.memref_slice %arg2[%add3A_57, %dma_wait3A_60] : memref<8192x2048xf32, #tpu.memory_space<hbm>> -> memref<16x2048xf32, #tpu.memory_space<hbm>>
      tpu.wait_dma2 semaphore(%arg12 : memref<!tpu.dma_semaphore, #tpu.memory_space<semaphore_mem>>) src(%dma_wait3A_61 : memref<16x2048xf32, #tpu.memory_space<hbm>>) dst(%arg6 : memref<16x2048xf32, #tpu.memory_space<vmem>>)
      %gt3A = arith.constant 0 : i32
      %gt3A_62 = arith.cmpi sgt, %add3A_54, %gt3A : i32
      %convert_element_type3A = arith.extui %gt3A_62 : i1 to i32
      %cond3A = arith.constant 0 : i32
      %cond3A_63 = arith.cmpi ne, %convert_element_type3A, %cond3A : i32
      scf.if %cond3A_63 {
        %sub3A = arith.constant 1 : i32
        %sub3A_214 = arith.subi %add3A_54, %sub3A : i32
        %mul3A_215 = arith.constant 16 : i32
        %mul3A_216 = arith.muli %sub3A_214, %mul3A_215 : i32
        %add3A_217 = arith.addi %mul3A_2, %mul3A_216 : i32
        %add3A_218 = arith.constant 0 : i32
        %add3A_219 = arith.addi %add3A_217, %add3A_218 : i32
        %dma_wait3A_220 = arith.constant 0 : i32
        %dma_wait3A_221 = tpu.memref_slice %arg4[%add3A_219, %dma_wait3A_220] : memref<8192x2048xf32, #tpu.memory_space<hbm>> -> memref<4x2048xf32, #tpu.memory_space<hbm>>
        %dma_wait3A_222 = arith.constant 0 : i32
        %dma_wait3A_223 = tpu.memref_slice %arg4[%add3A_219, %dma_wait3A_222] : memref<8192x2048xf32, #tpu.memory_space<hbm>> -> memref<4x2048xf32, #tpu.memory_space<hbm>>
        tpu.wait_dma2 semaphore(%arg14 : memref<!tpu.dma_semaphore, #tpu.memory_space<semaphore_mem>>) src(%arg8 : memref<4x2048xf32, #tpu.memory_space<vmem>>) dst(%dma_wait3A_223 : memref<4x2048xf32, #tpu.memory_space<hbm>>)
      } else {
      }
      %parallel_loop3A = arith.constant 0 : i32
      %parallel_loop3A_64 = arith.constant 128 : i32
      %parallel_loop3A_65 = arith.constant 1 : i32
      scf.for %parallel_loop3A_214 = %parallel_loop3A to %parallel_loop3A_64 step %parallel_loop3A_65  : i32 {
        %parallel_loop3A_215 = arith.constant 16 : i32
        %parallel_loop3A_216 = arith.muli %parallel_loop3A_214, %parallel_loop3A_215 : i32
        %parallel_loop3A_217 = arith.index_cast %parallel_loop3A_216 : i32 to index
        %parallel_loop3A_218 = tpu.vector_load %arg5[%parallel_loop3A_217] {strides = array<i32>} : memref<2048xi32, #tpu.memory_space<vmem>>, vector<16xi32>,
        %parallel_loop3A_219 = arith.constant 0 : i32
        %parallel_loop3A_220 = vector.broadcast %parallel_loop3A_219 : i32 to vector<16xi32>
        %parallel_loop3A_221 = tpu.vector_load_idx %arg6[%parallel_loop3A_220, %parallel_loop3A_218] : memref<16x2048xf32, #tpu.memory_space<vmem>>[vector<16xi32>, vector<16xi32>], vector<16xf32>,
        %parallel_loop3A_222 = arith.constant 1 : i32
        %parallel_loop3A_223 = vector.broadcast %parallel_loop3A_222 : i32 to vector<16xi32>
        %parallel_loop3A_224 = tpu.vector_load_idx %arg6[%parallel_loop3A_223, %parallel_loop3A_218] : memref<16x2048xf32, #tpu.memory_space<vmem>>[vector<16xi32>, vector<16xi32>], vector<16xf32>,
        %parallel_loop3A_225 = arith.constant 2 : i32
        %parallel_loop3A_226 = vector.broadcast %parallel_loop3A_225 : i32 to vector<16xi32>
        %parallel_loop3A_227 = tpu.vector_load_idx %arg6[%parallel_loop3A_226, %parallel_loop3A_218] : memref<16x2048xf32, #tpu.memory_space<vmem>>[vector<16xi32>, vector<16xi32>], vector<16xf32>,
        %parallel_loop3A_228 = arith.constant 3 : i32
        %parallel_loop3A_229 = vector.broadcast %parallel_loop3A_228 : i32 to vector<16xi32>
        %parallel_loop3A_230 = tpu.vector_load_idx %arg6[%parallel_loop3A_229, %parallel_loop3A_218] : memref<16x2048xf32, #tpu.memory_space<vmem>>[vector<16xi32>, vector<16xi32>], vector<16xf32>,
        %parallel_loop3A_231 = arith.constant 16 : i32
        %parallel_loop3A_232 = arith.muli %parallel_loop3A_214, %parallel_loop3A_231 : i32
        %parallel_loop3A_233 = arith.constant 0 : i32
        %parallel_loop3A_234 = arith.index_cast %parallel_loop3A_233 : i32 to index
        %parallel_loop3A_235 = arith.index_cast %parallel_loop3A_232 : i32 to index
        %parallel_loop3A_236 = tpu.vector_load %arg8[%parallel_loop3A_234, %parallel_loop3A_235] {strides = array<i32>} : memref<4x2048xf32, #tpu.memory_space<vmem>>, vector<16xf32>,
        tpu.vector_store %arg8[%parallel_loop3A_234, %parallel_loop3A_235], %parallel_loop3A_221 {strides = array<i32>} : memref<4x2048xf32, #tpu.memory_space<vmem>>, vector<16xf32>,
        %parallel_loop3A_237 = arith.constant 16 : i32
        %parallel_loop3A_238 = arith.muli %parallel_loop3A_214, %parallel_loop3A_237 : i32
        %parallel_loop3A_239 = arith.constant 1 : i32
        %parallel_loop3A_240 = arith.index_cast %parallel_loop3A_239 : i32 to index
        %parallel_loop3A_241 = arith.index_cast %parallel_loop3A_238 : i32 to index
        %parallel_loop3A_242 = tpu.vector_load %arg8[%parallel_loop3A_240, %parallel_loop3A_241] {strides = array<i32>} : memref<4x2048xf32, #tpu.memory_space<vmem>>, vector<16xf32>,
        tpu.vector_store %arg8[%parallel_loop3A_240, %parallel_loop3A_241], %parallel_loop3A_224 {strides = array<i32>} : memref<4x2048xf32, #tpu.memory_space<vmem>>, vector<16xf32>,
        %parallel_loop3A_243 = arith.constant 16 : i32
        %parallel_loop3A_244 = arith.muli %parallel_loop3A_214, %parallel_loop3A_243 : i32
        %parallel_loop3A_245 = arith.constant 2 : i32
        %parallel_loop3A_246 = arith.index_cast %parallel_loop3A_245 : i32 to index
        %parallel_loop3A_247 = arith.index_cast %parallel_loop3A_244 : i32 to index
        %parallel_loop3A_248 = tpu.vector_load %arg8[%parallel_loop3A_246, %parallel_loop3A_247] {strides = array<i32>} : memref<4x2048xf32, #tpu.memory_space<vmem>>, vector<16xf32>,
        tpu.vector_store %arg8[%parallel_loop3A_246, %parallel_loop3A_247], %parallel_loop3A_227 {strides = array<i32>} : memref<4x2048xf32, #tpu.memory_space<vmem>>, vector<16xf32>,
        %parallel_loop3A_249 = arith.constant 16 : i32
        %parallel_loop3A_250 = arith.muli %parallel_loop3A_214, %parallel_loop3A_249 : i32
        %parallel_loop3A_251 = arith.constant 3 : i32
        %parallel_loop3A_252 = arith.index_cast %parallel_loop3A_251 : i32 to index
        %parallel_loop3A_253 = arith.index_cast %parallel_loop3A_250 : i32 to index
        %parallel_loop3A_254 = tpu.vector_load %arg8[%parallel_loop3A_252, %parallel_loop3A_253] {strides = array<i32>} : memref<4x2048xf32, #tpu.memory_space<vmem>>, vector<16xf32>,
        tpu.vector_store %arg8[%parallel_loop3A_252, %parallel_loop3A_253], %parallel_loop3A_230 {strides = array<i32>} : memref<4x2048xf32, #tpu.memory_space<vmem>>, vector<16xf32>,
      } {sc.loop_unroll_factor = 4 : i64, sc.parallel_access}
      %mul3A_66 = arith.constant 16 : i32
      %mul3A_67 = arith.muli %add3A_54, %mul3A_66 : i32
      %add3A_68 = arith.addi %mul3A_2, %mul3A_67 : i32
      %add3A_69 = arith.constant 0 : i32
      %add3A_70 = arith.addi %add3A_68, %add3A_69 : i32
      %dma_start3A_71 = arith.constant 0 : i32
      %dma_start3A_72 = tpu.memref_slice %arg4[%add3A_70, %dma_start3A_71] : memref<8192x2048xf32, #tpu.memory_space<hbm>> -> memref<4x2048xf32, #tpu.memory_space<hbm>>
      %dma_start3A_73 = arith.constant 0 : i32
      %dma_start3A_74 = tpu.memref_slice %arg4[%add3A_70, %dma_start3A_73] : memref<8192x2048xf32, #tpu.memory_space<hbm>> -> memref<4x2048xf32, #tpu.memory_space<hbm>>
      tpu.enqueue_dma source(%arg8 : memref<4x2048xf32, #tpu.memory_space<vmem>>) target(%dma_start3A_74 : memref<4x2048xf32, #tpu.memory_space<hbm>>) target_semaphore(%arg14 : memref<!tpu.dma_semaphore, #tpu.memory_space<semaphore_mem>>)
      %gt3A_75 = arith.constant 0 : i32
      %gt3A_76 = arith.cmpi sgt, %add3A_54, %gt3A_75 : i32
      %convert_element_type3A_77 = arith.extui %gt3A_76 : i1 to i32
      %cond3A_78 = arith.constant 0 : i32
      %cond3A_79 = arith.cmpi ne, %convert_element_type3A_77, %cond3A_78 : i32
      scf.if %cond3A_79 {
        %sub3A = arith.constant 1 : i32
        %sub3A_214 = arith.subi %add3A_54, %sub3A : i32
        %mul3A_215 = arith.constant 16 : i32
        %mul3A_216 = arith.muli %sub3A_214, %mul3A_215 : i32
        %add3A_217 = arith.addi %mul3A_2, %mul3A_216 : i32
        %add3A_218 = arith.constant 4 : i32
        %add3A_219 = arith.addi %add3A_217, %add3A_218 : i32
        %dma_wait3A_220 = arith.constant 0 : i32
        %dma_wait3A_221 = tpu.memref_slice %arg4[%add3A_219, %dma_wait3A_220] : memref<8192x2048xf32, #tpu.memory_space<hbm>> -> memref<4x2048xf32, #tpu.memory_space<hbm>>
        %dma_wait3A_222 = arith.constant 0 : i32
        %dma_wait3A_223 = tpu.memref_slice %arg4[%add3A_219, %dma_wait3A_222] : memref<8192x2048xf32, #tpu.memory_space<hbm>> -> memref<4x2048xf32, #tpu.memory_space<hbm>>
        tpu.wait_dma2 semaphore(%arg15 : memref<!tpu.dma_semaphore, #tpu.memory_space<semaphore_mem>>) src(%arg9 : memref<4x2048xf32, #tpu.memory_space<vmem>>) dst(%dma_wait3A_223 : memref<4x2048xf32, #tpu.memory_space<hbm>>)
      } else {
      }
      %parallel_loop3A_80 = arith.constant 0 : i32
      %parallel_loop3A_81 = arith.constant 128 : i32
      %parallel_loop3A_82 = arith.constant 1 : i32
      scf.for %parallel_loop3A_214 = %parallel_loop3A_80 to %parallel_loop3A_81 step %parallel_loop3A_82  : i32 {
        %parallel_loop3A_215 = arith.constant 16 : i32
        %parallel_loop3A_216 = arith.muli %parallel_loop3A_214, %parallel_loop3A_215 : i32
        %parallel_loop3A_217 = arith.index_cast %parallel_loop3A_216 : i32 to index
        %parallel_loop3A_218 = tpu.vector_load %arg5[%parallel_loop3A_217] {strides = array<i32>} : memref<2048xi32, #tpu.memory_space<vmem>>, vector<16xi32>,
        %parallel_loop3A_219 = arith.constant 4 : i32
        %parallel_loop3A_220 = vector.broadcast %parallel_loop3A_219 : i32 to vector<16xi32>
        %parallel_loop3A_221 = tpu.vector_load_idx %arg6[%parallel_loop3A_220, %parallel_loop3A_218] : memref<16x2048xf32, #tpu.memory_space<vmem>>[vector<16xi32>, vector<16xi32>], vector<16xf32>,
        %parallel_loop3A_222 = arith.constant 5 : i32
        %parallel_loop3A_223 = vector.broadcast %parallel_loop3A_222 : i32 to vector<16xi32>
        %parallel_loop3A_224 = tpu.vector_load_idx %arg6[%parallel_loop3A_223, %parallel_loop3A_218] : memref<16x2048xf32, #tpu.memory_space<vmem>>[vector<16xi32>, vector<16xi32>], vector<16xf32>,
        %parallel_loop3A_225 = arith.constant 6 : i32
        %parallel_loop3A_226 = vector.broadcast %parallel_loop3A_225 : i32 to vector<16xi32>
        %parallel_loop3A_227 = tpu.vector_load_idx %arg6[%parallel_loop3A_226, %parallel_loop3A_218] : memref<16x2048xf32, #tpu.memory_space<vmem>>[vector<16xi32>, vector<16xi32>], vector<16xf32>,
        %parallel_loop3A_228 = arith.constant 7 : i32
        %parallel_loop3A_229 = vector.broadcast %parallel_loop3A_228 : i32 to vector<16xi32>
        %parallel_loop3A_230 = tpu.vector_load_idx %arg6[%parallel_loop3A_229, %parallel_loop3A_218] : memref<16x2048xf32, #tpu.memory_space<vmem>>[vector<16xi32>, vector<16xi32>], vector<16xf32>,
        %parallel_loop3A_231 = arith.constant 16 : i32
        %parallel_loop3A_232 = arith.muli %parallel_loop3A_214, %parallel_loop3A_231 : i32
        %parallel_loop3A_233 = arith.constant 0 : i32
        %parallel_loop3A_234 = arith.index_cast %parallel_loop3A_233 : i32 to index
        %parallel_loop3A_235 = arith.index_cast %parallel_loop3A_232 : i32 to index
        %parallel_loop3A_236 = tpu.vector_load %arg9[%parallel_loop3A_234, %parallel_loop3A_235] {strides = array<i32>} : memref<4x2048xf32, #tpu.memory_space<vmem>>, vector<16xf32>,
        tpu.vector_store %arg9[%parallel_loop3A_234, %parallel_loop3A_235], %parallel_loop3A_221 {strides = array<i32>} : memref<4x2048xf32, #tpu.memory_space<vmem>>, vector<16xf32>,
        %parallel_loop3A_237 = arith.constant 16 : i32
        %parallel_loop3A_238 = arith.muli %parallel_loop3A_214, %parallel_loop3A_237 : i32
        %parallel_loop3A_239 = arith.constant 1 : i32
        %parallel_loop3A_240 = arith.index_cast %parallel_loop3A_239 : i32 to index
        %parallel_loop3A_241 = arith.index_cast %parallel_loop3A_238 : i32 to index
        %parallel_loop3A_242 = tpu.vector_load %arg9[%parallel_loop3A_240, %parallel_loop3A_241] {strides = array<i32>} : memref<4x2048xf32, #tpu.memory_space<vmem>>, vector<16xf32>,
        tpu.vector_store %arg9[%parallel_loop3A_240, %parallel_loop3A_241], %parallel_loop3A_224 {strides = array<i32>} : memref<4x2048xf32, #tpu.memory_space<vmem>>, vector<16xf32>,
        %parallel_loop3A_243 = arith.constant 16 : i32
        %parallel_loop3A_244 = arith.muli %parallel_loop3A_214, %parallel_loop3A_243 : i32
        %parallel_loop3A_245 = arith.constant 2 : i32
        %parallel_loop3A_246 = arith.index_cast %parallel_loop3A_245 : i32 to index
        %parallel_loop3A_247 = arith.index_cast %parallel_loop3A_244 : i32 to index
        %parallel_loop3A_248 = tpu.vector_load %arg9[%parallel_loop3A_246, %parallel_loop3A_247] {strides = array<i32>} : memref<4x2048xf32, #tpu.memory_space<vmem>>, vector<16xf32>,
        tpu.vector_store %arg9[%parallel_loop3A_246, %parallel_loop3A_247], %parallel_loop3A_227 {strides = array<i32>} : memref<4x2048xf32, #tpu.memory_space<vmem>>, vector<16xf32>,
        %parallel_loop3A_249 = arith.constant 16 : i32
        %parallel_loop3A_250 = arith.muli %parallel_loop3A_214, %parallel_loop3A_249 : i32
        %parallel_loop3A_251 = arith.constant 3 : i32
        %parallel_loop3A_252 = arith.index_cast %parallel_loop3A_251 : i32 to index
        %parallel_loop3A_253 = arith.index_cast %parallel_loop3A_250 : i32 to index
        %parallel_loop3A_254 = tpu.vector_load %arg9[%parallel_loop3A_252, %parallel_loop3A_253] {strides = array<i32>} : memref<4x2048xf32, #tpu.memory_space<vmem>>, vector<16xf32>,
        tpu.vector_store %arg9[%parallel_loop3A_252, %parallel_loop3A_253], %parallel_loop3A_230 {strides = array<i32>} : memref<4x2048xf32, #tpu.memory_space<vmem>>, vector<16xf32>,
      } {sc.loop_unroll_factor = 4 : i64, sc.parallel_access}
      %mul3A_83 = arith.constant 16 : i32
      %mul3A_84 = arith.muli %add3A_54, %mul3A_83 : i32
      %add3A_85 = arith.addi %mul3A_2, %mul3A_84 : i32
      %add3A_86 = arith.constant 4 : i32
      %add3A_87 = arith.addi %add3A_85, %add3A_86 : i32
      %dma_start3A_88 = arith.constant 0 : i32
      %dma_start3A_89 = tpu.memref_slice %arg4[%add3A_87, %dma_start3A_88] : memref<8192x2048xf32, #tpu.memory_space<hbm>> -> memref<4x2048xf32, #tpu.memory_space<hbm>>
      %dma_start3A_90 = arith.constant 0 : i32
      %dma_start3A_91 = tpu.memref_slice %arg4[%add3A_87, %dma_start3A_90] : memref<8192x2048xf32, #tpu.memory_space<hbm>> -> memref<4x2048xf32, #tpu.memory_space<hbm>>
      tpu.enqueue_dma source(%arg9 : memref<4x2048xf32, #tpu.memory_space<vmem>>) target(%dma_start3A_91 : memref<4x2048xf32, #tpu.memory_space<hbm>>) target_semaphore(%arg15 : memref<!tpu.dma_semaphore, #tpu.memory_space<semaphore_mem>>)
      %gt3A_92 = arith.constant 0 : i32
      %gt3A_93 = arith.cmpi sgt, %add3A_54, %gt3A_92 : i32
      %convert_element_type3A_94 = arith.extui %gt3A_93 : i1 to i32
      %cond3A_95 = arith.constant 0 : i32
      %cond3A_96 = arith.cmpi ne, %convert_element_type3A_94, %cond3A_95 : i32
      scf.if %cond3A_96 {
        %sub3A = arith.constant 1 : i32
        %sub3A_214 = arith.subi %add3A_54, %sub3A : i32
        %mul3A_215 = arith.constant 16 : i32
        %mul3A_216 = arith.muli %sub3A_214, %mul3A_215 : i32
        %add3A_217 = arith.addi %mul3A_2, %mul3A_216 : i32
        %add3A_218 = arith.constant 8 : i32
        %add3A_219 = arith.addi %add3A_217, %add3A_218 : i32
        %dma_wait3A_220 = arith.constant 0 : i32
        %dma_wait3A_221 = tpu.memref_slice %arg4[%add3A_219, %dma_wait3A_220] : memref<8192x2048xf32, #tpu.memory_space<hbm>> -> memref<4x2048xf32, #tpu.memory_space<hbm>>
        %dma_wait3A_222 = arith.constant 0 : i32
        %dma_wait3A_223 = tpu.memref_slice %arg4[%add3A_219, %dma_wait3A_222] : memref<8192x2048xf32, #tpu.memory_space<hbm>> -> memref<4x2048xf32, #tpu.memory_space<hbm>>
        tpu.wait_dma2 semaphore(%arg16 : memref<!tpu.dma_semaphore, #tpu.memory_space<semaphore_mem>>) src(%arg10 : memref<4x2048xf32, #tpu.memory_space<vmem>>) dst(%dma_wait3A_223 : memref<4x2048xf32, #tpu.memory_space<hbm>>)
      } else {
      }
      %parallel_loop3A_97 = arith.constant 0 : i32
      %parallel_loop3A_98 = arith.constant 128 : i32
      %parallel_loop3A_99 = arith.constant 1 : i32
      scf.for %parallel_loop3A_214 = %parallel_loop3A_97 to %parallel_loop3A_98 step %parallel_loop3A_99  : i32 {
        %parallel_loop3A_215 = arith.constant 16 : i32
        %parallel_loop3A_216 = arith.muli %parallel_loop3A_214, %parallel_loop3A_215 : i32
        %parallel_loop3A_217 = arith.index_cast %parallel_loop3A_216 : i32 to index
        %parallel_loop3A_218 = tpu.vector_load %arg5[%parallel_loop3A_217] {strides = array<i32>} : memref<2048xi32, #tpu.memory_space<vmem>>, vector<16xi32>,
        %parallel_loop3A_219 = arith.constant 8 : i32
        %parallel_loop3A_220 = vector.broadcast %parallel_loop3A_219 : i32 to vector<16xi32>
        %parallel_loop3A_221 = tpu.vector_load_idx %arg6[%parallel_loop3A_220, %parallel_loop3A_218] : memref<16x2048xf32, #tpu.memory_space<vmem>>[vector<16xi32>, vector<16xi32>], vector<16xf32>,
        %parallel_loop3A_222 = arith.constant 9 : i32
        %parallel_loop3A_223 = vector.broadcast %parallel_loop3A_222 : i32 to vector<16xi32>
        %parallel_loop3A_224 = tpu.vector_load_idx %arg6[%parallel_loop3A_223, %parallel_loop3A_218] : memref<16x2048xf32, #tpu.memory_space<vmem>>[vector<16xi32>, vector<16xi32>], vector<16xf32>,
        %parallel_loop3A_225 = arith.constant 10 : i32
        %parallel_loop3A_226 = vector.broadcast %parallel_loop3A_225 : i32 to vector<16xi32>
        %parallel_loop3A_227 = tpu.vector_load_idx %arg6[%parallel_loop3A_226, %parallel_loop3A_218] : memref<16x2048xf32, #tpu.memory_space<vmem>>[vector<16xi32>, vector<16xi32>], vector<16xf32>,
        %parallel_loop3A_228 = arith.constant 11 : i32
        %parallel_loop3A_229 = vector.broadcast %parallel_loop3A_228 : i32 to vector<16xi32>
        %parallel_loop3A_230 = tpu.vector_load_idx %arg6[%parallel_loop3A_229, %parallel_loop3A_218] : memref<16x2048xf32, #tpu.memory_space<vmem>>[vector<16xi32>, vector<16xi32>], vector<16xf32>,
        %parallel_loop3A_231 = arith.constant 16 : i32
        %parallel_loop3A_232 = arith.muli %parallel_loop3A_214, %parallel_loop3A_231 : i32
        %parallel_loop3A_233 = arith.constant 0 : i32
        %parallel_loop3A_234 = arith.index_cast %parallel_loop3A_233 : i32 to index
        %parallel_loop3A_235 = arith.index_cast %parallel_loop3A_232 : i32 to index
        %parallel_loop3A_236 = tpu.vector_load %arg10[%parallel_loop3A_234, %parallel_loop3A_235] {strides = array<i32>} : memref<4x2048xf32, #tpu.memory_space<vmem>>, vector<16xf32>,
        tpu.vector_store %arg10[%parallel_loop3A_234, %parallel_loop3A_235], %parallel_loop3A_221 {strides = array<i32>} : memref<4x2048xf32, #tpu.memory_space<vmem>>, vector<16xf32>,
        %parallel_loop3A_237 = arith.constant 16 : i32
        %parallel_loop3A_238 = arith.muli %parallel_loop3A_214, %parallel_loop3A_237 : i32
        %parallel_loop3A_239 = arith.constant 1 : i32
        %parallel_loop3A_240 = arith.index_cast %parallel_loop3A_239 : i32 to index
        %parallel_loop3A_241 = arith.index_cast %parallel_loop3A_238 : i32 to index
        %parallel_loop3A_242 = tpu.vector_load %arg10[%parallel_loop3A_240, %parallel_loop3A_241] {strides = array<i32>} : memref<4x2048xf32, #tpu.memory_space<vmem>>, vector<16xf32>,
        tpu.vector_store %arg10[%parallel_loop3A_240, %parallel_loop3A_241], %parallel_loop3A_224 {strides = array<i32>} : memref<4x2048xf32, #tpu.memory_space<vmem>>, vector<16xf32>,
        %parallel_loop3A_243 = arith.constant 16 : i32
        %parallel_loop3A_244 = arith.muli %parallel_loop3A_214, %parallel_loop3A_243 : i32
        %parallel_loop3A_245 = arith.constant 2 : i32
        %parallel_loop3A_246 = arith.index_cast %parallel_loop3A_245 : i32 to index
        %parallel_loop3A_247 = arith.index_cast %parallel_loop3A_244 : i32 to index
        %parallel_loop3A_248 = tpu.vector_load %arg10[%parallel_loop3A_246, %parallel_loop3A_247] {strides = array<i32>} : memref<4x2048xf32, #tpu.memory_space<vmem>>, vector<16xf32>,
        tpu.vector_store %arg10[%parallel_loop3A_246, %parallel_loop3A_247], %parallel_loop3A_227 {strides = array<i32>} : memref<4x2048xf32, #tpu.memory_space<vmem>>, vector<16xf32>,
        %parallel_loop3A_249 = arith.constant 16 : i32
        %parallel_loop3A_250 = arith.muli %parallel_loop3A_214, %parallel_loop3A_249 : i32
        %parallel_loop3A_251 = arith.constant 3 : i32
        %parallel_loop3A_252 = arith.index_cast %parallel_loop3A_251 : i32 to index
        %parallel_loop3A_253 = arith.index_cast %parallel_loop3A_250 : i32 to index
        %parallel_loop3A_254 = tpu.vector_load %arg10[%parallel_loop3A_252, %parallel_loop3A_253] {strides = array<i32>} : memref<4x2048xf32, #tpu.memory_space<vmem>>, vector<16xf32>,
        tpu.vector_store %arg10[%parallel_loop3A_252, %parallel_loop3A_253], %parallel_loop3A_230 {strides = array<i32>} : memref<4x2048xf32, #tpu.memory_space<vmem>>, vector<16xf32>,
      } {sc.loop_unroll_factor = 4 : i64, sc.parallel_access}
      %mul3A_100 = arith.constant 16 : i32
      %mul3A_101 = arith.muli %add3A_54, %mul3A_100 : i32
      %add3A_102 = arith.addi %mul3A_2, %mul3A_101 : i32
      %add3A_103 = arith.constant 8 : i32
      %add3A_104 = arith.addi %add3A_102, %add3A_103 : i32
      %dma_start3A_105 = arith.constant 0 : i32
      %dma_start3A_106 = tpu.memref_slice %arg4[%add3A_104, %dma_start3A_105] : memref<8192x2048xf32, #tpu.memory_space<hbm>> -> memref<4x2048xf32, #tpu.memory_space<hbm>>
      %dma_start3A_107 = arith.constant 0 : i32
      %dma_start3A_108 = tpu.memref_slice %arg4[%add3A_104, %dma_start3A_107] : memref<8192x2048xf32, #tpu.memory_space<hbm>> -> memref<4x2048xf32, #tpu.memory_space<hbm>>
      tpu.enqueue_dma source(%arg10 : memref<4x2048xf32, #tpu.memory_space<vmem>>) target(%dma_start3A_108 : memref<4x2048xf32, #tpu.memory_space<hbm>>) target_semaphore(%arg16 : memref<!tpu.dma_semaphore, #tpu.memory_space<semaphore_mem>>)
      %gt3A_109 = arith.constant 0 : i32
      %gt3A_110 = arith.cmpi sgt, %add3A_54, %gt3A_109 : i32
      %convert_element_type3A_111 = arith.extui %gt3A_110 : i1 to i32
      %cond3A_112 = arith.constant 0 : i32
      %cond3A_113 = arith.cmpi ne, %convert_element_type3A_111, %cond3A_112 : i32
      scf.if %cond3A_113 {
        %sub3A = arith.constant 1 : i32
        %sub3A_214 = arith.subi %add3A_54, %sub3A : i32
        %mul3A_215 = arith.constant 16 : i32
        %mul3A_216 = arith.muli %sub3A_214, %mul3A_215 : i32
        %add3A_217 = arith.addi %mul3A_2, %mul3A_216 : i32
        %add3A_218 = arith.constant 12 : i32
        %add3A_219 = arith.addi %add3A_217, %add3A_218 : i32
        %dma_wait3A_220 = arith.constant 0 : i32
        %dma_wait3A_221 = tpu.memref_slice %arg4[%add3A_219, %dma_wait3A_220] : memref<8192x2048xf32, #tpu.memory_space<hbm>> -> memref<4x2048xf32, #tpu.memory_space<hbm>>
        %dma_wait3A_222 = arith.constant 0 : i32
        %dma_wait3A_223 = tpu.memref_slice %arg4[%add3A_219, %dma_wait3A_222] : memref<8192x2048xf32, #tpu.memory_space<hbm>> -> memref<4x2048xf32, #tpu.memory_space<hbm>>
        tpu.wait_dma2 semaphore(%arg17 : memref<!tpu.dma_semaphore, #tpu.memory_space<semaphore_mem>>) src(%arg11 : memref<4x2048xf32, #tpu.memory_space<vmem>>) dst(%dma_wait3A_223 : memref<4x2048xf32, #tpu.memory_space<hbm>>)
      } else {
      }
      %parallel_loop3A_114 = arith.constant 0 : i32
      %parallel_loop3A_115 = arith.constant 128 : i32
      %parallel_loop3A_116 = arith.constant 1 : i32
      scf.for %parallel_loop3A_214 = %parallel_loop3A_114 to %parallel_loop3A_115 step %parallel_loop3A_116  : i32 {
        %parallel_loop3A_215 = arith.constant 16 : i32
        %parallel_loop3A_216 = arith.muli %parallel_loop3A_214, %parallel_loop3A_215 : i32
        %parallel_loop3A_217 = arith.index_cast %parallel_loop3A_216 : i32 to index
        %parallel_loop3A_218 = tpu.vector_load %arg5[%parallel_loop3A_217] {strides = array<i32>} : memref<2048xi32, #tpu.memory_space<vmem>>, vector<16xi32>,
        %parallel_loop3A_219 = arith.constant 12 : i32
        %parallel_loop3A_220 = vector.broadcast %parallel_loop3A_219 : i32 to vector<16xi32>
        %parallel_loop3A_221 = tpu.vector_load_idx %arg6[%parallel_loop3A_220, %parallel_loop3A_218] : memref<16x2048xf32, #tpu.memory_space<vmem>>[vector<16xi32>, vector<16xi32>], vector<16xf32>,
        %parallel_loop3A_222 = arith.constant 13 : i32
        %parallel_loop3A_223 = vector.broadcast %parallel_loop3A_222 : i32 to vector<16xi32>
        %parallel_loop3A_224 = tpu.vector_load_idx %arg6[%parallel_loop3A_223, %parallel_loop3A_218] : memref<16x2048xf32, #tpu.memory_space<vmem>>[vector<16xi32>, vector<16xi32>], vector<16xf32>,
        %parallel_loop3A_225 = arith.constant 14 : i32
        %parallel_loop3A_226 = vector.broadcast %parallel_loop3A_225 : i32 to vector<16xi32>
        %parallel_loop3A_227 = tpu.vector_load_idx %arg6[%parallel_loop3A_226, %parallel_loop3A_218] : memref<16x2048xf32, #tpu.memory_space<vmem>>[vector<16xi32>, vector<16xi32>], vector<16xf32>,
        %parallel_loop3A_228 = arith.constant 15 : i32
        %parallel_loop3A_229 = vector.broadcast %parallel_loop3A_228 : i32 to vector<16xi32>
        %parallel_loop3A_230 = tpu.vector_load_idx %arg6[%parallel_loop3A_229, %parallel_loop3A_218] : memref<16x2048xf32, #tpu.memory_space<vmem>>[vector<16xi32>, vector<16xi32>], vector<16xf32>,
        %parallel_loop3A_231 = arith.constant 16 : i32
        %parallel_loop3A_232 = arith.muli %parallel_loop3A_214, %parallel_loop3A_231 : i32
        %parallel_loop3A_233 = arith.constant 0 : i32
        %parallel_loop3A_234 = arith.index_cast %parallel_loop3A_233 : i32 to index
        %parallel_loop3A_235 = arith.index_cast %parallel_loop3A_232 : i32 to index
        %parallel_loop3A_236 = tpu.vector_load %arg11[%parallel_loop3A_234, %parallel_loop3A_235] {strides = array<i32>} : memref<4x2048xf32, #tpu.memory_space<vmem>>, vector<16xf32>,
        tpu.vector_store %arg11[%parallel_loop3A_234, %parallel_loop3A_235], %parallel_loop3A_221 {strides = array<i32>} : memref<4x2048xf32, #tpu.memory_space<vmem>>, vector<16xf32>,
        %parallel_loop3A_237 = arith.constant 16 : i32
        %parallel_loop3A_238 = arith.muli %parallel_loop3A_214, %parallel_loop3A_237 : i32
        %parallel_loop3A_239 = arith.constant 1 : i32
        %parallel_loop3A_240 = arith.index_cast %parallel_loop3A_239 : i32 to index
        %parallel_loop3A_241 = arith.index_cast %parallel_loop3A_238 : i32 to index
        %parallel_loop3A_242 = tpu.vector_load %arg11[%parallel_loop3A_240, %parallel_loop3A_241] {strides = array<i32>} : memref<4x2048xf32, #tpu.memory_space<vmem>>, vector<16xf32>,
        tpu.vector_store %arg11[%parallel_loop3A_240, %parallel_loop3A_241], %parallel_loop3A_224 {strides = array<i32>} : memref<4x2048xf32, #tpu.memory_space<vmem>>, vector<16xf32>,
        %parallel_loop3A_243 = arith.constant 16 : i32
        %parallel_loop3A_244 = arith.muli %parallel_loop3A_214, %parallel_loop3A_243 : i32
        %parallel_loop3A_245 = arith.constant 2 : i32
        %parallel_loop3A_246 = arith.index_cast %parallel_loop3A_245 : i32 to index
        %parallel_loop3A_247 = arith.index_cast %parallel_loop3A_244 : i32 to index
        %parallel_loop3A_248 = tpu.vector_load %arg11[%parallel_loop3A_246, %parallel_loop3A_247] {strides = array<i32>} : memref<4x2048xf32, #tpu.memory_space<vmem>>, vector<16xf32>,
        tpu.vector_store %arg11[%parallel_loop3A_246, %parallel_loop3A_247], %parallel_loop3A_227 {strides = array<i32>} : memref<4x2048xf32, #tpu.memory_space<vmem>>, vector<16xf32>,
        %parallel_loop3A_249 = arith.constant 16 : i32
        %parallel_loop3A_250 = arith.muli %parallel_loop3A_214, %parallel_loop3A_249 : i32
        %parallel_loop3A_251 = arith.constant 3 : i32
        %parallel_loop3A_252 = arith.index_cast %parallel_loop3A_251 : i32 to index
        %parallel_loop3A_253 = arith.index_cast %parallel_loop3A_250 : i32 to index
        %parallel_loop3A_254 = tpu.vector_load %arg11[%parallel_loop3A_252, %parallel_loop3A_253] {strides = array<i32>} : memref<4x2048xf32, #tpu.memory_space<vmem>>, vector<16xf32>,
        tpu.vector_store %arg11[%parallel_loop3A_252, %parallel_loop3A_253], %parallel_loop3A_230 {strides = array<i32>} : memref<4x2048xf32, #tpu.memory_space<vmem>>, vector<16xf32>,
      } {sc.loop_unroll_factor = 4 : i64, sc.parallel_access}
      %mul3A_117 = arith.constant 16 : i32
      %mul3A_118 = arith.muli %add3A_54, %mul3A_117 : i32
      %add3A_119 = arith.addi %mul3A_2, %mul3A_118 : i32
      %add3A_120 = arith.constant 12 : i32
      %add3A_121 = arith.addi %add3A_119, %add3A_120 : i32
      %dma_start3A_122 = arith.constant 0 : i32
      %dma_start3A_123 = tpu.memref_slice %arg4[%add3A_121, %dma_start3A_122] : memref<8192x2048xf32, #tpu.memory_space<hbm>> -> memref<4x2048xf32, #tpu.memory_space<hbm>>
      %dma_start3A_124 = arith.constant 0 : i32
      %dma_start3A_125 = tpu.memref_slice %arg4[%add3A_121, %dma_start3A_124] : memref<8192x2048xf32, #tpu.memory_space<hbm>> -> memref<4x2048xf32, #tpu.memory_space<hbm>>
      tpu.enqueue_dma source(%arg11 : memref<4x2048xf32, #tpu.memory_space<vmem>>) target(%dma_start3A_125 : memref<4x2048xf32, #tpu.memory_space<hbm>>) target_semaphore(%arg17 : memref<!tpu.dma_semaphore, #tpu.memory_space<semaphore_mem>>)
      %lt3A = arith.constant 7 : i32
      %lt3A_126 = arith.cmpi slt, %scan3A_50, %lt3A : i32
      %convert_element_type3A_127 = arith.extui %lt3A_126 : i1 to i32
      %cond3A_128 = arith.constant 0 : i32
      %cond3A_129 = arith.cmpi ne, %convert_element_type3A_127, %cond3A_128 : i32
      scf.if %cond3A_129 {
        %add3A_214 = arith.constant 2 : i32
        %add3A_215 = arith.addi %add3A_54, %add3A_214 : i32
        %mul3A_216 = arith.constant 16 : i32
        %mul3A_217 = arith.muli %add3A_215, %mul3A_216 : i32
        %add3A_218 = arith.addi %mul3A_2, %mul3A_217 : i32
        %dma_start3A_219 = arith.constant 0 : i32
        %dma_start3A_220 = tpu.memref_slice %arg2[%add3A_218, %dma_start3A_219] : memref<8192x2048xf32, #tpu.memory_space<hbm>> -> memref<16x2048xf32, #tpu.memory_space<hbm>>
        %dma_start3A_221 = arith.constant 0 : i32
        %dma_start3A_222 = tpu.memref_slice %arg2[%add3A_218, %dma_start3A_221] : memref<8192x2048xf32, #tpu.memory_space<hbm>> -> memref<16x2048xf32, #tpu.memory_space<hbm>>
        tpu.enqueue_dma source(%dma_start3A_222 : memref<16x2048xf32, #tpu.memory_space<hbm>>) target(%arg6 : memref<16x2048xf32, #tpu.memory_space<vmem>>) target_semaphore(%arg12 : memref<!tpu.dma_semaphore, #tpu.memory_space<semaphore_mem>>)
      } else {
      }
      %mul3A_130 = arith.constant 2 : i32
      %mul3A_131 = arith.muli %scan3A_50, %mul3A_130 : i32
      %add3A_132 = arith.constant 1 : i32
      %add3A_133 = arith.addi %mul3A_131, %add3A_132 : i32
      %mul3A_134 = arith.constant 16 : i32
      %mul3A_135 = arith.muli %add3A_133, %mul3A_134 : i32
      %add3A_136 = arith.addi %mul3A_2, %mul3A_135 : i32
      %dma_wait3A_137 = arith.constant 0 : i32
      %dma_wait3A_138 = tpu.memref_slice %arg2[%add3A_136, %dma_wait3A_137] : memref<8192x2048xf32, #tpu.memory_space<hbm>> -> memref<16x2048xf32, #tpu.memory_space<hbm>>
      %dma_wait3A_139 = arith.constant 0 : i32
      %dma_wait3A_140 = tpu.memref_slice %arg2[%add3A_136, %dma_wait3A_139] : memref<8192x2048xf32, #tpu.memory_space<hbm>> -> memref<16x2048xf32, #tpu.memory_space<hbm>>
      tpu.wait_dma2 semaphore(%arg13 : memref<!tpu.dma_semaphore, #tpu.memory_space<semaphore_mem>>) src(%dma_wait3A_140 : memref<16x2048xf32, #tpu.memory_space<hbm>>) dst(%arg7 : memref<16x2048xf32, #tpu.memory_space<vmem>>)
      %gt3A_141 = arith.constant 0 : i32
      %gt3A_142 = arith.cmpi sgt, %add3A_133, %gt3A_141 : i32
      %convert_element_type3A_143 = arith.extui %gt3A_142 : i1 to i32
      %cond3A_144 = arith.constant 0 : i32
      %cond3A_145 = arith.cmpi ne, %convert_element_type3A_143, %cond3A_144 : i32
      scf.if %cond3A_145 {
        %sub3A = arith.constant 1 : i32
        %sub3A_214 = arith.subi %add3A_133, %sub3A : i32
        %mul3A_215 = arith.constant 16 : i32
        %mul3A_216 = arith.muli %sub3A_214, %mul3A_215 : i32
        %add3A_217 = arith.addi %mul3A_2, %mul3A_216 : i32
        %add3A_218 = arith.constant 0 : i32
        %add3A_219 = arith.addi %add3A_217, %add3A_218 : i32
        %dma_wait3A_220 = arith.constant 0 : i32
        %dma_wait3A_221 = tpu.memref_slice %arg4[%add3A_219, %dma_wait3A_220] : memref<8192x2048xf32, #tpu.memory_space<hbm>> -> memref<4x2048xf32, #tpu.memory_space<hbm>>
        %dma_wait3A_222 = arith.constant 0 : i32
        %dma_wait3A_223 = tpu.memref_slice %arg4[%add3A_219, %dma_wait3A_222] : memref<8192x2048xf32, #tpu.memory_space<hbm>> -> memref<4x2048xf32, #tpu.memory_space<hbm>>
        tpu.wait_dma2 semaphore(%arg14 : memref<!tpu.dma_semaphore, #tpu.memory_space<semaphore_mem>>) src(%arg8 : memref<4x2048xf32, #tpu.memory_space<vmem>>) dst(%dma_wait3A_223 : memref<4x2048xf32, #tpu.memory_space<hbm>>)
      } else {
      }
      %parallel_loop3A_146 = arith.constant 0 : i32
      %parallel_loop3A_147 = arith.constant 128 : i32
      %parallel_loop3A_148 = arith.constant 1 : i32
      scf.for %parallel_loop3A_214 = %parallel_loop3A_146 to %parallel_loop3A_147 step %parallel_loop3A_148  : i32 {
        %parallel_loop3A_215 = arith.constant 16 : i32
        %parallel_loop3A_216 = arith.muli %parallel_loop3A_214, %parallel_loop3A_215 : i32
        %parallel_loop3A_217 = arith.index_cast %parallel_loop3A_216 : i32 to index
        %parallel_loop3A_218 = tpu.vector_load %arg5[%parallel_loop3A_217] {strides = array<i32>} : memref<2048xi32, #tpu.memory_space<vmem>>, vector<16xi32>,
        %parallel_loop3A_219 = arith.constant 0 : i32
        %parallel_loop3A_220 = vector.broadcast %parallel_loop3A_219 : i32 to vector<16xi32>
        %parallel_loop3A_221 = tpu.vector_load_idx %arg7[%parallel_loop3A_220, %parallel_loop3A_218] : memref<16x2048xf32, #tpu.memory_space<vmem>>[vector<16xi32>, vector<16xi32>], vector<16xf32>,
        %parallel_loop3A_222 = arith.constant 1 : i32
        %parallel_loop3A_223 = vector.broadcast %parallel_loop3A_222 : i32 to vector<16xi32>
        %parallel_loop3A_224 = tpu.vector_load_idx %arg7[%parallel_loop3A_223, %parallel_loop3A_218] : memref<16x2048xf32, #tpu.memory_space<vmem>>[vector<16xi32>, vector<16xi32>], vector<16xf32>,
        %parallel_loop3A_225 = arith.constant 2 : i32
        %parallel_loop3A_226 = vector.broadcast %parallel_loop3A_225 : i32 to vector<16xi32>
        %parallel_loop3A_227 = tpu.vector_load_idx %arg7[%parallel_loop3A_226, %parallel_loop3A_218] : memref<16x2048xf32, #tpu.memory_space<vmem>>[vector<16xi32>, vector<16xi32>], vector<16xf32>,
        %parallel_loop3A_228 = arith.constant 3 : i32
        %parallel_loop3A_229 = vector.broadcast %parallel_loop3A_228 : i32 to vector<16xi32>
        %parallel_loop3A_230 = tpu.vector_load_idx %arg7[%parallel_loop3A_229, %parallel_loop3A_218] : memref<16x2048xf32, #tpu.memory_space<vmem>>[vector<16xi32>, vector<16xi32>], vector<16xf32>,
        %parallel_loop3A_231 = arith.constant 16 : i32
        %parallel_loop3A_232 = arith.muli %parallel_loop3A_214, %parallel_loop3A_231 : i32
        %parallel_loop3A_233 = arith.constant 0 : i32
        %parallel_loop3A_234 = arith.index_cast %parallel_loop3A_233 : i32 to index
        %parallel_loop3A_235 = arith.index_cast %parallel_loop3A_232 : i32 to index
        %parallel_loop3A_236 = tpu.vector_load %arg8[%parallel_loop3A_234, %parallel_loop3A_235] {strides = array<i32>} : memref<4x2048xf32, #tpu.memory_space<vmem>>, vector<16xf32>,
        tpu.vector_store %arg8[%parallel_loop3A_234, %parallel_loop3A_235], %parallel_loop3A_221 {strides = array<i32>} : memref<4x2048xf32, #tpu.memory_space<vmem>>, vector<16xf32>,
        %parallel_loop3A_237 = arith.constant 16 : i32
        %parallel_loop3A_238 = arith.muli %parallel_loop3A_214, %parallel_loop3A_237 : i32
        %parallel_loop3A_239 = arith.constant 1 : i32
        %parallel_loop3A_240 = arith.index_cast %parallel_loop3A_239 : i32 to index
        %parallel_loop3A_241 = arith.index_cast %parallel_loop3A_238 : i32 to index
        %parallel_loop3A_242 = tpu.vector_load %arg8[%parallel_loop3A_240, %parallel_loop3A_241] {strides = array<i32>} : memref<4x2048xf32, #tpu.memory_space<vmem>>, vector<16xf32>,
        tpu.vector_store %arg8[%parallel_loop3A_240, %parallel_loop3A_241], %parallel_loop3A_224 {strides = array<i32>} : memref<4x2048xf32, #tpu.memory_space<vmem>>, vector<16xf32>,
        %parallel_loop3A_243 = arith.constant 16 : i32
        %parallel_loop3A_244 = arith.muli %parallel_loop3A_214, %parallel_loop3A_243 : i32
        %parallel_loop3A_245 = arith.constant 2 : i32
        %parallel_loop3A_246 = arith.index_cast %parallel_loop3A_245 : i32 to index
        %parallel_loop3A_247 = arith.index_cast %parallel_loop3A_244 : i32 to index
        %parallel_loop3A_248 = tpu.vector_load %arg8[%parallel_loop3A_246, %parallel_loop3A_247] {strides = array<i32>} : memref<4x2048xf32, #tpu.memory_space<vmem>>, vector<16xf32>,
        tpu.vector_store %arg8[%parallel_loop3A_246, %parallel_loop3A_247], %parallel_loop3A_227 {strides = array<i32>} : memref<4x2048xf32, #tpu.memory_space<vmem>>, vector<16xf32>,
        %parallel_loop3A_249 = arith.constant 16 : i32
        %parallel_loop3A_250 = arith.muli %parallel_loop3A_214, %parallel_loop3A_249 : i32
        %parallel_loop3A_251 = arith.constant 3 : i32
        %parallel_loop3A_252 = arith.index_cast %parallel_loop3A_251 : i32 to index
        %parallel_loop3A_253 = arith.index_cast %parallel_loop3A_250 : i32 to index
        %parallel_loop3A_254 = tpu.vector_load %arg8[%parallel_loop3A_252, %parallel_loop3A_253] {strides = array<i32>} : memref<4x2048xf32, #tpu.memory_space<vmem>>, vector<16xf32>,
        tpu.vector_store %arg8[%parallel_loop3A_252, %parallel_loop3A_253], %parallel_loop3A_230 {strides = array<i32>} : memref<4x2048xf32, #tpu.memory_space<vmem>>, vector<16xf32>,
      } {sc.loop_unroll_factor = 4 : i64, sc.parallel_access}
      %mul3A_149 = arith.constant 16 : i32
      %mul3A_150 = arith.muli %add3A_133, %mul3A_149 : i32
      %add3A_151 = arith.addi %mul3A_2, %mul3A_150 : i32
      %add3A_152 = arith.constant 0 : i32
      %add3A_153 = arith.addi %add3A_151, %add3A_152 : i32
      %dma_start3A_154 = arith.constant 0 : i32
      %dma_start3A_155 = tpu.memref_slice %arg4[%add3A_153, %dma_start3A_154] : memref<8192x2048xf32, #tpu.memory_space<hbm>> -> memref<4x2048xf32, #tpu.memory_space<hbm>>
      %dma_start3A_156 = arith.constant 0 : i32
      %dma_start3A_157 = tpu.memref_slice %arg4[%add3A_153, %dma_start3A_156] : memref<8192x2048xf32, #tpu.memory_space<hbm>> -> memref<4x2048xf32, #tpu.memory_space<hbm>>
      tpu.enqueue_dma source(%arg8 : memref<4x2048xf32, #tpu.memory_space<vmem>>) target(%dma_start3A_157 : memref<4x2048xf32, #tpu.memory_space<hbm>>) target_semaphore(%arg14 : memref<!tpu.dma_semaphore, #tpu.memory_space<semaphore_mem>>)
      %gt3A_158 = arith.constant 0 : i32
      %gt3A_159 = arith.cmpi sgt, %add3A_133, %gt3A_158 : i32
      %convert_element_type3A_160 = arith.extui %gt3A_159 : i1 to i32
      %cond3A_161 = arith.constant 0 : i32
      %cond3A_162 = arith.cmpi ne, %convert_element_type3A_160, %cond3A_161 : i32
      scf.if %cond3A_162 {
        %sub3A = arith.constant 1 : i32
        %sub3A_214 = arith.subi %add3A_133, %sub3A : i32
        %mul3A_215 = arith.constant 16 : i32
        %mul3A_216 = arith.muli %sub3A_214, %mul3A_215 : i32
        %add3A_217 = arith.addi %mul3A_2, %mul3A_216 : i32
        %add3A_218 = arith.constant 4 : i32
        %add3A_219 = arith.addi %add3A_217, %add3A_218 : i32
        %dma_wait3A_220 = arith.constant 0 : i32
        %dma_wait3A_221 = tpu.memref_slice %arg4[%add3A_219, %dma_wait3A_220] : memref<8192x2048xf32, #tpu.memory_space<hbm>> -> memref<4x2048xf32, #tpu.memory_space<hbm>>
        %dma_wait3A_222 = arith.constant 0 : i32
        %dma_wait3A_223 = tpu.memref_slice %arg4[%add3A_219, %dma_wait3A_222] : memref<8192x2048xf32, #tpu.memory_space<hbm>> -> memref<4x2048xf32, #tpu.memory_space<hbm>>
        tpu.wait_dma2 semaphore(%arg15 : memref<!tpu.dma_semaphore, #tpu.memory_space<semaphore_mem>>) src(%arg9 : memref<4x2048xf32, #tpu.memory_space<vmem>>) dst(%dma_wait3A_223 : memref<4x2048xf32, #tpu.memory_space<hbm>>)
      } else {
      }
      %parallel_loop3A_163 = arith.constant 0 : i32
      %parallel_loop3A_164 = arith.constant 128 : i32
      %parallel_loop3A_165 = arith.constant 1 : i32
      scf.for %parallel_loop3A_214 = %parallel_loop3A_163 to %parallel_loop3A_164 step %parallel_loop3A_165  : i32 {
        %parallel_loop3A_215 = arith.constant 16 : i32
        %parallel_loop3A_216 = arith.muli %parallel_loop3A_214, %parallel_loop3A_215 : i32
        %parallel_loop3A_217 = arith.index_cast %parallel_loop3A_216 : i32 to index
        %parallel_loop3A_218 = tpu.vector_load %arg5[%parallel_loop3A_217] {strides = array<i32>} : memref<2048xi32, #tpu.memory_space<vmem>>, vector<16xi32>,
        %parallel_loop3A_219 = arith.constant 4 : i32
        %parallel_loop3A_220 = vector.broadcast %parallel_loop3A_219 : i32 to vector<16xi32>
        %parallel_loop3A_221 = tpu.vector_load_idx %arg7[%parallel_loop3A_220, %parallel_loop3A_218] : memref<16x2048xf32, #tpu.memory_space<vmem>>[vector<16xi32>, vector<16xi32>], vector<16xf32>,
        %parallel_loop3A_222 = arith.constant 5 : i32
        %parallel_loop3A_223 = vector.broadcast %parallel_loop3A_222 : i32 to vector<16xi32>
        %parallel_loop3A_224 = tpu.vector_load_idx %arg7[%parallel_loop3A_223, %parallel_loop3A_218] : memref<16x2048xf32, #tpu.memory_space<vmem>>[vector<16xi32>, vector<16xi32>], vector<16xf32>,
        %parallel_loop3A_225 = arith.constant 6 : i32
        %parallel_loop3A_226 = vector.broadcast %parallel_loop3A_225 : i32 to vector<16xi32>
        %parallel_loop3A_227 = tpu.vector_load_idx %arg7[%parallel_loop3A_226, %parallel_loop3A_218] : memref<16x2048xf32, #tpu.memory_space<vmem>>[vector<16xi32>, vector<16xi32>], vector<16xf32>,
        %parallel_loop3A_228 = arith.constant 7 : i32
        %parallel_loop3A_229 = vector.broadcast %parallel_loop3A_228 : i32 to vector<16xi32>
        %parallel_loop3A_230 = tpu.vector_load_idx %arg7[%parallel_loop3A_229, %parallel_loop3A_218] : memref<16x2048xf32, #tpu.memory_space<vmem>>[vector<16xi32>, vector<16xi32>], vector<16xf32>,
        %parallel_loop3A_231 = arith.constant 16 : i32
        %parallel_loop3A_232 = arith.muli %parallel_loop3A_214, %parallel_loop3A_231 : i32
        %parallel_loop3A_233 = arith.constant 0 : i32
        %parallel_loop3A_234 = arith.index_cast %parallel_loop3A_233 : i32 to index
        %parallel_loop3A_235 = arith.index_cast %parallel_loop3A_232 : i32 to index
        %parallel_loop3A_236 = tpu.vector_load %arg9[%parallel_loop3A_234, %parallel_loop3A_235] {strides = array<i32>} : memref<4x2048xf32, #tpu.memory_space<vmem>>, vector<16xf32>,
        tpu.vector_store %arg9[%parallel_loop3A_234, %parallel_loop3A_235], %parallel_loop3A_221 {strides = array<i32>} : memref<4x2048xf32, #tpu.memory_space<vmem>>, vector<16xf32>,
        %parallel_loop3A_237 = arith.constant 16 : i32
        %parallel_loop3A_238 = arith.muli %parallel_loop3A_214, %parallel_loop3A_237 : i32
        %parallel_loop3A_239 = arith.constant 1 : i32
        %parallel_loop3A_240 = arith.index_cast %parallel_loop3A_239 : i32 to index
        %parallel_loop3A_241 = arith.index_cast %parallel_loop3A_238 : i32 to index
        %parallel_loop3A_242 = tpu.vector_load %arg9[%parallel_loop3A_240, %parallel_loop3A_241] {strides = array<i32>} : memref<4x2048xf32, #tpu.memory_space<vmem>>, vector<16xf32>,
        tpu.vector_store %arg9[%parallel_loop3A_240, %parallel_loop3A_241], %parallel_loop3A_224 {strides = array<i32>} : memref<4x2048xf32, #tpu.memory_space<vmem>>, vector<16xf32>,
        %parallel_loop3A_243 = arith.constant 16 : i32
        %parallel_loop3A_244 = arith.muli %parallel_loop3A_214, %parallel_loop3A_243 : i32
        %parallel_loop3A_245 = arith.constant 2 : i32
        %parallel_loop3A_246 = arith.index_cast %parallel_loop3A_245 : i32 to index
        %parallel_loop3A_247 = arith.index_cast %parallel_loop3A_244 : i32 to index
        %parallel_loop3A_248 = tpu.vector_load %arg9[%parallel_loop3A_246, %parallel_loop3A_247] {strides = array<i32>} : memref<4x2048xf32, #tpu.memory_space<vmem>>, vector<16xf32>,
        tpu.vector_store %arg9[%parallel_loop3A_246, %parallel_loop3A_247], %parallel_loop3A_227 {strides = array<i32>} : memref<4x2048xf32, #tpu.memory_space<vmem>>, vector<16xf32>,
        %parallel_loop3A_249 = arith.constant 16 : i32
        %parallel_loop3A_250 = arith.muli %parallel_loop3A_214, %parallel_loop3A_249 : i32
        %parallel_loop3A_251 = arith.constant 3 : i32
        %parallel_loop3A_252 = arith.index_cast %parallel_loop3A_251 : i32 to index
        %parallel_loop3A_253 = arith.index_cast %parallel_loop3A_250 : i32 to index
        %parallel_loop3A_254 = tpu.vector_load %arg9[%parallel_loop3A_252, %parallel_loop3A_253] {strides = array<i32>} : memref<4x2048xf32, #tpu.memory_space<vmem>>, vector<16xf32>,
        tpu.vector_store %arg9[%parallel_loop3A_252, %parallel_loop3A_253], %parallel_loop3A_230 {strides = array<i32>} : memref<4x2048xf32, #tpu.memory_space<vmem>>, vector<16xf32>,
      } {sc.loop_unroll_factor = 4 : i64, sc.parallel_access}
      %mul3A_166 = arith.constant 16 : i32
      %mul3A_167 = arith.muli %add3A_133, %mul3A_166 : i32
      %add3A_168 = arith.addi %mul3A_2, %mul3A_167 : i32
      %add3A_169 = arith.constant 4 : i32
      %add3A_170 = arith.addi %add3A_168, %add3A_169 : i32
      %dma_start3A_171 = arith.constant 0 : i32
      %dma_start3A_172 = tpu.memref_slice %arg4[%add3A_170, %dma_start3A_171] : memref<8192x2048xf32, #tpu.memory_space<hbm>> -> memref<4x2048xf32, #tpu.memory_space<hbm>>
      %dma_start3A_173 = arith.constant 0 : i32
      %dma_start3A_174 = tpu.memref_slice %arg4[%add3A_170, %dma_start3A_173] : memref<8192x2048xf32, #tpu.memory_space<hbm>> -> memref<4x2048xf32, #tpu.memory_space<hbm>>
      tpu.enqueue_dma source(%arg9 : memref<4x2048xf32, #tpu.memory_space<vmem>>) target(%dma_start3A_174 : memref<4x2048xf32, #tpu.memory_space<hbm>>) target_semaphore(%arg15 : memref<!tpu.dma_semaphore, #tpu.memory_space<semaphore_mem>>)
      %gt3A_175 = arith.constant 0 : i32
      %gt3A_176 = arith.cmpi sgt, %add3A_133, %gt3A_175 : i32
      %convert_element_type3A_177 = arith.extui %gt3A_176 : i1 to i32
      %cond3A_178 = arith.constant 0 : i32
      %cond3A_179 = arith.cmpi ne, %convert_element_type3A_177, %cond3A_178 : i32
      scf.if %cond3A_179 {
        %sub3A = arith.constant 1 : i32
        %sub3A_214 = arith.subi %add3A_133, %sub3A : i32
        %mul3A_215 = arith.constant 16 : i32
        %mul3A_216 = arith.muli %sub3A_214, %mul3A_215 : i32
        %add3A_217 = arith.addi %mul3A_2, %mul3A_216 : i32
        %add3A_218 = arith.constant 8 : i32
        %add3A_219 = arith.addi %add3A_217, %add3A_218 : i32
        %dma_wait3A_220 = arith.constant 0 : i32
        %dma_wait3A_221 = tpu.memref_slice %arg4[%add3A_219, %dma_wait3A_220] : memref<8192x2048xf32, #tpu.memory_space<hbm>> -> memref<4x2048xf32, #tpu.memory_space<hbm>>
        %dma_wait3A_222 = arith.constant 0 : i32
        %dma_wait3A_223 = tpu.memref_slice %arg4[%add3A_219, %dma_wait3A_222] : memref<8192x2048xf32, #tpu.memory_space<hbm>> -> memref<4x2048xf32, #tpu.memory_space<hbm>>
        tpu.wait_dma2 semaphore(%arg16 : memref<!tpu.dma_semaphore, #tpu.memory_space<semaphore_mem>>) src(%arg10 : memref<4x2048xf32, #tpu.memory_space<vmem>>) dst(%dma_wait3A_223 : memref<4x2048xf32, #tpu.memory_space<hbm>>)
      } else {
      }
      %parallel_loop3A_180 = arith.constant 0 : i32
      %parallel_loop3A_181 = arith.constant 128 : i32
      %parallel_loop3A_182 = arith.constant 1 : i32
      scf.for %parallel_loop3A_214 = %parallel_loop3A_180 to %parallel_loop3A_181 step %parallel_loop3A_182  : i32 {
        %parallel_loop3A_215 = arith.constant 16 : i32
        %parallel_loop3A_216 = arith.muli %parallel_loop3A_214, %parallel_loop3A_215 : i32
        %parallel_loop3A_217 = arith.index_cast %parallel_loop3A_216 : i32 to index
        %parallel_loop3A_218 = tpu.vector_load %arg5[%parallel_loop3A_217] {strides = array<i32>} : memref<2048xi32, #tpu.memory_space<vmem>>, vector<16xi32>,
        %parallel_loop3A_219 = arith.constant 8 : i32
        %parallel_loop3A_220 = vector.broadcast %parallel_loop3A_219 : i32 to vector<16xi32>
        %parallel_loop3A_221 = tpu.vector_load_idx %arg7[%parallel_loop3A_220, %parallel_loop3A_218] : memref<16x2048xf32, #tpu.memory_space<vmem>>[vector<16xi32>, vector<16xi32>], vector<16xf32>,
        %parallel_loop3A_222 = arith.constant 9 : i32
        %parallel_loop3A_223 = vector.broadcast %parallel_loop3A_222 : i32 to vector<16xi32>
        %parallel_loop3A_224 = tpu.vector_load_idx %arg7[%parallel_loop3A_223, %parallel_loop3A_218] : memref<16x2048xf32, #tpu.memory_space<vmem>>[vector<16xi32>, vector<16xi32>], vector<16xf32>,
        %parallel_loop3A_225 = arith.constant 10 : i32
        %parallel_loop3A_226 = vector.broadcast %parallel_loop3A_225 : i32 to vector<16xi32>
        %parallel_loop3A_227 = tpu.vector_load_idx %arg7[%parallel_loop3A_226, %parallel_loop3A_218] : memref<16x2048xf32, #tpu.memory_space<vmem>>[vector<16xi32>, vector<16xi32>], vector<16xf32>,
        %parallel_loop3A_228 = arith.constant 11 : i32
        %parallel_loop3A_229 = vector.broadcast %parallel_loop3A_228 : i32 to vector<16xi32>
        %parallel_loop3A_230 = tpu.vector_load_idx %arg7[%parallel_loop3A_229, %parallel_loop3A_218] : memref<16x2048xf32, #tpu.memory_space<vmem>>[vector<16xi32>, vector<16xi32>], vector<16xf32>,
        %parallel_loop3A_231 = arith.constant 16 : i32
        %parallel_loop3A_232 = arith.muli %parallel_loop3A_214, %parallel_loop3A_231 : i32
        %parallel_loop3A_233 = arith.constant 0 : i32
        %parallel_loop3A_234 = arith.index_cast %parallel_loop3A_233 : i32 to index
        %parallel_loop3A_235 = arith.index_cast %parallel_loop3A_232 : i32 to index
        %parallel_loop3A_236 = tpu.vector_load %arg10[%parallel_loop3A_234, %parallel_loop3A_235] {strides = array<i32>} : memref<4x2048xf32, #tpu.memory_space<vmem>>, vector<16xf32>,
        tpu.vector_store %arg10[%parallel_loop3A_234, %parallel_loop3A_235], %parallel_loop3A_221 {strides = array<i32>} : memref<4x2048xf32, #tpu.memory_space<vmem>>, vector<16xf32>,
        %parallel_loop3A_237 = arith.constant 16 : i32
        %parallel_loop3A_238 = arith.muli %parallel_loop3A_214, %parallel_loop3A_237 : i32
        %parallel_loop3A_239 = arith.constant 1 : i32
        %parallel_loop3A_240 = arith.index_cast %parallel_loop3A_239 : i32 to index
        %parallel_loop3A_241 = arith.index_cast %parallel_loop3A_238 : i32 to index
        %parallel_loop3A_242 = tpu.vector_load %arg10[%parallel_loop3A_240, %parallel_loop3A_241] {strides = array<i32>} : memref<4x2048xf32, #tpu.memory_space<vmem>>, vector<16xf32>,
        tpu.vector_store %arg10[%parallel_loop3A_240, %parallel_loop3A_241], %parallel_loop3A_224 {strides = array<i32>} : memref<4x2048xf32, #tpu.memory_space<vmem>>, vector<16xf32>,
        %parallel_loop3A_243 = arith.constant 16 : i32
        %parallel_loop3A_244 = arith.muli %parallel_loop3A_214, %parallel_loop3A_243 : i32
        %parallel_loop3A_245 = arith.constant 2 : i32
        %parallel_loop3A_246 = arith.index_cast %parallel_loop3A_245 : i32 to index
        %parallel_loop3A_247 = arith.index_cast %parallel_loop3A_244 : i32 to index
        %parallel_loop3A_248 = tpu.vector_load %arg10[%parallel_loop3A_246, %parallel_loop3A_247] {strides = array<i32>} : memref<4x2048xf32, #tpu.memory_space<vmem>>, vector<16xf32>,
        tpu.vector_store %arg10[%parallel_loop3A_246, %parallel_loop3A_247], %parallel_loop3A_227 {strides = array<i32>} : memref<4x2048xf32, #tpu.memory_space<vmem>>, vector<16xf32>,
        %parallel_loop3A_249 = arith.constant 16 : i32
        %parallel_loop3A_250 = arith.muli %parallel_loop3A_214, %parallel_loop3A_249 : i32
        %parallel_loop3A_251 = arith.constant 3 : i32
        %parallel_loop3A_252 = arith.index_cast %parallel_loop3A_251 : i32 to index
        %parallel_loop3A_253 = arith.index_cast %parallel_loop3A_250 : i32 to index
        %parallel_loop3A_254 = tpu.vector_load %arg10[%parallel_loop3A_252, %parallel_loop3A_253] {strides = array<i32>} : memref<4x2048xf32, #tpu.memory_space<vmem>>, vector<16xf32>,
        tpu.vector_store %arg10[%parallel_loop3A_252, %parallel_loop3A_253], %parallel_loop3A_230 {strides = array<i32>} : memref<4x2048xf32, #tpu.memory_space<vmem>>, vector<16xf32>,
      } {sc.loop_unroll_factor = 4 : i64, sc.parallel_access}
      %mul3A_183 = arith.constant 16 : i32
      %mul3A_184 = arith.muli %add3A_133, %mul3A_183 : i32
      %add3A_185 = arith.addi %mul3A_2, %mul3A_184 : i32
      %add3A_186 = arith.constant 8 : i32
      %add3A_187 = arith.addi %add3A_185, %add3A_186 : i32
      %dma_start3A_188 = arith.constant 0 : i32
      %dma_start3A_189 = tpu.memref_slice %arg4[%add3A_187, %dma_start3A_188] : memref<8192x2048xf32, #tpu.memory_space<hbm>> -> memref<4x2048xf32, #tpu.memory_space<hbm>>
      %dma_start3A_190 = arith.constant 0 : i32
      %dma_start3A_191 = tpu.memref_slice %arg4[%add3A_187, %dma_start3A_190] : memref<8192x2048xf32, #tpu.memory_space<hbm>> -> memref<4x2048xf32, #tpu.memory_space<hbm>>
      tpu.enqueue_dma source(%arg10 : memref<4x2048xf32, #tpu.memory_space<vmem>>) target(%dma_start3A_191 : memref<4x2048xf32, #tpu.memory_space<hbm>>) target_semaphore(%arg16 : memref<!tpu.dma_semaphore, #tpu.memory_space<semaphore_mem>>)
      %gt3A_192 = arith.constant 0 : i32
      %gt3A_193 = arith.cmpi sgt, %add3A_133, %gt3A_192 : i32
      %convert_element_type3A_194 = arith.extui %gt3A_193 : i1 to i32
      %cond3A_195 = arith.constant 0 : i32
      %cond3A_196 = arith.cmpi ne, %convert_element_type3A_194, %cond3A_195 : i32
      scf.if %cond3A_196 {
        %sub3A = arith.constant 1 : i32
        %sub3A_214 = arith.subi %add3A_133, %sub3A : i32
        %mul3A_215 = arith.constant 16 : i32
        %mul3A_216 = arith.muli %sub3A_214, %mul3A_215 : i32
        %add3A_217 = arith.addi %mul3A_2, %mul3A_216 : i32
        %add3A_218 = arith.constant 12 : i32
        %add3A_219 = arith.addi %add3A_217, %add3A_218 : i32
        %dma_wait3A_220 = arith.constant 0 : i32
        %dma_wait3A_221 = tpu.memref_slice %arg4[%add3A_219, %dma_wait3A_220] : memref<8192x2048xf32, #tpu.memory_space<hbm>> -> memref<4x2048xf32, #tpu.memory_space<hbm>>
        %dma_wait3A_222 = arith.constant 0 : i32
        %dma_wait3A_223 = tpu.memref_slice %arg4[%add3A_219, %dma_wait3A_222] : memref<8192x2048xf32, #tpu.memory_space<hbm>> -> memref<4x2048xf32, #tpu.memory_space<hbm>>
        tpu.wait_dma2 semaphore(%arg17 : memref<!tpu.dma_semaphore, #tpu.memory_space<semaphore_mem>>) src(%arg11 : memref<4x2048xf32, #tpu.memory_space<vmem>>) dst(%dma_wait3A_223 : memref<4x2048xf32, #tpu.memory_space<hbm>>)
      } else {
      }
      %parallel_loop3A_197 = arith.constant 0 : i32
      %parallel_loop3A_198 = arith.constant 128 : i32
      %parallel_loop3A_199 = arith.constant 1 : i32
      scf.for %parallel_loop3A_214 = %parallel_loop3A_197 to %parallel_loop3A_198 step %parallel_loop3A_199  : i32 {
        %parallel_loop3A_215 = arith.constant 16 : i32
        %parallel_loop3A_216 = arith.muli %parallel_loop3A_214, %parallel_loop3A_215 : i32
        %parallel_loop3A_217 = arith.index_cast %parallel_loop3A_216 : i32 to index
        %parallel_loop3A_218 = tpu.vector_load %arg5[%parallel_loop3A_217] {strides = array<i32>} : memref<2048xi32, #tpu.memory_space<vmem>>, vector<16xi32>,
        %parallel_loop3A_219 = arith.constant 12 : i32
        %parallel_loop3A_220 = vector.broadcast %parallel_loop3A_219 : i32 to vector<16xi32>
        %parallel_loop3A_221 = tpu.vector_load_idx %arg7[%parallel_loop3A_220, %parallel_loop3A_218] : memref<16x2048xf32, #tpu.memory_space<vmem>>[vector<16xi32>, vector<16xi32>], vector<16xf32>,
        %parallel_loop3A_222 = arith.constant 13 : i32
        %parallel_loop3A_223 = vector.broadcast %parallel_loop3A_222 : i32 to vector<16xi32>
        %parallel_loop3A_224 = tpu.vector_load_idx %arg7[%parallel_loop3A_223, %parallel_loop3A_218] : memref<16x2048xf32, #tpu.memory_space<vmem>>[vector<16xi32>, vector<16xi32>], vector<16xf32>,
        %parallel_loop3A_225 = arith.constant 14 : i32
        %parallel_loop3A_226 = vector.broadcast %parallel_loop3A_225 : i32 to vector<16xi32>
        %parallel_loop3A_227 = tpu.vector_load_idx %arg7[%parallel_loop3A_226, %parallel_loop3A_218] : memref<16x2048xf32, #tpu.memory_space<vmem>>[vector<16xi32>, vector<16xi32>], vector<16xf32>,
        %parallel_loop3A_228 = arith.constant 15 : i32
        %parallel_loop3A_229 = vector.broadcast %parallel_loop3A_228 : i32 to vector<16xi32>
        %parallel_loop3A_230 = tpu.vector_load_idx %arg7[%parallel_loop3A_229, %parallel_loop3A_218] : memref<16x2048xf32, #tpu.memory_space<vmem>>[vector<16xi32>, vector<16xi32>], vector<16xf32>,
        %parallel_loop3A_231 = arith.constant 16 : i32
        %parallel_loop3A_232 = arith.muli %parallel_loop3A_214, %parallel_loop3A_231 : i32
        %parallel_loop3A_233 = arith.constant 0 : i32
        %parallel_loop3A_234 = arith.index_cast %parallel_loop3A_233 : i32 to index
        %parallel_loop3A_235 = arith.index_cast %parallel_loop3A_232 : i32 to index
        %parallel_loop3A_236 = tpu.vector_load %arg11[%parallel_loop3A_234, %parallel_loop3A_235] {strides = array<i32>} : memref<4x2048xf32, #tpu.memory_space<vmem>>, vector<16xf32>,
        tpu.vector_store %arg11[%parallel_loop3A_234, %parallel_loop3A_235], %parallel_loop3A_221 {strides = array<i32>} : memref<4x2048xf32, #tpu.memory_space<vmem>>, vector<16xf32>,
        %parallel_loop3A_237 = arith.constant 16 : i32
        %parallel_loop3A_238 = arith.muli %parallel_loop3A_214, %parallel_loop3A_237 : i32
        %parallel_loop3A_239 = arith.constant 1 : i32
        %parallel_loop3A_240 = arith.index_cast %parallel_loop3A_239 : i32 to index
        %parallel_loop3A_241 = arith.index_cast %parallel_loop3A_238 : i32 to index
        %parallel_loop3A_242 = tpu.vector_load %arg11[%parallel_loop3A_240, %parallel_loop3A_241] {strides = array<i32>} : memref<4x2048xf32, #tpu.memory_space<vmem>>, vector<16xf32>,
        tpu.vector_store %arg11[%parallel_loop3A_240, %parallel_loop3A_241], %parallel_loop3A_224 {strides = array<i32>} : memref<4x2048xf32, #tpu.memory_space<vmem>>, vector<16xf32>,
        %parallel_loop3A_243 = arith.constant 16 : i32
        %parallel_loop3A_244 = arith.muli %parallel_loop3A_214, %parallel_loop3A_243 : i32
        %parallel_loop3A_245 = arith.constant 2 : i32
        %parallel_loop3A_246 = arith.index_cast %parallel_loop3A_245 : i32 to index
        %parallel_loop3A_247 = arith.index_cast %parallel_loop3A_244 : i32 to index
        %parallel_loop3A_248 = tpu.vector_load %arg11[%parallel_loop3A_246, %parallel_loop3A_247] {strides = array<i32>} : memref<4x2048xf32, #tpu.memory_space<vmem>>, vector<16xf32>,
        tpu.vector_store %arg11[%parallel_loop3A_246, %parallel_loop3A_247], %parallel_loop3A_227 {strides = array<i32>} : memref<4x2048xf32, #tpu.memory_space<vmem>>, vector<16xf32>,
        %parallel_loop3A_249 = arith.constant 16 : i32
        %parallel_loop3A_250 = arith.muli %parallel_loop3A_214, %parallel_loop3A_249 : i32
        %parallel_loop3A_251 = arith.constant 3 : i32
        %parallel_loop3A_252 = arith.index_cast %parallel_loop3A_251 : i32 to index
        %parallel_loop3A_253 = arith.index_cast %parallel_loop3A_250 : i32 to index
        %parallel_loop3A_254 = tpu.vector_load %arg11[%parallel_loop3A_252, %parallel_loop3A_253] {strides = array<i32>} : memref<4x2048xf32, #tpu.memory_space<vmem>>, vector<16xf32>,
        tpu.vector_store %arg11[%parallel_loop3A_252, %parallel_loop3A_253], %parallel_loop3A_230 {strides = array<i32>} : memref<4x2048xf32, #tpu.memory_space<vmem>>, vector<16xf32>,
      } {sc.loop_unroll_factor = 4 : i64, sc.parallel_access}
      %mul3A_200 = arith.constant 16 : i32
      %mul3A_201 = arith.muli %add3A_133, %mul3A_200 : i32
      %add3A_202 = arith.addi %mul3A_2, %mul3A_201 : i32
      %add3A_203 = arith.constant 12 : i32
      %add3A_204 = arith.addi %add3A_202, %add3A_203 : i32
      %dma_start3A_205 = arith.constant 0 : i32
      %dma_start3A_206 = tpu.memref_slice %arg4[%add3A_204, %dma_start3A_205] : memref<8192x2048xf32, #tpu.memory_space<hbm>> -> memref<4x2048xf32, #tpu.memory_space<hbm>>
      %dma_start3A_207 = arith.constant 0 : i32
      %dma_start3A_208 = tpu.memref_slice %arg4[%add3A_204, %dma_start3A_207] : memref<8192x2048xf32, #tpu.memory_space<hbm>> -> memref<4x2048xf32, #tpu.memory_space<hbm>>
      tpu.enqueue_dma source(%arg11 : memref<4x2048xf32, #tpu.memory_space<vmem>>) target(%dma_start3A_208 : memref<4x2048xf32, #tpu.memory_space<hbm>>) target_semaphore(%arg17 : memref<!tpu.dma_semaphore, #tpu.memory_space<semaphore_mem>>)
      %lt3A_209 = arith.constant 7 : i32
      %lt3A_210 = arith.cmpi slt, %scan3A_50, %lt3A_209 : i32
      %convert_element_type3A_211 = arith.extui %lt3A_210 : i1 to i32
      %cond3A_212 = arith.constant 0 : i32
      %cond3A_213 = arith.cmpi ne, %convert_element_type3A_211, %cond3A_212 : i32
      scf.if %cond3A_213 {
        %add3A_214 = arith.constant 2 : i32
        %add3A_215 = arith.addi %add3A_133, %add3A_214 : i32
        %mul3A_216 = arith.constant 16 : i32
        %mul3A_217 = arith.muli %add3A_215, %mul3A_216 : i32
        %add3A_218 = arith.addi %mul3A_2, %mul3A_217 : i32
        %dma_start3A_219 = arith.constant 0 : i32
        %dma_start3A_220 = tpu.memref_slice %arg2[%add3A_218, %dma_start3A_219] : memref<8192x2048xf32, #tpu.memory_space<hbm>> -> memref<16x2048xf32, #tpu.memory_space<hbm>>
        %dma_start3A_221 = arith.constant 0 : i32
        %dma_start3A_222 = tpu.memref_slice %arg2[%add3A_218, %dma_start3A_221] : memref<8192x2048xf32, #tpu.memory_space<hbm>> -> memref<16x2048xf32, #tpu.memory_space<hbm>>
        tpu.enqueue_dma source(%dma_start3A_222 : memref<16x2048xf32, #tpu.memory_space<hbm>>) target(%arg7 : memref<16x2048xf32, #tpu.memory_space<vmem>>) target_semaphore(%arg13 : memref<!tpu.dma_semaphore, #tpu.memory_space<semaphore_mem>>)
      } else {
      }
    }
    %scan3A_18 = arith.constant 8 : i32
    %add3A_19 = arith.constant 240 : i32
    %add3A_20 = arith.addi %mul3A_2, %add3A_19 : i32
    %add3A_21 = arith.constant 0 : i32
    %add3A_22 = arith.addi %add3A_20, %add3A_21 : i32
    %dma_wait3A = arith.constant 0 : i32
    %dma_wait3A_23 = tpu.memref_slice %arg4[%add3A_22, %dma_wait3A] : memref<8192x2048xf32, #tpu.memory_space<hbm>> -> memref<4x2048xf32, #tpu.memory_space<hbm>>
    %dma_wait3A_24 = arith.constant 0 : i32
    %dma_wait3A_25 = tpu.memref_slice %arg4[%add3A_22, %dma_wait3A_24] : memref<8192x2048xf32, #tpu.memory_space<hbm>> -> memref<4x2048xf32, #tpu.memory_space<hbm>>
    tpu.wait_dma2 semaphore(%arg14 : memref<!tpu.dma_semaphore, #tpu.memory_space<semaphore_mem>>) src(%arg8 : memref<4x2048xf32, #tpu.memory_space<vmem>>) dst(%dma_wait3A_25 : memref<4x2048xf32, #tpu.memory_space<hbm>>)
    %add3A_26 = arith.constant 240 : i32
    %add3A_27 = arith.addi %mul3A_2, %add3A_26 : i32
    %add3A_28 = arith.constant 4 : i32
    %add3A_29 = arith.addi %add3A_27, %add3A_28 : i32
    %dma_wait3A_30 = arith.constant 0 : i32
    %dma_wait3A_31 = tpu.memref_slice %arg4[%add3A_29, %dma_wait3A_30] : memref<8192x2048xf32, #tpu.memory_space<hbm>> -> memref<4x2048xf32, #tpu.memory_space<hbm>>
    %dma_wait3A_32 = arith.constant 0 : i32
    %dma_wait3A_33 = tpu.memref_slice %arg4[%add3A_29, %dma_wait3A_32] : memref<8192x2048xf32, #tpu.memory_space<hbm>> -> memref<4x2048xf32, #tpu.memory_space<hbm>>
    tpu.wait_dma2 semaphore(%arg15 : memref<!tpu.dma_semaphore, #tpu.memory_space<semaphore_mem>>) src(%arg9 : memref<4x2048xf32, #tpu.memory_space<vmem>>) dst(%dma_wait3A_33 : memref<4x2048xf32, #tpu.memory_space<hbm>>)
    %add3A_34 = arith.constant 240 : i32
    %add3A_35 = arith.addi %mul3A_2, %add3A_34 : i32
    %add3A_36 = arith.constant 8 : i32
    %add3A_37 = arith.addi %add3A_35, %add3A_36 : i32
    %dma_wait3A_38 = arith.constant 0 : i32
    %dma_wait3A_39 = tpu.memref_slice %arg4[%add3A_37, %dma_wait3A_38] : memref<8192x2048xf32, #tpu.memory_space<hbm>> -> memref<4x2048xf32, #tpu.memory_space<hbm>>
    %dma_wait3A_40 = arith.constant 0 : i32
    %dma_wait3A_41 = tpu.memref_slice %arg4[%add3A_37, %dma_wait3A_40] : memref<8192x2048xf32, #tpu.memory_space<hbm>> -> memref<4x2048xf32, #tpu.memory_space<hbm>>
    tpu.wait_dma2 semaphore(%arg16 : memref<!tpu.dma_semaphore, #tpu.memory_space<semaphore_mem>>) src(%arg10 : memref<4x2048xf32, #tpu.memory_space<vmem>>) dst(%dma_wait3A_41 : memref<4x2048xf32, #tpu.memory_space<hbm>>)
    %add3A_42 = arith.constant 240 : i32
    %add3A_43 = arith.addi %mul3A_2, %add3A_42 : i32
    %add3A_44 = arith.constant 12 : i32
    %add3A_45 = arith.addi %add3A_43, %add3A_44 : i32
    %dma_wait3A_46 = arith.constant 0 : i32
    %dma_wait3A_47 = tpu.memref_slice %arg4[%add3A_45, %dma_wait3A_46] : memref<8192x2048xf32, #tpu.memory_space<hbm>> -> memref<4x2048xf32, #tpu.memory_space<hbm>>
    %dma_wait3A_48 = arith.constant 0 : i32
    %dma_wait3A_49 = tpu.memref_slice %arg4[%add3A_45, %dma_wait3A_48] : memref<8192x2048xf32, #tpu.memory_space<hbm>> -> memref<4x2048xf32, #tpu.memory_space<hbm>>
    tpu.wait_dma2 semaphore(%arg17 : memref<!tpu.dma_semaphore, #tpu.memory_space<semaphore_mem>>) src(%arg11 : memref<4x2048xf32, #tpu.memory_space<vmem>>) dst(%dma_wait3A_49 : memref<4x2048xf32, #tpu.memory_space<hbm>>)
    return
  }
}

</mosaic_0001>

<sc_bundles>
// kernel: kernel.3.cloned.1.call-start
scs
__scs_entry_jumppad:
0x0: {  	(pc) =	sbr.rel $0x88, $3  }
0x1: {  	(tag) =	ssettag $0x0;
	lr =	simm.s32 $0x1  }
0x2: {  	[smem:$0x3F9F] =	sst lr;
	_ =	strace $0xD0000000  }
0x3: {  	_ = 	snop  }
0x4: {  	_ = 	snop  }
0x5: {  	_ = 	snop  }
0x6: {  	_ = 	snop  }
0x7: {  	_ = 	snop  }
__scs_overlays_trampoline_lowered:
0x8: {  	[smem:$0x3FAE] =	sst s0  }
0x9: {  	[smem:$0x3FAF] =	sst s1  }
0xa: {  	[smem:$0x3FB0] =	sst s2  }
0xb: {  	[smem:$0x3FB1] =	sst s3  }
0xc: {  	[smem:$0x3FB2] =	sst s4  }
0xd: {  	[smem:$0x3FB3] =	sst s5  }
0xe: {  	[smem:$0x3FB4] =	sst s6  }
0xf: {  	[smem:$0x3FB5] =	sst s7  }
0x10: {  	[smem:$0x3FB6] =	sst s8  }
0x11: {  	[smem:$0x3FB7] =	sst s9;
	s0 =	simm.s32 @!p0 $0x0  }
0x12: {  	s1 =	sld [smem:$0x3F9D];
	s0 =	simm.s32 @p0 $0x1  }
0x13: {  	[smem:$0x3FB8] =	sst s0;
	s0 =	simm.s32 @!p1 $0x0  }
0x14: {  	s2 =	sld [smem:$0x3F9C];
	s0 =	simm.s32 @p1 $0x1  }
0x15: {  	[smem:$0x3FB9] =	sst s0;
	s0 =	simm.s32 @!p2 $0x0  }
0x16: {  	s3 =	sld [smem:$0x3FDB];
	s0 =	simm.s32 @p2 $0x1  }
0x17: {  	s4 =	simm.s32 $0x1BF5;
	[smem:$0x3FBB] =	sst s0  }
0x18: {  	s0 =	sld [smem:$0x3F9E];
	_ =	swait.ge [sflag:s4], $0x0  }
0x19: {  	s7 =	sld [smem:$0x3F9F]  }
0x1a: {  	s8 =	sadd.s32 $0xFFFFE003, lr  }
0x1b: {  	s9 =	sadd.s32 $0xFFFFFEF7, lr;
	s5 =	simm.s32 $0xFFFFFFFF;
	p2 =	slt.u32 s8, $0xFFFFF086  }
0x1c: {  	p1 =	slt.u32 s9, $0xF7A;
	s5 =	simm.s32 @!p2 $0x0  }
0x1d: {  	s5 =	simm.s32 @p1 $0x1;
	p0 =	seq.s32 s7, s2  }
0x1e: {  	s7 =	smul.u32 @!p0 $0xF7A, s2;
	p2 =	seq.s32 @!p0 s5, $0x0  }
0x1f: {  	s9 =	smul.u32 $0xF7A, s1;
	s8 =	simm.s32 @!p0 $0x1BF5;
	p2 =	por !p2, p0  }
0x20: {  	[sflag:s8] =	ssyncset.s32 @!p0 $0xFFFFF086;
	s6 =	sadd.s32 @!p0 s3, s7;
	s7 =	simm.s32 @!p0 $0x108  }
0x21: {  	s3 =	sadd.s32 s3, s9;
	s6 =	sadd.s32 @!p0 $0x88, s6;
	s7 =	simm.s32 @p2 $0x1082  }
0x22: {  	[simem:s7], [sflag:s8] =	dma.local @!p0 [hbm:s6], $0xF7A  }
0x23: {  	s9 =	sor.u32 $0xD0000000, s2;
	s6 =	simm.s32 $0x108;
	_ =	swait.ge @!p0 [sflag:s8], $0x0  }
0x24: {  	s3 =	sadd.s32 $0x88, s3;
	s6 =	simm.s32 @!p1 $0x1082;
	[sflag:s4] =	ssyncset.s32 $0xFFFFF086  }
0x25: {  	[simem:s6], [sflag:s4] =	dma.local [hbm:s3], $0xF7A  }
0x26: {  	[smem:$0x3F9F] =	sst s1;
	(tag) =	ssettag s2;
	_ =	strace s9  }
0x27: {  	s1 =	sld [smem:$0x3FAF]  }
0x28: {  	s2 =	sld [smem:$0x3FB0]  }
0x29: {  	s4 =	sld [smem:$0x3FB2]  }
0x2a: {  	p0 =	seq.s32 s5, $0x0;
	s5 =	sld [smem:$0x3FB3]  }
0x2b: {  	s6 =	sld [smem:$0x3FB4]  }
0x2c: {  	s7 =	sld [smem:$0x3FB5]  }
0x2d: {  	s3 =	simm.s32 $0x108;
	s8 =	sld [smem:$0x3FB6]  }
0x2e: {  	s3 =	simm.s32 @!p0 $0x1082;
	s9 =	sld [smem:$0x3FB7]  }
0x2f: {  	lr =	sadd.s32 s0, s3;
	s0 =	sld [smem:$0x3FAE]  }
0x30: {  	s3 =	sld [smem:$0x3FB1]  }
0x31: {  	[smem:$0x3FBA] =	sst s10  }
0x32: {  	s10 =	sld [smem:$0x3FB8];
	_ =	sdelay $0x3  }
0x33: {  	p0 =	seq.s32 s10, $0x1;
	s10 =	sld [smem:$0x3FBA];
	_ =	sdelay $0x3  }
0x34: {  	[smem:$0x3FBA] =	sst s10  }
0x35: {  	s10 =	sld [smem:$0x3FB9];
	_ =	sdelay $0x3  }
0x36: {  	p1 =	seq.s32 s10, $0x1;
	s10 =	sld [smem:$0x3FBA];
	_ =	sdelay $0x3  }
0x37: {  	[smem:$0x3FBA] =	sst s10  }
0x38: {  	s10 =	sld [smem:$0x3FBB]  }
0x39: {  	_ = 	snop;
	(pc) =	sbr.ind lr, $3  }
0x3a: {  	_ = 	snop  }
0x3b: {  	_ = 	snop  }
0x3c: {  	p2 =	seq.s32 s10, $0x1;
	s10 =	sld [smem:$0x3FBA]  }
0x3d: {  	_ =	shalt  }
0x3e: {  	_ =	shalt  }
0x3f: {  	_ =	shalt  }
0x40: {  	_ =	shalt  }
0x41: {  	_ =	shalt  }
0x42: {  	_ =	shalt  }
0x43: {  	_ =	shalt  }
0x44: {  	_ =	shalt  }
0x45: {  	_ =	shalt  }
0x46: {  	_ =	shalt  }
0x47: {  	_ =	shalt  }
0x48: {  	_ =	shalt  }
0x49: {  	_ =	shalt  }
0x4a: {  	_ =	shalt  }
0x4b: {  	_ =	shalt  }
0x4c: {  	_ =	shalt  }
0x4d: {  	_ =	shalt  }
0x4e: {  	_ =	shalt  }
0x4f: {  	_ =	shalt  }
0x50: {  	_ =	shalt  }
0x51: {  	_ =	shalt  }
0x52: {  	_ =	shalt  }
0x53: {  	_ =	shalt  }
0x54: {  	_ =	shalt  }
0x55: {  	_ =	shalt  }
0x56: {  	_ =	shalt  }
0x57: {  	_ =	shalt  }
0x58: {  	_ =	shalt  }
0x59: {  	_ =	shalt  }
0x5a: {  	_ =	shalt  }
0x5b: {  	_ =	shalt  }
0x5c: {  	_ =	shalt  }
0x5d: {  	_ =	shalt  }
0x5e: {  	_ =	shalt  }
0x5f: {  	_ =	shalt  }
0x60: {  	_ =	shalt  }
0x61: {  	_ =	shalt  }
0x62: {  	_ =	shalt  }
0x63: {  	_ =	shalt  }
0x64: {  	_ =	shalt  }
0x65: {  	_ =	shalt  }
0x66: {  	_ =	shalt  }
0x67: {  	_ =	shalt  }
0x68: {  	_ =	shalt  }
0x69: {  	_ =	shalt  }
0x6a: {  	_ =	shalt  }
0x6b: {  	_ =	shalt  }
0x6c: {  	_ =	shalt  }
0x6d: {  	_ =	shalt  }
0x6e: {  	_ =	shalt  }
0x6f: {  	_ =	shalt  }
0x70: {  	_ =	shalt  }
0x71: {  	_ =	shalt  }
0x72: {  	_ =	shalt  }
0x73: {  	_ =	shalt  }
0x74: {  	_ =	shalt  }
0x75: {  	_ =	shalt  }
0x76: {  	_ =	shalt  }
0x77: {  	_ =	shalt  }
0x78: {  	_ =	shalt  }
0x79: {  	_ =	shalt  }
0x7a: {  	_ =	shalt  }
0x7b: {  	_ =	shalt  }
0x7c: {  	_ =	shalt  }
0x7d: {  	_ =	shalt  }
0x7e: {  	_ =	shalt  }
0x7f: {  	_ =	shalt  }
0x80: {  	_ =	shalt  }
0x81: {  	_ =	shalt  }
0x82: {  	_ =	shalt  }
0x83: {  	_ =	shalt  }
0x84: {  	_ =	shalt  }
0x85: {  	_ =	shalt  }
0x86: {  	_ =	shalt  }
0x87: {  	_ =	shalt  }
.Lfunc_end0:
.L_simem_size_0:
called_computation_lowered:
.L_overlay_start_0:
0x88: {  	s2 =	sld [smem:$0x3FD9]  }
0x89: {  	s3 =	sld [smem:$0x3FFE];
	_ =	sdelay $0x1  }
0x8a: {  	s1 =	srdreg.scid  }
0x8b: {  	s0 =	sand.u32 $0x1, s1  }
0x8c: {  	s15 =	sshll.u32 s0, $0xA;
	s2 =	sadd.s32 s3, s2  }
0x8d: {  	s2 =	sadd.s32 s2, s15  }
0x8e: {  	[smem:$0x3FC6] =	sst s2  }
0x8f: {  	_ = 	snop  }
0x90: {  	s2 =	sld [smem:$0x3FD0];
	_ =	sdelay $0x1  }
0x91: {  	s16 =	sld [smem:$0x3FC9]  }
0x92: {  	s5 =	simm.s32 $0xA;
	s6 =	simm.s32 $0x10;
	s4 =	sld [smem:$0x3FC8]  }
0x93: {  	[smem:s6], [sflag:s5] =	dma.local [hbm:s2], $0x1  }
0x94: {  	_ =	swait.eq [sflag:s5], $0x1  }
0x95: {  	[sflag:s5] =	ssyncset.done $0x0  }
0x96: {  	[sflag:s5] =	ssyncadd.s32 $0xFFFFFFFF  }
0x97: {  	s17 =	sld [smem:$0x10];
	(tm) =	ssettm $0x1  }
0x98: {  	s18 =	sld [smem:$0x3FFB];
	_ =	sdelay $0x3  }
0x99: {  	_ =	strace s18  }
0x9a: {  	s5 =	sld [smem:$0x3FFC];
	_ =	sdelay $0x3  }
0x9b: {  	_ =	strace s5  }
0x9c: {  	s5 =	sld [smem:$0x3FFD];
	_ =	sdelay $0x3  }
0x9d: {  	_ =	strace s5  }
0x9e: {  	_ =	strace $0x8FFFFFFF  }
0x9f: {  	s19 =	sld [smem:$0x3FDB];
	_ =	sdelay $0x1  }
0xa0: {  	s20 =	simm.s32 $_scs_section_size  }
0xa1: {  	s7 =	simm.s32 $_size__tile_overlayer_lowered;
	s8 =	simm.s32 $_tile_overlayer_lowered  }
0xa2: {  	s23 =	simm.s32 $0x1BFF;
	s22 =	sshll.u32 s8, $0x1;
	s5 =	sadd.s32 s20, s19  }
0xa3: {  	s9 =	simm.s32 $0x0;
	s21 =	sshll.u32 s7, $0x1;
	s7 =	sadd.s32 s22, s5  }
0xa4: {  	[timem:s9], [sflag:s23] =	dma.local [hbm:s7], s21  }
0xa5: {  	_ =	swait.ge [sflag:s23], s21  }
0xa6: {  	s6 =	ssub.s32 $0x0, s21;
	[sflag:s23] =	ssyncset.done $0x0  }
0xa7: {  	[sflag:s23] =	ssyncadd.s32 s6;
	_ =	sdelay $0x1  }
0xa8: {  	s24 =	simm.s32 $0x1B8B  }
0xa9: {  	_ =	swait.ge [sflag:s24], $0x1  }
0xaa: {  	[sflag:s24] =	ssyncset.done $0x0  }
0xab: {  	s25 =	simm.s32 $0x1B8E;
	[sflag:s24] =	ssyncadd.s32 $0xFFFFFFFF  }
0xac: {  	s26 =	simm.s32 $execute0_lowered;
	[smem:$0x3FD2] =	sst s25  }
0xad: {  	s6 =	sshll.u32 s26, $0x1;
	_ =	strace $0x80000046;
	[dreg:$0x1] =	wrdreg $0xFFFFFFFF  }
0xae: {  	s28 =	simm.s32 $_size_execute0_lowered;
	s5 =	sadd.s32 s5, s6;
	[dreg:$0x0] =	wrdreg $0x0  }
0xaf: {  	s6 =	sshll.u32 s28, $0x1;
	[dreg:$0x2] =	wrdreg s5  }
0xb0: {  	[dreg:$0x3] =	wrdreg s6  }
0xb1: {  	[dreg:$0x4] =	wrdreg $0xC0  }
0xb2: {  	_ =	task [dreg:s9], $0x5FFFF  }
0xb3: {  	[dreg:$0x1] =	wrdreg $0xFFFFFFFF  }
0xb4: {  	[dreg:$0x0] =	wrdreg $0x60  }
0xb5: {  	[dreg:$0x2] =	wrdreg s16  }
0xb6: {  	[dreg:$0x3] =	wrdreg s4  }
0xb7: {  	[dreg:$0x4] =	wrdreg s17  }
0xb8: {  	[dreg:$0x5] =	wrdreg $0x9  }
0xb9: {  	_ =	task.clear_ibuf [dreg:s9], $0x6FFFF;
	_ =	strace $0x90000046  }
0xba: {  	s29 =	simm.s32 $0x9;
	_ =	strace $0x80000048  }
0xbb: {  	_ =	swait.ge [sflag:s29], $0x1  }
0xbc: {  	[sflag:s29] =	ssyncadd.s32 $0xFFFFFFFF  }
0xbd: {  	_ =	strace $0x90000048  }
0xbe: {  	_ =	sfence  }
0xbf: {  	s30 =	sld [smem:$0x0];
	_ =	sdelay $0x2  }
0xc0: {  	s31 =	sshll.u32 s1, $0xD;
	s1 =	sshrl.u32 s1, $0x2  }
0xc1: {  	s3 =	sand.u32 $0x4000, s31;
	s1 =	sadd.s32 s1, s30  }
0xc2: {  	s0 =	sor.u32 s3, s0;
	s1 =	sshll.u32 s1, $0x11  }
0xc3: {  	s0 =	sor.u32 s1, s0  }
0xc4: {  	s0 =	sadd.s32 $0x8F2B, s0  }
0xc5: {  	[sflag:s0] =	ssyncadd.remote.s32 $0x1  }
0xc6: {  	_ =	sfence.sel $0xFFFF  }
0xc7: {  	[dreg:$0x0] =	wrdreg $0xFFFFFFFF;
	(pc) =	sbr.abs _section_cstart, $3  }
0xc8: {  	[dreg:$0x1] =	wrdreg $0xFFFFFFFF  }
0xc9: {  	_ =	task.clear_ibuf [dreg:s9], $0x2FFFF;
	_ =	strace $0x9FFFFFFF  }
0xca: {  	(tm) =	ssettm $0x7FFFFFFF  }
0xcb: {  	_ =	shalt  }
tec
execute0_lowered:
.L_overlay_start_1:
0x0: {  	(tag) =	ssettag $0x1  }
0x1: {  	s3 =	rddreg [dreg:$0x0]  }
0x2: {  	s0 =	srdreg.scid;
	s1 =	stileid.u32  }
0x3: {  	s4 =	rddreg [dreg:$0x2];
	s5 =	simm.s32 $0x0;
	s15 =	simm.s32 $0x800  }
0x4: {  	s16 =	simm.s32 $0x8800;
	s19 =	simm.s32 $0x200;
	s0 =	sand.u32 $0x1, s0  }
0x5: {  	s1 =	sshll.u32 s1, $0x9;
	[smem:$0x7FF] =	sst s5;
	s29 =	sadd.s32 $0x40, s4  }
0x6: {  	s2 =	sshll.u32 s0, $0x8;
	s0 =	ssub.s32 $0x2, s0;
	_ =	strace $0x80000047  }
0x7: {  	[dreg:$0x7] =	wrdreg s29;
	s6 =	sor.u32 s2, s1;
	s28 =	sshrl.u32 s0, $0x1  }
0x8: {  	s1 =	sshll.u32 s6, $0x8;
	s30 =	sor.u32 $0x20, s6;
	[dreg:$0x4] =	wrdreg s6  }
.Ltmp0:
0x9: {  	s31 =	sor.u32 $0x30, s6;
	[dreg:$0x8] =	wrdreg s30;
	(pc) =	sbr.rel .LBB2_1-.Ltmp0, $4  }
0xa: {  	s0 =	ssub.s32 s0, s28;
	s1 =	sadd.s32 s3, s1;
	[dreg:$0x9] =	wrdreg s31  }
0xb: {  	s20 =	simm.s32 $0x400;
	s0 =	smax.u32 s0, $0x1;
	[dreg:$0x5] =	wrdreg s1  }
0xc: {  	s10 =	sadd.s32 $0x800, s4;
	s1 =	sadd.s32 $0x1000, s1;
	[dreg:$0xa] =	wrdreg s0  }
0xd: {  	s11 =	sadd.s32 $0x840, s4;
	s2 =	simm.s32 $0x0;
	[dreg:$0x6] =	wrdreg s1  }
.LBB2_20:
0xe: {  	s0 =	simm.s32 $0x3  }
0xf: {  	_ =	swait.ge [sflag:s0], $0x2000  }
0x10: {  	[sflag:s0] =	ssyncset.done $0x0  }
0x11: {  	s29 =	simm.s32 $0x4;
	[sflag:s0] =	ssyncadd.s32 $0xFFFFE000  }
0x12: {  	_ =	swait.ge [sflag:s29], $0x2000  }
0x13: {  	[sflag:s29] =	ssyncset.done $0x0  }
0x14: {  	s30 =	simm.s32 $0x5;
	[sflag:s29] =	ssyncadd.s32 $0xFFFFE000  }
0x15: {  	_ =	swait.ge [sflag:s30], $0x2000  }
0x16: {  	[sflag:s30] =	ssyncset.done $0x0  }
0x17: {  	s1 =	simm.s32 $0x6;
	[sflag:s30] =	ssyncadd.s32 $0xFFFFE000  }
0x18: {  	_ =	swait.ge [sflag:s1], $0x2000  }
0x19: {  	s2 =	rddreg [dreg:$0xb]  }
0x1a: {  	s31 =	rddreg [dreg:$0xa];
	s2 =	sadd.s32 $0x1, s2  }
0x1b: {  	p0 =	sne.s32 s2, s31  }
.Ltmp1:
0x1c: {  	_ = 	snop;
	(pc) =	sbr.rel @!p0 .LBB2_21-.Ltmp1, $3  }
0x1d: {  	_ =	sdelay $0x1  }
0x1e: {  	[sflag:s1] =	ssyncset.done $0x0  }
0x1f: {  	[sflag:s1] =	ssyncadd.s32 $0xFFFFE000  }
.LBB2_1:
0x20: {  	[dreg:$0xb] =	wrdreg s2  }
0x21: {  	s1 =	simm.s32 $0x0;
	s0 =	rddreg [dreg:$0x5]  }
0x22: {  	[tilespmem:s15], [sflag:$0x1] =	stream.linear.gather [hbm4b:s0+s1], $0x8000, $0x38;
	[tilespmem:$0x18800] =	vst v63  }
0x23: {  	s29 =	rddreg [dreg:$0x6]  }
0x24: {  	[tilespmem:s16], [sflag:$0x2] =	stream.linear.gather [hbm4b:s29+s1], $0x8000, $0x38;
	[tilespmem:$0x18800] =	vst v63  }
0x25: {  	s30 =	rddreg [dreg:$0x1];
	s31 =	simm.s32 $0x7  }
0x26: {  	[tilespmem:s1], [sflag:$0x7] =	stream.linear.gather [hbm4b:s30+s1], $0x800, $0x38;
	[tilespmem:$0x18800] =	vst v63  }
0x27: {  	_ =	swait.ge [sflag:s31], $0x800  }
0x28: {  	[sflag:s31] =	ssyncset.done $0x0  }
0x29: {  	s2 =	simm.s32 $0x0;
	[sflag:s31] =	ssyncadd.s32 $0xFFFFF800  }
.LBB2_2:
0x2a: {  	s0 =	simm.s32 $0x1  }
0x2b: {  	_ =	swait.ge [sflag:s0], $0x8000  }
0x2c: {  	p0 =	seq.s32 s2, $0x0;
	[sflag:s0] =	ssyncset.done $0x0  }
0x2d: {  	s6 =	simm.s32 $0x0;
	s1 =	simm.s32 @!p0 $0x3;
	[sflag:s0] =	ssyncadd.s32 $0xFFFF8000  }
0x2e: {  	s4 =	sand.u32 $0x40, s6;
	_ =	swait.ge @!p0 [sflag:s1], $0x2000  }
0x2f: {  	s3 =	sand.u32 $0x780, s6;
	s9 =	sor.u32 $0x30, s4;
	[sflag:s1] =	ssyncset.done @!p0 $0x0  }
0x30: {  	s18 =	sor.u32 s9, s3;
	[sflag:s1] =	ssyncadd.s32 @!p0 $0xFFFFE000  }
0x31: {  	s5 =	sor.u32 $0x10, s4;
	v0 =	vld [tilespmem:s18+$0x0]  }
0x32: {  	s21 =	sor.u32 s5, s3  }
0x33: {  	v1 =	vld [tilespmem:s21+$0x0];
	_ =	sdelay $0x2  }
0x34: {  	s22 =	sor.u32 $0x20, s4;
	v2 =	vshll.u32 v0, $0x3  }
0x35: {  	s3 =	sor.u32 s22, s3;
	v0 =	vand.u32 $0x7F, v0;
	v2 =	vand.u32 $0xFFFFFC00, v2  }
0x36: {  	s7 =	simm.s32 $0x40;
	v4 =	vshll.u32 v1, $0x3;
	v0 =	vor.u32 v0, v2;
	v2 =	vld [tilespmem:s3+$0x0]  }
0x37: {  	v1 =	vand.u32 $0x7F, v1;
	v4 =	vand.u32 $0xFFFFFC00, v4;
	s3 =	sand.u32 $0x40, s7  }
0x38: {  	s23 =	simm.s32 $0x0;
	s12 =	sand.u32 $0x780, s7;
	v1 =	vor.u32 v1, v4;
	s17 =	sor.u32 $0x30, s3  }
0x39: {  	v10 =	vld [tilespmem:s23+$0x0];
	v6 =	vor.u32 $0x180, v0;
	s7 =	sor.u32 s17, s12  }
0x3a: {  	v3 =	vor.u32 $0x80, v0;
	s8 =	sor.u32 $0x10, s3;
	v13 =	vld [tilespmem:s7+$0x0];
	s7 =	sor.u32 $0x20, s3  }
0x3b: {  	v5 =	vor.u32 $0x100, v0;
	v4 =	vor.u32 $0x80, v1;
	s13 =	sor.u32 s8, s12;
	s12 =	sor.u32 s7, s12;
	v0 =	vld.idx.msk [tilespmem:v0+s15+$0x0], $0xffff;
	v7 =	vshll.u32 v2, $0x3  }
0x3c: {  	v2 =	vand.u32 $0x7F, v2;
	v16 =	vld [tilespmem:s12+$0x0];
	v7 =	vand.u32 $0xFFFFFC00, v7  }
0x3d: {  	v8 =	vor.u32 $0x100, v1;
	v9 =	vor.u32 $0x180, v1;
	v1 =	vld.idx.msk [tilespmem:v1+s15+$0x0], $0xffff;
	v2 =	vor.u32 v2, v7  }
0x3e: {  	v7 =	vld.idx.msk [tilespmem:v6+s15+$0x0], $0xffff;
	v6 =	vor.u32 $0x80, v2  }
0x3f: {  	v3 =	vld.idx.msk [tilespmem:v3+s15+$0x0], $0xffff  }
0x40: {  	v11 =	vld.idx.msk [tilespmem:v4+s15+$0x0], $0xffff;
	v4 =	vor.u32 $0x100, v2  }
0x41: {  	v5 =	vld.idx.msk [tilespmem:v5+s15+$0x0], $0xffff;
	v12 =	vor.u32 $0x180, v2  }
0x42: {  	p1 =	por $0x0, $0x0;
	s14 =	simm.s32 $0x1;
	v14 =	vshll.u32 v10, $0x3;
	v8 =	vld.idx.msk [tilespmem:v8+s15+$0x0], $0xffff  }
0x43: {  	s14 =	simm.s32 @!p1 $0x0;
	s6 =	sand.u32 $0x1E00, s6;
	v14 =	vand.u32 $0xFFFFFC00, v14;
	v15 =	vld.idx.msk [tilespmem:v6+s15+$0x0], $0xffff;
	v6 =	vand.u32 $0x7F, v10  }
0x44: {  	s24 =	sshll.u32 s14, $0x6;
	s6 =	sadd.s32 $0x10800, s6;
	v10 =	vld [tilespmem:s13+$0x0];
	v14 =	vor.u32 v6, v14  }
0x45: {  	s25 =	sadd.s32 $0x0, s24;
	s0 =	sor.u32 s9, s6;
	v18 =	vld.idx.msk [tilespmem:v4+s15+$0x0], $0xffff;
	v4 =	vshll.u32 v13, $0x3;
	v17 =	vor.u32 $0x80, v14  }
0x46: {  	s12 =	sadd.s32 $0x30, s25;
	[tilespmem:s0+$0x0] =	vst v0;
	v0 =	vand.u32 $0x7F, v13;
	v6 =	vld.idx.msk [tilespmem:v12+s15+$0x0], $0xffff;
	v4 =	vand.u32 $0xFFFFFC00, v4;
	v12 =	vor.u32 $0x180, v14  }
0x47: {  	v9 =	vld.idx.msk [tilespmem:v9+s15+$0x0], $0xffff;
	s26 =	sor.u32 $0x100, s12;
	[tilespmem:s0+$0x80] =	vst v3;
	v13 =	vor.u32 v0, v4  }
0x48: {  	v20 =	vld.idx.msk [tilespmem:v2+s15+$0x0], $0xffff;
	[tilespmem:s26+$0x10800] =	vst v5;
	v5 =	vor.u32 $0x80, v13  }
0x49: {  	s12 =	sor.u32 $0x180, s12;
	v0 =	vld.idx.msk [tilespmem:v14+s15+$0x0], $0xffff  }
0x4a: {  	s5 =	sor.u32 s5, s6;
	[tilespmem:s12+$0x10800] =	vst v7;
	v19 =	vor.u32 $0x100, v14;
	v4 =	vld.idx.msk [tilespmem:v17+s15+$0x0], $0xffff  }
0x4b: {  	s29 =	simm.s32 $0x40;
	s9 =	rddreg [dreg:$0x4];
	[tilespmem:s5+$0x80] =	vst v11;
	v7 =	vor.u32 $0x100, v13;
	v3 =	vld.idx.msk [tilespmem:v12+s15+$0x0], $0xffff;
	v12 =	vshll.u32 v10, $0x3  }
0x4c: {  	p1 =	por !p1, !p1;
	s31 =	sor.u32 s4, s6;
	s28 =	sadd.s32 $0x10, s25;
	[tilespmem:s5+$0x0] =	vst v1;
	v11 =	vand.u32 $0x7F, v10;
	v17 =	vor.u32 $0x180, v13;
	v10 =	vld.idx.msk [tilespmem:v13+s15+$0x0], $0xffff;
	v1 =	vand.u32 $0xFFFFFC00, v12  }
0x4d: {  	s4 =	simm.s32 $0x100;
	s21 =	sor.u32 s22, s6;
	s22 =	sor.u32 $0x100, s28;
	v14 =	vshll.u32 v16, $0x3;
	v13 =	vld.idx.msk [tilespmem:v5+s15+$0x0], $0xffff;
	v5 =	vor.u32 v11, v1  }
0x4e: {  	s30 =	sand.u32 $0x1E00, s4;
	s24 =	sor.u32 $0x180, s28;
	s23 =	sadd.s32 $0x20, s25;
	[tilespmem:s22+$0x10800] =	vst v8;
	v14 =	vand.u32 $0xFFFFFC00, v14;
	v12 =	vand.u32 $0x7F, v16;
	v16 =	vor.u32 $0x80, v5  }
0x4f: {  	s1 =	simm.s32 $0x4;
	s6 =	simm.s32 $0x1;
	s18 =	sor.u32 $0x100, s23;
	[tilespmem:s24+$0x10800] =	vst v9;
	v2 =	vld.idx.msk [tilespmem:v19+s15+$0x0], $0xffff;
	v1 =	vor.u32 v12, v14;
	v14 =	vor.u32 $0x100, v5  }
0x50: {  	s6 =	simm.s32 @!p1 $0x0;
	s0 =	sshll.u32 s2, $0x5;
	s12 =	sor.u32 $0x180, s23;
	[tilespmem:s21+$0x0] =	vst v20;
	v12 =	vld.idx.msk [tilespmem:v7+s15+$0x0], $0xffff;
	v11 =	vor.u32 $0x180, v5  }
0x51: {  	s13 =	sor.u32 $0x180, s25;
	s23 =	sshll.u32 s6, $0x6;
	s6 =	simm.s32 $0x80;
	[tilespmem:s21+$0x80] =	vst v15;
	v15 =	vld.idx.msk [tilespmem:v17+s15+$0x0], $0xffff  }
0x52: {  	s5 =	sor.u32 $0x100, s25;
	s14 =	sor.u32 s9, s0;
	s21 =	sadd.s32 $0x10800, s30;
	[tilespmem:s18+$0x10800] =	vst v18;
	v9 =	vor.u32 $0x80, v1;
	v8 =	vor.u32 $0x100, v1;
	v7 =	vor.u32 $0x180, v1;
	v17 =	vld [tilespmem:s29+$0x0]  }
.LBB2_3:
0x53: {  	s18 =	sand.u32 $0x40, s6;
	s25 =	sadd.s32 s23, s4;
	v16 =	vld.idx.msk [tilespmem:v16+s15+$0x0], $0xffff;
	s22 =	sor.u32 s17, s21;
	[tilespmem:s12+$0x10800] =	vst v6  }
0x54: {  	s12 =	sand.u32 $0x780, s6;
	s17 =	sor.u32 $0x30, s18;
	v18 =	vld.idx.msk [tilespmem:v14+s15+$0x0], $0xffff;
	[tilespmem:s22+$0x0] =	vst v10;
	s23 =	sadd.s32 $0x30, s25  }
0x55: {  	s1 =	sadd.s32 $0x4, s1;
	s24 =	sor.u32 s17, s12;
	v19 =	vld.idx.msk [tilespmem:v11+s15+$0x0], $0xffff;
	[tilespmem:s22+$0x80] =	vst v13;
	s22 =	sor.u32 $0x100, s23  }
0x56: {  	s26 =	sor.u32 $0x10, s18;
	p2 =	slt.u32 s1, $0x7C;
	v10 =	vld [tilespmem:s24+$0x0];
	[tilespmem:s22+$0x10800] =	vst v12;
	s22 =	sor.u32 $0x180, s23  }
0x57: {  	s28 =	sor.u32 $0x20, s18;
	s23 =	sor.u32 s26, s12;
	s24 =	sadd.s32 $0x10, s25;
	v6 =	vand.u32 $0x7F, v17;
	v11 =	vshll.u32 v17, $0x3;
	v9 =	vld.idx.msk [tilespmem:v9+s15+$0x0], $0xffff;
	[tilespmem:s22+$0x10800] =	vst v15  }
0x58: {  	s29 =	sadd.s32 $0x20, s25;
	s12 =	sor.u32 s28, s12;
	v12 =	vld [tilespmem:s23+$0x0];
	v11 =	vand.u32 $0xFFFFFC00, v11;
	s23 =	sor.u32 $0x100, s24;
	[tilespmem:s31+$0x80] =	vst v4  }
0x59: {  	s22 =	sor.u32 $0x100, s29;
	s24 =	sor.u32 $0x180, s24;
	v4 =	vld [tilespmem:s12+$0x0];
	v11 =	vor.u32 v6, v11;
	s12 =	sor.u32 $0x180, s29;
	[tilespmem:s31+$0x0] =	vst v0  }
0x5a: {  	s31 =	sor.u32 s3, s21;
	s29 =	sor.u32 $0x180, s25;
	v13 =	vor.u32 $0x80, v11;
	v14 =	vor.u32 $0x100, v11;
	v15 =	vor.u32 $0x180, v11;
	v20 =	vld.idx.msk [tilespmem:v8+s15+$0x0], $0xffff;
	[tilespmem:s5+$0x10800] =	vst v2;
	s5 =	sor.u32 $0x100, s25  }
0x5b: {  	s3 =	smov.u32 s18;
	s25 =	sor.u32 s8, s21;
	s21 =	sor.u32 s7, s21;
	v0 =	vshll.u32 v10, $0x3;
	v6 =	vld.idx.msk [tilespmem:v7+s15+$0x0], $0xffff;
	[tilespmem:s13+$0x10800] =	vst v3  }
0x5c: {  	s8 =	smov.u32 s26;
	s7 =	smov.u32 s28;
	v2 =	vand.u32 $0x7F, v10;
	s13 =	smov.u32 s29;
	v0 =	vand.u32 $0xFFFFFC00, v0;
	v17 =	vld.idx.msk [tilespmem:v5+s15+$0x0], $0xffff;
	[tilespmem:s25+$0x80] =	vst v16  }
0x5d: {  	v3 =	vand.u32 $0x7F, v12;
	v5 =	vshll.u32 v12, $0x3;
	v10 =	vor.u32 v2, v0;
	v21 =	vld.idx.msk [tilespmem:v1+s15+$0x0], $0xffff;
	[tilespmem:s21+$0x80] =	vst v9  }
0x5e: {  	v1 =	vand.u32 $0xFFFFFC00, v5;
	v2 =	vshll.u32 v4, $0x3;
	v12 =	vor.u32 $0x80, v10;
	v0 =	vld.idx.msk [tilespmem:v11+s15+$0x0], $0xffff  }
0x5f: {  	v7 =	vand.u32 $0x7F, v4;
	v22 =	vor.u32 $0x100, v10;
	v2 =	vand.u32 $0xFFFFFC00, v2;
	v4 =	vld.idx.msk [tilespmem:v13+s15+$0x0], $0xffff  }
0x60: {  	v23 =	vor.u32 $0x180, v10;
	v5 =	vor.u32 v3, v1;
	v1 =	vor.u32 v7, v2;
	v2 =	vld.idx.msk [tilespmem:v14+s15+$0x0], $0xffff  }
0x61: {  	v16 =	vor.u32 $0x80, v5;
	v14 =	vor.u32 $0x100, v5;
	v11 =	vor.u32 $0x180, v5;
	v3 =	vld.idx.msk [tilespmem:v15+s15+$0x0], $0xffff  }
.Ltmp2:
0x62: {  	v9 =	vor.u32 $0x80, v1;
	v8 =	vor.u32 $0x100, v1;
	v7 =	vor.u32 $0x180, v1;
	v10 =	vld.idx.msk [tilespmem:v10+s15+$0x0], $0xffff;
	[tilespmem:s25+$0x0] =	vst v17;
	(pc) =	sbr.rel @p2 .LBB2_3-.Ltmp2, $4  }
0x63: {  	v13 =	vld.idx.msk [tilespmem:v12+s15+$0x0], $0xffff;
	[tilespmem:s23+$0x10800] =	vst v18  }
0x64: {  	s4 =	sadd.s32 $0x100, s4;
	p1 =	por !p1, !p1;
	s18 =	simm.s32 $0x1;
	v12 =	vld.idx.msk [tilespmem:v22+s15+$0x0], $0xffff;
	[tilespmem:s24+$0x10800] =	vst v19  }
0x65: {  	s18 =	simm.s32 @!p1 $0x0;
	s25 =	sand.u32 $0x1E00, s4;
	s24 =	sshra.s32 s4, $0x2;
	v15 =	vld.idx.msk [tilespmem:v23+s15+$0x0], $0xffff;
	[tilespmem:s21+$0x0] =	vst v21  }
0x66: {  	s6 =	sadd.s32 $0x40, s6;
	s23 =	sshll.u32 s18, $0x6;
	s21 =	sadd.s32 $0x10800, s25;
	v17 =	vld [tilespmem:s24+$0x0];
	[tilespmem:s22+$0x10800] =	vst v20  }
0x67: {  	_ = 	snop  }
0x68: {  	[tilespmem:s12+$0x10800] =	vst v6  }
0x69: {  	[tilespmem:s31+$0x80] =	vst v4  }
0x6a: {  	s1 =	sadd.s32 s23, s4;
	s25 =	sor.u32 s17, s21;
	[tilespmem:s31+$0x0] =	vst v0  }
0x6b: {  	v6 =	vld.idx.msk [tilespmem:v16+s15+$0x0], $0xffff;
	[tilespmem:s25+$0x0] =	vst v10;
	s6 =	sadd.s32 $0x30, s1  }
0x6c: {  	v11 =	vld.idx.msk [tilespmem:v11+s15+$0x0], $0xffff;
	[tilespmem:s25+$0x80] =	vst v13;
	s26 =	sor.u32 $0x100, s6  }
0x6d: {  	v9 =	vld.idx.msk [tilespmem:v9+s15+$0x0], $0xffff;
	[tilespmem:s26+$0x10800] =	vst v12;
	v12 =	vshll.u32 v17, $0x3  }
0x6e: {  	v0 =	vld.idx.msk [tilespmem:v5+s15+$0x0], $0xffff;
	[tilespmem:s5+$0x10800] =	vst v2;
	v13 =	vand.u32 $0x7F, v17;
	v12 =	vand.u32 $0xFFFFFC00, v12  }
0x6f: {  	v1 =	vld.idx.msk [tilespmem:v1+s15+$0x0], $0xffff;
	s28 =	sor.u32 $0x180, s6;
	[tilespmem:s13+$0x10800] =	vst v3;
	v4 =	vor.u32 v13, v12  }
0x70: {  	s29 =	sor.u32 s8, s21;
	v10 =	vld.idx.msk [tilespmem:v14+s15+$0x0], $0xffff;
	[tilespmem:s28+$0x10800] =	vst v15;
	v5 =	vor.u32 $0x80, v4  }
0x71: {  	v8 =	vld.idx.msk [tilespmem:v8+s15+$0x0], $0xffff;
	s30 =	sor.u32 s7, s21;
	[tilespmem:s29+$0x80] =	vst v6;
	v3 =	vor.u32 $0x100, v4  }
0x72: {  	v2 =	vld.idx.msk [tilespmem:v7+s15+$0x0], $0xffff;
	[tilespmem:s30+$0x80] =	vst v9;
	v6 =	vor.u32 $0x180, v4  }
0x73: {  	s7 =	sadd.s32 $0x10, s1;
	[tilespmem:s29+$0x0] =	vst v0  }
0x74: {  	s12 =	sadd.s32 $0x20, s1;
	s8 =	sor.u32 $0x100, s7;
	[tilespmem:s30+$0x0] =	vst v1;
	v4 =	vld.idx.msk [tilespmem:v4+s15+$0x0], $0xffff  }
0x75: {  	s13 =	sor.u32 $0x100, s12;
	[tilespmem:s8+$0x10800] =	vst v10;
	v0 =	vld.idx.msk [tilespmem:v5+s15+$0x0], $0xffff  }
0x76: {  	s9 =	sor.u32 $0x180, s7;
	[tilespmem:s13+$0x10800] =	vst v8;
	v3 =	vld.idx.msk [tilespmem:v3+s15+$0x0], $0xffff  }
0x77: {  	s17 =	sor.u32 $0x180, s12;
	[tilespmem:s9+$0x10800] =	vst v11;
	v1 =	vld.idx.msk [tilespmem:v6+s15+$0x0], $0xffff  }
0x78: {  	s3 =	sor.u32 s3, s21;
	[tilespmem:s17+$0x10800] =	vst v2  }
0x79: {  	[tilespmem:s3+$0x0] =	vst v4  }
0x7a: {  	s18 =	sor.u32 $0x100, s1;
	[tilespmem:s3+$0x80] =	vst v0  }
0x7b: {  	s21 =	rddreg [dreg:$0x2];
	s1 =	sor.u32 $0x180, s1;
	s3 =	sshll.u32 s14, $0x8;
	[tilespmem:s18+$0x10800] =	vst v3  }
0x7c: {  	s22 =	simm.s32 $0x10800;
	[tilespmem:s1+$0x10800] =	vst v1;
	s1 =	sadd.s32 s21, s3  }
0x7d: {  	[hbm4b:s1+s19] =	stream.strided.scatter [tilespmem:s22], [sflag:$0x3], $0x2000, s20, s19, $0x38;
	[tilespmem:$0x18800] =	vst v63  }
0x7e: {  	s23 =	simm.s32 $0x0;
	s1 =	simm.s32 @!p0 $0x4  }
0x7f: {  	s5 =	sand.u32 $0x40, s23;
	_ =	swait.ge @!p0 [sflag:s1], $0x2000  }
0x80: {  	s24 =	sand.u32 $0x780, s23;
	s25 =	sor.u32 $0x30, s5;
	[sflag:s1] =	ssyncset.done @!p0 $0x0  }
0x81: {  	s26 =	sor.u32 s25, s24;
	[sflag:s1] =	ssyncadd.s32 @!p0 $0xFFFFE000  }
0x82: {  	s12 =	simm.s32 $0x40;
	v0 =	vld [tilespmem:s26+$0x0]  }
0x83: {  	s28 =	sor.u32 $0x10, s5;
	s13 =	sand.u32 $0x40, s12  }
0x84: {  	s29 =	sor.u32 s28, s24;
	s17 =	sand.u32 $0x780, s12;
	s21 =	sor.u32 $0x30, s13  }
0x85: {  	s1 =	sor.u32 s21, s17;
	v1 =	vld [tilespmem:s29+$0x0]  }
0x86: {  	v9 =	vld [tilespmem:s1+$0x0]  }
0x87: {  	v2 =	vshll.u32 v0, $0x3  }
0x88: {  	s30 =	sor.u32 $0x20, s5;
	v0 =	vand.u32 $0x7F, v0;
	v2 =	vand.u32 $0xFFFFFC00, v2  }
0x89: {  	s9 =	sor.u32 s30, s24;
	v0 =	vor.u32 v0, v2  }
0x8a: {  	s12 =	sor.u32 $0x10, s13;
	v6 =	vld [tilespmem:s9+$0x0];
	v4 =	vshll.u32 v1, $0x3;
	v2 =	vor.u32 $0x200, v0  }
0x8b: {  	s18 =	sor.u32 s12, s17;
	s1 =	sor.u32 $0x20, s13;
	v1 =	vand.u32 $0x7F, v1;
	v13 =	vshll.u32 v9, $0x3;
	v3 =	vor.u32 $0x280, v0  }
0x8c: {  	v11 =	vld [tilespmem:s18+$0x0];
	s6 =	sor.u32 s1, s17;
	v9 =	vand.u32 $0x7F, v9;
	v4 =	vand.u32 $0xFFFFFC00, v4;
	v5 =	vor.u32 $0x300, v0  }
0x8d: {  	s18 =	simm.s32 $0x0;
	v15 =	vld [tilespmem:s6+$0x0];
	v13 =	vand.u32 $0xFFFFFC00, v13;
	v1 =	vor.u32 v1, v4;
	v0 =	vor.u32 $0x380, v0  }
0x8e: {  	v9 =	vor.u32 v9, v13;
	v13 =	vld [tilespmem:s18+$0x0];
	v4 =	vor.u32 $0x200, v1  }
0x8f: {  	v10 =	vshll.u32 v6, $0x3;
	v7 =	vor.u32 $0x280, v1;
	v2 =	vld.idx.msk [tilespmem:v2+s15+$0x0], $0xffff  }
0x90: {  	v6 =	vand.u32 $0x7F, v6;
	v10 =	vand.u32 $0xFFFFFC00, v10;
	v8 =	vor.u32 $0x300, v1;
	v3 =	vld.idx.msk [tilespmem:v3+s15+$0x0], $0xffff  }
0x91: {  	v6 =	vor.u32 v6, v10;
	v1 =	vor.u32 $0x380, v1;
	v5 =	vld.idx.msk [tilespmem:v5+s15+$0x0], $0xffff  }
0x92: {  	v10 =	vor.u32 $0x200, v6;
	v0 =	vld.idx.msk [tilespmem:v0+s15+$0x0], $0xffff  }
0x93: {  	v12 =	vor.u32 $0x280, v6;
	v16 =	vor.u32 $0x200, v9;
	v4 =	vld.idx.msk [tilespmem:v4+s15+$0x0], $0xffff  }
0x94: {  	v18 =	vor.u32 $0x280, v9;
	v19 =	vor.u32 $0x300, v9;
	v9 =	vor.u32 $0x380, v9;
	v7 =	vld.idx.msk [tilespmem:v7+s15+$0x0], $0xffff  }
0x95: {  	s4 =	sand.u32 $0x1E00, s23;
	v14 =	vor.u32 $0x300, v6;
	v8 =	vld.idx.msk [tilespmem:v8+s15+$0x0], $0xffff  }
0x96: {  	p1 =	por $0x0, $0x0;
	s17 =	simm.s32 $0x1;
	s6 =	sadd.s32 $0x12800, s4;
	v6 =	vor.u32 $0x380, v6;
	v1 =	vld.idx.msk [tilespmem:v1+s15+$0x0], $0xffff  }
0x97: {  	s17 =	simm.s32 @!p1 $0x0;
	s14 =	sor.u32 s25, s6;
	v10 =	vld.idx.msk [tilespmem:v10+s15+$0x0], $0xffff  }
0x98: {  	s17 =	sshll.u32 s17, $0x6;
	v12 =	vld.idx.msk [tilespmem:v12+s15+$0x0], $0xffff;
	[tilespmem:s14+$0x0] =	vst v2  }
0x99: {  	s29 =	simm.s32 $0x100;
	s8 =	sor.u32 s28, s6;
	s4 =	sadd.s32 $0x0, s17;
	v17 =	vshll.u32 v11, $0x3;
	v9 =	vld.idx.msk [tilespmem:v9+s15+$0x0], $0xffff;
	[tilespmem:s14+$0x80] =	vst v3  }
0x9a: {  	p1 =	por !p1, !p1;
	s28 =	simm.s32 $0x80;
	v11 =	vand.u32 $0x7F, v11;
	s17 =	sadd.s32 $0x30, s4;
	v17 =	vand.u32 $0xFFFFFC00, v17;
	v2 =	vld.idx.msk [tilespmem:v14+s15+$0x0], $0xffff;
	[tilespmem:s8+$0x0] =	vst v4  }
0x9b: {  	s24 =	sadd.s32 $0x10, s4;
	s26 =	sadd.s32 $0x20, s4;
	s22 =	sor.u32 $0x100, s17;
	v11 =	vor.u32 v11, v17;
	v3 =	vld.idx.msk [tilespmem:v6+s15+$0x0], $0xffff;
	[tilespmem:s8+$0x80] =	vst v7  }
0x9c: {  	s23 =	sor.u32 $0x180, s17;
	s25 =	sor.u32 $0x100, s24;
	v6 =	vor.u32 $0x200, v11;
	v14 =	vld.idx.msk [tilespmem:v16+s15+$0x0], $0xffff;
	s8 =	sand.u32 $0x40, s28;
	[tilespmem:s22+$0x12800] =	vst v5  }
0x9d: {  	s17 =	sor.u32 $0x180, s24;
	v16 =	vld.idx.msk [tilespmem:v18+s15+$0x0], $0xffff;
	v7 =	vor.u32 $0x380, v11;
	[tilespmem:s25+$0x12800] =	vst v8;
	s25 =	sand.u32 $0x780, s28;
	s7 =	sor.u32 $0x30, s8  }
0x9e: {  	s24 =	sor.u32 s30, s6;
	s30 =	sand.u32 $0x1E00, s29;
	v4 =	vld.idx.msk [tilespmem:v19+s15+$0x0], $0xffff;
	[tilespmem:s23+$0x12800] =	vst v0;
	s23 =	sor.u32 s7, s25  }
0x9f: {  	s14 =	simm.s32 $0x1;
	[tilespmem:s24+$0x0] =	vst v10;
	v5 =	vor.u32 $0x280, v11;
	v0 =	vor.u32 $0x300, v11;
	v11 =	vshll.u32 v15, $0x3;
	v10 =	vld [tilespmem:s23+$0x0];
	s23 =	sadd.s32 $0x12800, s30;
	s30 =	simm.s32 $0x40  }
0xa0: {  	s18 =	sor.u32 $0x180, s26;
	s14 =	simm.s32 @!p1 $0x0;
	[tilespmem:s17+$0x12800] =	vst v1;
	v1 =	vand.u32 $0x7F, v15;
	v8 =	vand.u32 $0xFFFFFC00, v11;
	v15 =	vld [tilespmem:s30+$0x0]  }
0xa1: {  	s22 =	sor.u32 $0x100, s26;
	s26 =	sshll.u32 s14, $0x6;
	s14 =	sor.u32 $0x20, s8;
	v11 =	vshll.u32 v13, $0x3;
	v1 =	vor.u32 v1, v8;
	v6 =	vld.idx.msk [tilespmem:v6+s15+$0x0], $0xffff  }
0xa2: {  	[tilespmem:s24+$0x80] =	vst v12;
	v12 =	vand.u32 $0x7F, v13;
	s17 =	sor.u32 $0x10, s8;
	s28 =	sor.u32 s14, s25;
	v11 =	vand.u32 $0xFFFFFC00, v11;
	v8 =	vor.u32 $0x200, v1;
	v7 =	vld.idx.msk [tilespmem:v7+s15+$0x0], $0xffff  }
0xa3: {  	s9 =	sor.u32 s17, s25;
	[tilespmem:s22+$0x12800] =	vst v2;
	v2 =	vor.u32 $0x280, v1;
	v11 =	vor.u32 v12, v11;
	v12 =	vld [tilespmem:s28+$0x0]  }
0xa4: {  	s24 =	sadd.s32 $0x100, s26;
	s26 =	sor.u32 s21, s23;
	v13 =	vor.u32 $0x300, v1;
	[tilespmem:s18+$0x12800] =	vst v3;
	v3 =	vld [tilespmem:s9+$0x0]  }
0xa5: {  	s29 =	sadd.s32 $0x30, s24;
	v1 =	vor.u32 $0x380, v1;
	[tilespmem:s26+$0x0] =	vst v14;
	v5 =	vld.idx.msk [tilespmem:v5+s15+$0x0], $0xffff  }
0xa6: {  	[tilespmem:s26+$0x80] =	vst v16;
	v14 =	vor.u32 $0x200, v11;
	s9 =	sor.u32 $0x100, s29;
	v0 =	vld.idx.msk [tilespmem:v0+s15+$0x0], $0xffff  }
0xa7: {  	s21 =	sor.u32 $0x180, s29;
	v16 =	vor.u32 $0x280, v11;
	v17 =	vor.u32 $0x300, v11;
	[tilespmem:s9+$0x12800] =	vst v4;
	v4 =	vshll.u32 v10, $0x3;
	v18 =	vld.idx.msk [tilespmem:v8+s15+$0x0], $0xffff  }
0xa8: {  	s12 =	sor.u32 s12, s23;
	v11 =	vor.u32 $0x380, v11;
	[tilespmem:s21+$0x12800] =	vst v9;
	v4 =	vand.u32 $0xFFFFFC00, v4;
	v8 =	vand.u32 $0x7F, v10;
	v2 =	vld.idx.msk [tilespmem:v2+s15+$0x0], $0xffff  }
0xa9: {  	s22 =	sadd.s32 $0x10, s24;
	[tilespmem:s12+$0x0] =	vst v6;
	v19 =	vld.idx.msk [tilespmem:v13+s15+$0x0], $0xffff;
	v6 =	vand.u32 $0x7F, v3;
	v3 =	vshll.u32 v3, $0x3;
	v4 =	vor.u32 v8, v4  }
0xaa: {  	s25 =	sor.u32 $0x100, s22;
	v1 =	vld.idx.msk [tilespmem:v1+s15+$0x0], $0xffff;
	[tilespmem:s12+$0x80] =	vst v5;
	v5 =	vshll.u32 v12, $0x3;
	v3 =	vand.u32 $0xFFFFFC00, v3;
	v20 =	vor.u32 $0x200, v4  }
0xab: {  	s26 =	sor.u32 $0x180, s22;
	v22 =	vld.idx.msk [tilespmem:v14+s15+$0x0], $0xffff;
	[tilespmem:s25+$0x12800] =	vst v0;
	v0 =	vand.u32 $0xFFFFFC00, v5;
	v21 =	vor.u32 $0x280, v4;
	v5 =	vshll.u32 v15, $0x3  }
0xac: {  	s1 =	sor.u32 s1, s23;
	v8 =	vld.idx.msk [tilespmem:v16+s15+$0x0], $0xffff;
	v23 =	vor.u32 $0x300, v4;
	v13 =	vor.u32 $0x380, v4;
	v4 =	vand.u32 $0x7F, v15;
	[tilespmem:s26+$0x12800] =	vst v7  }
0xad: {  	s28 =	sadd.s32 $0x20, s24;
	v9 =	vld.idx.msk [tilespmem:v17+s15+$0x0], $0xffff;
	v7 =	vand.u32 $0x7F, v12;
	v5 =	vand.u32 $0xFFFFFC00, v5;
	v3 =	vor.u32 v6, v3;
	[tilespmem:s1+$0x0] =	vst v18  }
0xae: {  	p1 =	por !p1, !p1;
	s31 =	sor.u32 $0x100, s24;
	s29 =	sor.u32 $0x100, s28;
	v10 =	vld.idx.msk [tilespmem:v11+s15+$0x0], $0xffff;
	v12 =	vor.u32 $0x200, v3;
	v0 =	vor.u32 v7, v0;
	v7 =	vor.u32 v4, v5;
	[tilespmem:s1+$0x80] =	vst v2  }
0xaf: {  	s22 =	sor.u32 s5, s6;
	s30 =	sor.u32 $0x180, s28;
	s5 =	sor.u32 s13, s23;
	v15 =	vor.u32 $0x280, v3;
	v11 =	vor.u32 $0x300, v3;
	v6 =	vor.u32 $0x380, v3;
	[tilespmem:s29+$0x12800] =	vst v19;
	v14 =	vld.idx.msk [tilespmem:v20+s15+$0x0], $0xffff  }
0xb0: {  	s13 =	sor.u32 $0x180, s24;
	s6 =	simm.s32 $0xC0;
	s21 =	sor.u32 $0x180, s4;
	v5 =	vor.u32 $0x200, v0;
	v4 =	vor.u32 $0x280, v0;
	v3 =	vor.u32 $0x300, v0;
	[tilespmem:s22+$0x0] =	vst v22;
	v17 =	vld.idx.msk [tilespmem:v21+s15+$0x0], $0xffff  }
0xb1: {  	s12 =	sor.u32 $0x100, s4;
	s4 =	simm.s32 $0x200;
	s1 =	simm.s32 $0x8;
	v2 =	vor.u32 $0x380, v0;
	v0 =	vor.u32 $0x280, v7;
	[tilespmem:s30+$0x12800] =	vst v1;
	v16 =	vld.idx.msk [tilespmem:v23+s15+$0x0], $0xffff;
	v1 =	vor.u32 $0x200, v7  }
.LBB2_5:
0xb2: {  	s23 =	simm.s32 $0x1  }
0xb3: {  	s18 =	sand.u32 $0x780, s6;
	s24 =	sand.u32 $0x1E00, s4;
	v13 =	vld.idx.msk [tilespmem:v13+s15+$0x0], $0xffff;
	v18 =	vor.u32 $0x300, v7;
	v19 =	vor.u32 $0x380, v7;
	[tilespmem:s22+$0x80] =	vst v8;
	s23 =	simm.s32 @!p1 $0x0  }
0xb4: {  	s22 =	sand.u32 $0x40, s6;
	s25 =	sadd.s32 $0x12800, s24;
	s23 =	sshll.u32 s23, $0x6;
	v7 =	vld.idx.msk [tilespmem:v12+s15+$0x0], $0xffff;
	[tilespmem:s12+$0x12800] =	vst v9  }
0xb5: {  	s12 =	sadd.s32 s23, s4;
	v8 =	vld.idx.msk [tilespmem:v15+s15+$0x0], $0xffff;
	s23 =	sor.u32 s7, s25;
	s7 =	sor.u32 $0x30, s22;
	[tilespmem:s21+$0x12800] =	vst v10  }
0xb6: {  	s21 =	sor.u32 $0x10, s22;
	s24 =	sor.u32 s7, s18;
	v9 =	vld.idx.msk [tilespmem:v11+s15+$0x0], $0xffff;
	[tilespmem:s23+$0x0] =	vst v14;
	s26 =	sadd.s32 $0x30, s12  }
0xb7: {  	s1 =	sadd.s32 $0x4, s1;
	s28 =	sor.u32 $0x20, s22;
	v10 =	vld [tilespmem:s24+$0x0];
	[tilespmem:s23+$0x80] =	vst v17;
	s23 =	sor.u32 $0x100, s26  }
0xb8: {  	p2 =	slt.u32 s1, $0x7C;
	s24 =	sor.u32 s21, s18;
	v6 =	vld.idx.msk [tilespmem:v6+s15+$0x0], $0xffff;
	[tilespmem:s23+$0x12800] =	vst v16;
	s23 =	sor.u32 $0x180, s26  }
0xb9: {  	s18 =	sor.u32 s28, s18;
	s26 =	sadd.s32 $0x10, s12;
	v11 =	vld [tilespmem:s24+$0x0];
	s24 =	sshra.s32 s4, $0x2;
	[tilespmem:s23+$0x12800] =	vst v13  }
0xba: {  	s23 =	sadd.s32 $0x20, s12;
	v12 =	vld [tilespmem:s18+$0x0];
	s18 =	sor.u32 $0x100, s26;
	s26 =	sor.u32 $0x180, s26  }
0xbb: {  	s29 =	sor.u32 $0x100, s12;
	v14 =	vld [tilespmem:s24+$0x0];
	s24 =	sor.u32 $0x100, s23;
	s23 =	sor.u32 $0x180, s23  }
0xbc: {  	s30 =	sor.u32 s8, s25;
	s9 =	sor.u32 $0x180, s12;
	s12 =	sor.u32 s17, s25;
	v13 =	vshll.u32 v10, $0x3;
	v5 =	vld.idx.msk [tilespmem:v5+s15+$0x0], $0xffff  }
0xbd: {  	s8 =	smov.u32 s22;
	s25 =	sor.u32 s14, s25;
	s17 =	smov.u32 s21;
	v10 =	vand.u32 $0x7F, v10;
	v13 =	vand.u32 $0xFFFFFC00, v13;
	[tilespmem:s12+$0x0] =	vst v7;
	v4 =	vld.idx.msk [tilespmem:v4+s15+$0x0], $0xffff  }
0xbe: {  	s14 =	smov.u32 s28;
	v7 =	vand.u32 $0x7F, v11;
	v11 =	vshll.u32 v11, $0x3;
	v10 =	vor.u32 v10, v13;
	[tilespmem:s12+$0x80] =	vst v8;
	v3 =	vld.idx.msk [tilespmem:v3+s15+$0x0], $0xffff;
	s12 =	smov.u32 s31;
	s31 =	smov.u32 s29  }
0xbf: {  	s22 =	smov.u32 s5;
	s5 =	smov.u32 s30;
	s21 =	smov.u32 s13;
	v11 =	vand.u32 $0xFFFFFC00, v11;
	v8 =	vshll.u32 v12, $0x3;
	v16 =	vor.u32 $0x200, v10;
	[tilespmem:s18+$0x12800] =	vst v9;
	v2 =	vld.idx.msk [tilespmem:v2+s15+$0x0], $0xffff  }
0xc0: {  	s13 =	smov.u32 s9;
	v17 =	vor.u32 $0x280, v10;
	v15 =	vand.u32 $0xFFFFFC00, v8;
	v8 =	vshll.u32 v14, $0x3;
	[tilespmem:s26+$0x12800] =	vst v6;
	v20 =	vld.idx.msk [tilespmem:v1+s15+$0x0], $0xffff  }
0xc1: {  	v21 =	vor.u32 $0x300, v10;
	v1 =	vand.u32 $0x7F, v12;
	v6 =	vand.u32 $0xFFFFFC00, v8;
	v8 =	vld.idx.msk [tilespmem:v0+s15+$0x0], $0xffff  }
.Ltmp3:
0xc2: {  	v13 =	vor.u32 $0x380, v10;
	v0 =	vor.u32 v7, v11;
	v7 =	vand.u32 $0x7F, v14;
	[tilespmem:s25+$0x0] =	vst v5;
	v9 =	vld.idx.msk [tilespmem:v18+s15+$0x0], $0xffff;
	(pc) =	sbr.rel @p2 .LBB2_5-.Ltmp3, $4  }
0xc3: {  	v1 =	vor.u32 v1, v15;
	v12 =	vor.u32 $0x200, v0;
	v7 =	vor.u32 v7, v6;
	[tilespmem:s25+$0x80] =	vst v4;
	v10 =	vld.idx.msk [tilespmem:v19+s15+$0x0], $0xffff  }
0xc4: {  	v15 =	vor.u32 $0x280, v0;
	v11 =	vor.u32 $0x300, v0;
	v6 =	vor.u32 $0x380, v0;
	v14 =	vld.idx.msk [tilespmem:v16+s15+$0x0], $0xffff;
	[tilespmem:s24+$0x12800] =	vst v3  }
0xc5: {  	v5 =	vor.u32 $0x200, v1;
	v4 =	vor.u32 $0x280, v1;
	v3 =	vor.u32 $0x300, v1;
	v17 =	vld.idx.msk [tilespmem:v17+s15+$0x0], $0xffff;
	[tilespmem:s23+$0x12800] =	vst v2  }
0xc6: {  	s6 =	sadd.s32 $0x40, s6;
	p1 =	por !p1, !p1;
	s4 =	sadd.s32 $0x100, s4;
	v0 =	vor.u32 $0x280, v7;
	v2 =	vor.u32 $0x380, v1;
	v1 =	vor.u32 $0x200, v7;
	v16 =	vld.idx.msk [tilespmem:v21+s15+$0x0], $0xffff;
	[tilespmem:s22+$0x0] =	vst v20  }
0xc7: {  	_ =	sdelay $0x1  }
0xc8: {  	s1 =	simm.s32 $0x1;
	s9 =	sshra.s32 s4, $0x2  }
0xc9: {  	s6 =	sand.u32 $0x1E00, s4;
	[tilespmem:s22+$0x80] =	vst v8;
	s1 =	simm.s32 @!p1 $0x0;
	v8 =	vld [tilespmem:s9+$0x0]  }
0xca: {  	s6 =	sadd.s32 $0x12800, s6;
	[tilespmem:s12+$0x12800] =	vst v9;
	v9 =	vld.idx.msk [tilespmem:v12+s15+$0x0], $0xffff;
	s1 =	sshll.u32 s1, $0x6  }
0xcb: {  	v13 =	vld.idx.msk [tilespmem:v13+s15+$0x0], $0xffff;
	s12 =	sor.u32 s7, s6;
	[tilespmem:s21+$0x12800] =	vst v10;
	s1 =	sadd.s32 s1, s4  }
0xcc: {  	v10 =	vld.idx.msk [tilespmem:v15+s15+$0x0], $0xffff;
	[tilespmem:s12+$0x0] =	vst v14;
	s18 =	sadd.s32 $0x30, s1  }
0xcd: {  	v11 =	vld.idx.msk [tilespmem:v11+s15+$0x0], $0xffff;
	[tilespmem:s12+$0x80] =	vst v17;
	s21 =	sor.u32 $0x100, s18  }
0xce: {  	v6 =	vld.idx.msk [tilespmem:v6+s15+$0x0], $0xffff;
	s23 =	sor.u32 s17, s6;
	[tilespmem:s21+$0x12800] =	vst v16  }
0xcf: {  	v5 =	vld.idx.msk [tilespmem:v5+s15+$0x0], $0xffff;
	s22 =	sor.u32 $0x180, s18;
	v12 =	vshll.u32 v8, $0x3;
	[tilespmem:s23+$0x0] =	vst v9  }
0xd0: {  	v4 =	vld.idx.msk [tilespmem:v4+s15+$0x0], $0xffff;
	s24 =	sadd.s32 $0x10, s1;
	v8 =	vand.u32 $0x7F, v8;
	[tilespmem:s22+$0x12800] =	vst v13;
	v13 =	vor.u32 $0x300, v7;
	v9 =	vand.u32 $0xFFFFFC00, v12  }
0xd1: {  	v3 =	vld.idx.msk [tilespmem:v3+s15+$0x0], $0xffff;
	s25 =	sor.u32 $0x100, s24;
	v7 =	vor.u32 $0x380, v7;
	[tilespmem:s23+$0x80] =	vst v10;
	v8 =	vor.u32 v8, v9  }
0xd2: {  	v2 =	vld.idx.msk [tilespmem:v2+s15+$0x0], $0xffff;
	s26 =	sor.u32 $0x180, s24;
	[tilespmem:s25+$0x12800] =	vst v11;
	v9 =	vor.u32 $0x200, v8  }
0xd3: {  	v1 =	vld.idx.msk [tilespmem:v1+s15+$0x0], $0xffff;
	s28 =	sor.u32 s14, s6;
	[tilespmem:s26+$0x12800] =	vst v6;
	v6 =	vor.u32 $0x280, v8  }
0xd4: {  	v0 =	vld.idx.msk [tilespmem:v0+s15+$0x0], $0xffff;
	s29 =	sadd.s32 $0x20, s1;
	[tilespmem:s28+$0x0] =	vst v5;
	v5 =	vor.u32 $0x300, v8  }
0xd5: {  	s30 =	sor.u32 $0x100, s29;
	[tilespmem:s28+$0x80] =	vst v4;
	v4 =	vor.u32 $0x380, v8;
	v10 =	vld.idx.msk [tilespmem:v13+s15+$0x0], $0xffff  }
0xd6: {  	s4 =	sor.u32 $0x180, s29;
	[tilespmem:s30+$0x12800] =	vst v3;
	v7 =	vld.idx.msk [tilespmem:v7+s15+$0x0], $0xffff  }
0xd7: {  	[tilespmem:s4+$0x12800] =	vst v2;
	v2 =	vld.idx.msk [tilespmem:v9+s15+$0x0], $0xffff  }
0xd8: {  	[tilespmem:s5+$0x0] =	vst v1;
	v1 =	vld.idx.msk [tilespmem:v6+s15+$0x0], $0xffff  }
0xd9: {  	[tilespmem:s5+$0x80] =	vst v0;
	v0 =	vld.idx.msk [tilespmem:v5+s15+$0x0], $0xffff  }
0xda: {  	v3 =	vld.idx.msk [tilespmem:v4+s15+$0x0], $0xffff;
	[tilespmem:s31+$0x12800] =	vst v10  }
0xdb: {  	s12 =	sor.u32 s8, s6;
	[tilespmem:s13+$0x12800] =	vst v7  }
0xdc: {  	[tilespmem:s12+$0x0] =	vst v2  }
0xdd: {  	s14 =	sor.u32 $0x100, s1;
	[tilespmem:s12+$0x80] =	vst v1  }
0xde: {  	s1 =	sor.u32 $0x180, s1;
	[tilespmem:s14+$0x12800] =	vst v0  }
0xdf: {  	[tilespmem:s1+$0x12800] =	vst v3  }
0xe0: {  	s1 =	rddreg [dreg:$0x7]  }
0xe1: {  	s17 =	simm.s32 $0x12800;
	s1 =	sadd.s32 s3, s1  }
0xe2: {  	[hbm4b:s1+s19] =	stream.strided.scatter [tilespmem:s17], [sflag:$0x4], $0x2000, s20, s19, $0x38;
	[tilespmem:$0x18800] =	vst v63  }
0xe3: {  	s18 =	simm.s32 $0x0;
	s1 =	simm.s32 @!p0 $0x5  }
0xe4: {  	s5 =	sand.u32 $0x40, s18;
	_ =	swait.ge @!p0 [sflag:s1], $0x2000  }
0xe5: {  	s21 =	sand.u32 $0x780, s18;
	s22 =	sor.u32 $0x30, s5;
	[sflag:s1] =	ssyncset.done @!p0 $0x0  }
0xe6: {  	s26 =	simm.s32 $0x40;
	s23 =	sor.u32 s22, s21;
	[sflag:s1] =	ssyncadd.s32 @!p0 $0xFFFFE000  }
0xe7: {  	s28 =	sand.u32 $0x780, s26;
	v0 =	vld [tilespmem:s23+$0x0]  }
0xe8: {  	s8 =	sor.u32 $0x10, s5;
	s7 =	sor.u32 $0x20, s5;
	s13 =	sand.u32 $0x40, s26  }
0xe9: {  	s24 =	sor.u32 s8, s21;
	s25 =	sor.u32 s7, s21;
	s21 =	sor.u32 $0x30, s13  }
0xea: {  	s1 =	sor.u32 s21, s28;
	v1 =	vld [tilespmem:s24+$0x0]  }
0xeb: {  	v9 =	vld [tilespmem:s1+$0x0]  }
0xec: {  	v2 =	vshll.u32 v0, $0x3  }
0xed: {  	v0 =	vand.u32 $0x7F, v0;
	v2 =	vand.u32 $0xFFFFFC00, v2  }
0xee: {  	v0 =	vor.u32 v0, v2  }
0xef: {  	s12 =	sor.u32 $0x10, s13;
	v6 =	vld [tilespmem:s25+$0x0];
	v4 =	vshll.u32 v1, $0x3;
	v2 =	vadd.s32 $0x4000, v0  }
0xf0: {  	s29 =	sor.u32 s12, s28;
	s1 =	sor.u32 $0x20, s13;
	v1 =	vand.u32 $0x7F, v1;
	v13 =	vshll.u32 v9, $0x3;
	v3 =	vadd.s32 $0x4080, v0  }
0xf1: {  	v11 =	vld [tilespmem:s29+$0x0];
	s6 =	sor.u32 s1, s28;
	v9 =	vand.u32 $0x7F, v9;
	v4 =	vand.u32 $0xFFFFFC00, v4;
	v5 =	vadd.s32 $0x4100, v0  }
0xf2: {  	s30 =	simm.s32 $0x0;
	v15 =	vld [tilespmem:s6+$0x0];
	v13 =	vand.u32 $0xFFFFFC00, v13;
	v1 =	vor.u32 v1, v4;
	v0 =	vadd.s32 $0x4180, v0  }
0xf3: {  	v9 =	vor.u32 v9, v13;
	v13 =	vld [tilespmem:s30+$0x0];
	v4 =	vadd.s32 $0x4000, v1  }
0xf4: {  	v10 =	vshll.u32 v6, $0x3;
	v7 =	vadd.s32 $0x4080, v1;
	v2 =	vld.idx.msk [tilespmem:v2+s15+$0x0], $0xffff  }
0xf5: {  	v6 =	vand.u32 $0x7F, v6;
	v10 =	vand.u32 $0xFFFFFC00, v10;
	v8 =	vadd.s32 $0x4100, v1;
	v3 =	vld.idx.msk [tilespmem:v3+s15+$0x0], $0xffff  }
0xf6: {  	v6 =	vor.u32 v6, v10;
	v1 =	vadd.s32 $0x4180, v1;
	v5 =	vld.idx.msk [tilespmem:v5+s15+$0x0], $0xffff  }
0xf7: {  	v10 =	vadd.s32 $0x4000, v6;
	v0 =	vld.idx.msk [tilespmem:v0+s15+$0x0], $0xffff  }
0xf8: {  	v12 =	vadd.s32 $0x4080, v6;
	v16 =	vadd.s32 $0x4000, v9;
	v4 =	vld.idx.msk [tilespmem:v4+s15+$0x0], $0xffff  }
0xf9: {  	v18 =	vadd.s32 $0x4080, v9;
	v19 =	vadd.s32 $0x4100, v9;
	v9 =	vadd.s32 $0x4180, v9;
	v7 =	vld.idx.msk [tilespmem:v7+s15+$0x0], $0xffff  }
0xfa: {  	s4 =	sand.u32 $0x1E00, s18;
	v14 =	vadd.s32 $0x4100, v6;
	v8 =	vld.idx.msk [tilespmem:v8+s15+$0x0], $0xffff  }
0xfb: {  	p1 =	por $0x0, $0x0;
	s9 =	simm.s32 $0x1;
	s6 =	sadd.s32 $0x14800, s4;
	v6 =	vadd.s32 $0x4180, v6;
	v1 =	vld.idx.msk [tilespmem:v1+s15+$0x0], $0xffff  }
0xfc: {  	s9 =	simm.s32 @!p1 $0x0;
	s14 =	sor.u32 s22, s6;
	v10 =	vld.idx.msk [tilespmem:v10+s15+$0x0], $0xffff  }
0xfd: {  	s9 =	sshll.u32 s9, $0x6;
	v12 =	vld.idx.msk [tilespmem:v12+s15+$0x0], $0xffff;
	[tilespmem:s14+$0x0] =	vst v2  }
0xfe: {  	s4 =	sadd.s32 $0x0, s9;
	s8 =	sor.u32 s8, s6;
	v17 =	vshll.u32 v11, $0x3;
	v9 =	vld.idx.msk [tilespmem:v9+s15+$0x0], $0xffff;
	[tilespmem:s14+$0x80] =	vst v3  }
0xff: {  	s26 =	simm.s32 $0x80;
	s17 =	sadd.s32 $0x30, s4;
	v11 =	vand.u32 $0x7F, v11;
	v17 =	vand.u32 $0xFFFFFC00, v17;
	v2 =	vld.idx.msk [tilespmem:v14+s15+$0x0], $0xffff;
	[tilespmem:s8+$0x0] =	vst v4  }
0x100: {  	s29 =	simm.s32 $0x100;
	s23 =	sadd.s32 $0x10, s4;
	s18 =	sor.u32 $0x100, s17;
	v11 =	vor.u32 v11, v17;
	v3 =	vld.idx.msk [tilespmem:v6+s15+$0x0], $0xffff;
	[tilespmem:s8+$0x80] =	vst v7  }
0x101: {  	s28 =	sand.u32 $0x780, s26;
	s22 =	sor.u32 $0x180, s17;
	s24 =	sor.u32 $0x100, s23;
	v6 =	vadd.s32 $0x4000, v11;
	v14 =	vld.idx.msk [tilespmem:v16+s15+$0x0], $0xffff;
	[tilespmem:s18+$0x14800] =	vst v5  }
0x102: {  	s30 =	sand.u32 $0x1E00, s29;
	s29 =	simm.s32 $0x40;
	v16 =	vld.idx.msk [tilespmem:v18+s15+$0x0], $0xffff;
	v7 =	vadd.s32 $0x4180, v11;
	s8 =	sand.u32 $0x40, s26;
	[tilespmem:s24+$0x14800] =	vst v8  }
0x103: {  	s14 =	sor.u32 $0x180, s23;
	v4 =	vld.idx.msk [tilespmem:v19+s15+$0x0], $0xffff;
	s23 =	sor.u32 s7, s6;
	v5 =	vadd.s32 $0x4080, v11;
	s7 =	sor.u32 $0x30, s8;
	[tilespmem:s22+$0x14800] =	vst v0  }
0x104: {  	v0 =	vadd.s32 $0x4100, v11;
	v11 =	vshll.u32 v15, $0x3;
	[tilespmem:s14+$0x14800] =	vst v1;
	v1 =	vand.u32 $0x7F, v15;
	s24 =	sor.u32 s7, s28;
	v15 =	vld [tilespmem:s29+$0x0]  }
0x105: {  	p1 =	por !p1, !p1;
	s25 =	sadd.s32 $0x20, s4;
	[tilespmem:s23+$0x0] =	vst v10;
	v8 =	vand.u32 $0xFFFFFC00, v11;
	v10 =	vld [tilespmem:s24+$0x0]  }
0x106: {  	s18 =	sor.u32 $0x100, s25;
	s17 =	sor.u32 $0x10, s8;
	s14 =	simm.s32 $0x1;
	v1 =	vor.u32 v1, v8;
	v6 =	vld.idx.msk [tilespmem:v6+s15+$0x0], $0xffff  }
0x107: {  	[tilespmem:s23+$0x80] =	vst v12;
	s23 =	sadd.s32 $0x14800, s30;
	s22 =	sor.u32 $0x180, s25;
	s14 =	simm.s32 @!p1 $0x0;
	v8 =	vadd.s32 $0x4000, v1;
	v7 =	vld.idx.msk [tilespmem:v7+s15+$0x0], $0xffff  }
0x108: {  	s26 =	sor.u32 s17, s28;
	v11 =	vshll.u32 v13, $0x3;
	s25 =	sshll.u32 s14, $0x6;
	s14 =	sor.u32 $0x20, s8;
	[tilespmem:s18+$0x14800] =	vst v2;
	v2 =	vadd.s32 $0x4080, v1;
	v5 =	vld.idx.msk [tilespmem:v5+s15+$0x0], $0xffff  }
0x109: {  	v12 =	vand.u32 $0x7F, v13;
	s21 =	sor.u32 s21, s23;
	v11 =	vand.u32 $0xFFFFFC00, v11;
	v13 =	vadd.s32 $0x4100, v1;
	s24 =	sadd.s32 $0x100, s25;
	s9 =	sor.u32 s14, s28;
	[tilespmem:s22+$0x14800] =	vst v3;
	v3 =	vld [tilespmem:s26+$0x0]  }
0x10a: {  	v11 =	vor.u32 v12, v11;
	v1 =	vadd.s32 $0x4180, v1;
	[tilespmem:s21+$0x0] =	vst v14;
	s28 =	sadd.s32 $0x30, s24;
	v12 =	vld [tilespmem:s9+$0x0]  }
0x10b: {  	[tilespmem:s21+$0x80] =	vst v16;
	v14 =	vadd.s32 $0x4000, v11;
	v0 =	vld.idx.msk [tilespmem:v0+s15+$0x0], $0xffff;
	s30 =	sor.u32 $0x100, s28  }
0x10c: {  	v16 =	vadd.s32 $0x4080, v11;
	v17 =	vadd.s32 $0x4100, v11;
	s18 =	sor.u32 $0x180, s28;
	[tilespmem:s30+$0x14800] =	vst v4;
	v4 =	vshll.u32 v10, $0x3;
	v18 =	vld.idx.msk [tilespmem:v8+s15+$0x0], $0xffff  }
0x10d: {  	s21 =	sor.u32 s12, s23;
	v11 =	vadd.s32 $0x4180, v11;
	[tilespmem:s18+$0x14800] =	vst v9;
	v4 =	vand.u32 $0xFFFFFC00, v4;
	v8 =	vand.u32 $0x7F, v10;
	v2 =	vld.idx.msk [tilespmem:v2+s15+$0x0], $0xffff  }
0x10e: {  	s22 =	sadd.s32 $0x10, s24;
	[tilespmem:s21+$0x0] =	vst v6;
	v19 =	vld.idx.msk [tilespmem:v13+s15+$0x0], $0xffff;
	v6 =	vand.u32 $0x7F, v3;
	v3 =	vshll.u32 v3, $0x3;
	v4 =	vor.u32 v8, v4  }
0x10f: {  	s25 =	sor.u32 $0x100, s22;
	v1 =	vld.idx.msk [tilespmem:v1+s15+$0x0], $0xffff;
	[tilespmem:s21+$0x80] =	vst v5;
	v5 =	vshll.u32 v12, $0x3;
	v3 =	vand.u32 $0xFFFFFC00, v3;
	v20 =	vadd.s32 $0x4000, v4  }
0x110: {  	s26 =	sor.u32 $0x180, s22;
	v22 =	vld.idx.msk [tilespmem:v14+s15+$0x0], $0xffff;
	[tilespmem:s25+$0x14800] =	vst v0;
	v0 =	vand.u32 $0xFFFFFC00, v5;
	v21 =	vadd.s32 $0x4080, v4;
	v5 =	vshll.u32 v15, $0x3  }
0x111: {  	s1 =	sor.u32 s1, s23;
	v8 =	vld.idx.msk [tilespmem:v16+s15+$0x0], $0xffff;
	v23 =	vadd.s32 $0x4100, v4;
	v13 =	vadd.s32 $0x4180, v4;
	v4 =	vand.u32 $0x7F, v15;
	[tilespmem:s26+$0x14800] =	vst v7  }
0x112: {  	s28 =	sadd.s32 $0x20, s24;
	v9 =	vld.idx.msk [tilespmem:v17+s15+$0x0], $0xffff;
	v7 =	vand.u32 $0x7F, v12;
	v5 =	vand.u32 $0xFFFFFC00, v5;
	v3 =	vor.u32 v6, v3;
	[tilespmem:s1+$0x0] =	vst v18  }
0x113: {  	p1 =	por !p1, !p1;
	s12 =	sor.u32 $0x100, s4;
	s29 =	sor.u32 $0x100, s28;
	v10 =	vld.idx.msk [tilespmem:v11+s15+$0x0], $0xffff;
	v12 =	vadd.s32 $0x4000, v3;
	v0 =	vor.u32 v7, v0;
	v7 =	vor.u32 v4, v5;
	[tilespmem:s1+$0x80] =	vst v2  }
0x114: {  	s31 =	sor.u32 $0x100, s24;
	s22 =	sor.u32 s5, s6;
	s5 =	sor.u32 s13, s23;
	v15 =	vadd.s32 $0x4080, v3;
	v11 =	vadd.s32 $0x4100, v3;
	v6 =	vadd.s32 $0x4180, v3;
	[tilespmem:s29+$0x14800] =	vst v19;
	v14 =	vld.idx.msk [tilespmem:v20+s15+$0x0], $0xffff  }
0x115: {  	s13 =	sor.u32 $0x180, s24;
	s6 =	simm.s32 $0xC0;
	s30 =	sor.u32 $0x180, s28;
	v5 =	vadd.s32 $0x4000, v0;
	v4 =	vadd.s32 $0x4080, v0;
	v3 =	vadd.s32 $0x4100, v0;
	[tilespmem:s22+$0x0] =	vst v22;
	v17 =	vld.idx.msk [tilespmem:v21+s15+$0x0], $0xffff  }
0x116: {  	s21 =	sor.u32 $0x180, s4;
	s4 =	simm.s32 $0x200;
	s1 =	simm.s32 $0x8;
	v2 =	vadd.s32 $0x4180, v0;
	v0 =	vadd.s32 $0x4080, v7;
	[tilespmem:s30+$0x14800] =	vst v1;
	v16 =	vld.idx.msk [tilespmem:v23+s15+$0x0], $0xffff;
	v1 =	vadd.s32 $0x4000, v7  }
.LBB2_7:
0x117: {  	s18 =	simm.s32 $0x1  }
0x118: {  	s9 =	sand.u32 $0x780, s6;
	s23 =	sand.u32 $0x1E00, s4;
	v13 =	vld.idx.msk [tilespmem:v13+s15+$0x0], $0xffff;
	v18 =	vadd.s32 $0x4100, v7;
	v19 =	vadd.s32 $0x4180, v7;
	[tilespmem:s22+$0x80] =	vst v8;
	s18 =	simm.s32 @!p1 $0x0  }
0x119: {  	s22 =	sand.u32 $0x40, s6;
	s25 =	sadd.s32 $0x14800, s23;
	s18 =	sshll.u32 s18, $0x6;
	v7 =	vld.idx.msk [tilespmem:v12+s15+$0x0], $0xffff;
	[tilespmem:s12+$0x14800] =	vst v9  }
0x11a: {  	s12 =	sadd.s32 s18, s4;
	v8 =	vld.idx.msk [tilespmem:v15+s15+$0x0], $0xffff;
	s18 =	sor.u32 s7, s25;
	s7 =	sor.u32 $0x30, s22;
	[tilespmem:s21+$0x14800] =	vst v10  }
0x11b: {  	s21 =	sor.u32 $0x10, s22;
	s23 =	sor.u32 s7, s9;
	v9 =	vld.idx.msk [tilespmem:v11+s15+$0x0], $0xffff;
	[tilespmem:s18+$0x0] =	vst v14;
	s24 =	sadd.s32 $0x30, s12  }
0x11c: {  	s1 =	sadd.s32 $0x4, s1;
	s26 =	sor.u32 $0x20, s22;
	v10 =	vld [tilespmem:s23+$0x0];
	[tilespmem:s18+$0x80] =	vst v17;
	s18 =	sor.u32 $0x100, s24  }
0x11d: {  	p2 =	slt.u32 s1, $0x7C;
	s23 =	sor.u32 s21, s9;
	v6 =	vld.idx.msk [tilespmem:v6+s15+$0x0], $0xffff;
	[tilespmem:s18+$0x14800] =	vst v16;
	s18 =	sor.u32 $0x180, s24  }
0x11e: {  	s9 =	sor.u32 s26, s9;
	s24 =	sadd.s32 $0x10, s12;
	v11 =	vld [tilespmem:s23+$0x0];
	s23 =	sshra.s32 s4, $0x2;
	[tilespmem:s18+$0x14800] =	vst v13  }
0x11f: {  	s28 =	sadd.s32 $0x20, s12;
	s18 =	sor.u32 $0x180, s24;
	v12 =	vld [tilespmem:s9+$0x0];
	s9 =	sor.u32 $0x100, s24  }
0x120: {  	s29 =	sor.u32 $0x100, s12;
	s24 =	sor.u32 $0x100, s28;
	v14 =	vld [tilespmem:s23+$0x0];
	s23 =	sor.u32 $0x180, s28  }
0x121: {  	s30 =	sor.u32 $0x180, s12;
	s12 =	sor.u32 s17, s25;
	s28 =	sor.u32 s8, s25;
	v13 =	vshll.u32 v10, $0x3;
	v5 =	vld.idx.msk [tilespmem:v5+s15+$0x0], $0xffff  }
0x122: {  	s17 =	smov.u32 s21;
	s25 =	sor.u32 s14, s25;
	s8 =	smov.u32 s22;
	v10 =	vand.u32 $0x7F, v10;
	v13 =	vand.u32 $0xFFFFFC00, v13;
	[tilespmem:s12+$0x0] =	vst v7;
	v4 =	vld.idx.msk [tilespmem:v4+s15+$0x0], $0xffff  }
0x123: {  	s14 =	smov.u32 s26;
	v7 =	vand.u32 $0x7F, v11;
	v11 =	vshll.u32 v11, $0x3;
	v10 =	vor.u32 v10, v13;
	[tilespmem:s12+$0x80] =	vst v8;
	v3 =	vld.idx.msk [tilespmem:v3+s15+$0x0], $0xffff;
	s12 =	smov.u32 s31;
	s31 =	smov.u32 s29  }
0x124: {  	s21 =	smov.u32 s13;
	s22 =	smov.u32 s5;
	s5 =	smov.u32 s28;
	v11 =	vand.u32 $0xFFFFFC00, v11;
	v8 =	vshll.u32 v12, $0x3;
	v16 =	vadd.s32 $0x4000, v10;
	[tilespmem:s9+$0x14800] =	vst v9;
	v2 =	vld.idx.msk [tilespmem:v2+s15+$0x0], $0xffff  }
0x125: {  	s13 =	smov.u32 s30;
	v17 =	vadd.s32 $0x4080, v10;
	v15 =	vand.u32 $0xFFFFFC00, v8;
	v8 =	vshll.u32 v14, $0x3;
	[tilespmem:s18+$0x14800] =	vst v6;
	v20 =	vld.idx.msk [tilespmem:v1+s15+$0x0], $0xffff  }
0x126: {  	v21 =	vadd.s32 $0x4100, v10;
	v1 =	vand.u32 $0x7F, v12;
	v6 =	vand.u32 $0xFFFFFC00, v8;
	v8 =	vld.idx.msk [tilespmem:v0+s15+$0x0], $0xffff  }
.Ltmp4:
0x127: {  	v13 =	vadd.s32 $0x4180, v10;
	v0 =	vor.u32 v7, v11;
	v7 =	vand.u32 $0x7F, v14;
	[tilespmem:s25+$0x0] =	vst v5;
	v9 =	vld.idx.msk [tilespmem:v18+s15+$0x0], $0xffff;
	(pc) =	sbr.rel @p2 .LBB2_7-.Ltmp4, $4  }
0x128: {  	v1 =	vor.u32 v1, v15;
	v12 =	vadd.s32 $0x4000, v0;
	v7 =	vor.u32 v7, v6;
	[tilespmem:s25+$0x80] =	vst v4;
	v10 =	vld.idx.msk [tilespmem:v19+s15+$0x0], $0xffff  }
0x129: {  	v15 =	vadd.s32 $0x4080, v0;
	v11 =	vadd.s32 $0x4100, v0;
	v6 =	vadd.s32 $0x4180, v0;
	v14 =	vld.idx.msk [tilespmem:v16+s15+$0x0], $0xffff;
	[tilespmem:s24+$0x14800] =	vst v3  }
0x12a: {  	v5 =	vadd.s32 $0x4000, v1;
	v4 =	vadd.s32 $0x4080, v1;
	v3 =	vadd.s32 $0x4100, v1;
	v17 =	vld.idx.msk [tilespmem:v17+s15+$0x0], $0xffff;
	[tilespmem:s23+$0x14800] =	vst v2  }
0x12b: {  	s6 =	sadd.s32 $0x40, s6;
	p1 =	por !p1, !p1;
	s4 =	sadd.s32 $0x100, s4;
	v0 =	vadd.s32 $0x4080, v7;
	v2 =	vadd.s32 $0x4180, v1;
	v1 =	vadd.s32 $0x4000, v7;
	v16 =	vld.idx.msk [tilespmem:v21+s15+$0x0], $0xffff;
	[tilespmem:s22+$0x0] =	vst v20  }
0x12c: {  	_ =	sdelay $0x1  }
0x12d: {  	s1 =	simm.s32 $0x1;
	s9 =	sshra.s32 s4, $0x2  }
0x12e: {  	s6 =	sand.u32 $0x1E00, s4;
	[tilespmem:s22+$0x80] =	vst v8;
	s1 =	simm.s32 @!p1 $0x0;
	v8 =	vld [tilespmem:s9+$0x0]  }
0x12f: {  	s6 =	sadd.s32 $0x14800, s6;
	[tilespmem:s12+$0x14800] =	vst v9;
	v9 =	vld.idx.msk [tilespmem:v12+s15+$0x0], $0xffff;
	s1 =	sshll.u32 s1, $0x6  }
0x130: {  	v13 =	vld.idx.msk [tilespmem:v13+s15+$0x0], $0xffff;
	s12 =	sor.u32 s7, s6;
	[tilespmem:s21+$0x14800] =	vst v10;
	s1 =	sadd.s32 s1, s4  }
0x131: {  	v10 =	vld.idx.msk [tilespmem:v15+s15+$0x0], $0xffff;
	[tilespmem:s12+$0x0] =	vst v14;
	s18 =	sadd.s32 $0x30, s1  }
0x132: {  	v11 =	vld.idx.msk [tilespmem:v11+s15+$0x0], $0xffff;
	[tilespmem:s12+$0x80] =	vst v17;
	s21 =	sor.u32 $0x100, s18  }
0x133: {  	v6 =	vld.idx.msk [tilespmem:v6+s15+$0x0], $0xffff;
	s23 =	sor.u32 s17, s6;
	[tilespmem:s21+$0x14800] =	vst v16  }
0x134: {  	v5 =	vld.idx.msk [tilespmem:v5+s15+$0x0], $0xffff;
	s22 =	sor.u32 $0x180, s18;
	v12 =	vshll.u32 v8, $0x3;
	[tilespmem:s23+$0x0] =	vst v9  }
0x135: {  	v4 =	vld.idx.msk [tilespmem:v4+s15+$0x0], $0xffff;
	s24 =	sadd.s32 $0x10, s1;
	v8 =	vand.u32 $0x7F, v8;
	[tilespmem:s22+$0x14800] =	vst v13;
	v13 =	vadd.s32 $0x4100, v7;
	v9 =	vand.u32 $0xFFFFFC00, v12  }
0x136: {  	v3 =	vld.idx.msk [tilespmem:v3+s15+$0x0], $0xffff;
	s25 =	sor.u32 $0x100, s24;
	v7 =	vadd.s32 $0x4180, v7;
	[tilespmem:s23+$0x80] =	vst v10;
	v8 =	vor.u32 v8, v9  }
0x137: {  	v2 =	vld.idx.msk [tilespmem:v2+s15+$0x0], $0xffff;
	s26 =	sor.u32 $0x180, s24;
	[tilespmem:s25+$0x14800] =	vst v11;
	v9 =	vadd.s32 $0x4000, v8  }
0x138: {  	v1 =	vld.idx.msk [tilespmem:v1+s15+$0x0], $0xffff;
	s28 =	sor.u32 s14, s6;
	[tilespmem:s26+$0x14800] =	vst v6;
	v6 =	vadd.s32 $0x4080, v8  }
0x139: {  	v0 =	vld.idx.msk [tilespmem:v0+s15+$0x0], $0xffff;
	s29 =	sadd.s32 $0x20, s1;
	[tilespmem:s28+$0x0] =	vst v5;
	v5 =	vadd.s32 $0x4100, v8  }
0x13a: {  	s30 =	sor.u32 $0x100, s29;
	[tilespmem:s28+$0x80] =	vst v4;
	v4 =	vadd.s32 $0x4180, v8;
	v10 =	vld.idx.msk [tilespmem:v13+s15+$0x0], $0xffff  }
0x13b: {  	s4 =	sor.u32 $0x180, s29;
	[tilespmem:s30+$0x14800] =	vst v3;
	v7 =	vld.idx.msk [tilespmem:v7+s15+$0x0], $0xffff  }
0x13c: {  	[tilespmem:s4+$0x14800] =	vst v2;
	v2 =	vld.idx.msk [tilespmem:v9+s15+$0x0], $0xffff  }
0x13d: {  	[tilespmem:s5+$0x0] =	vst v1;
	v1 =	vld.idx.msk [tilespmem:v6+s15+$0x0], $0xffff  }
0x13e: {  	[tilespmem:s5+$0x80] =	vst v0;
	v0 =	vld.idx.msk [tilespmem:v5+s15+$0x0], $0xffff  }
0x13f: {  	v3 =	vld.idx.msk [tilespmem:v4+s15+$0x0], $0xffff;
	[tilespmem:s31+$0x14800] =	vst v10  }
0x140: {  	s12 =	sor.u32 s8, s6;
	[tilespmem:s13+$0x14800] =	vst v7  }
0x141: {  	[tilespmem:s12+$0x0] =	vst v2  }
0x142: {  	s13 =	sor.u32 $0x100, s1;
	[tilespmem:s12+$0x80] =	vst v1  }
0x143: {  	s14 =	sadd.s32 s3, s10;
	s1 =	sor.u32 $0x180, s1;
	[tilespmem:s13+$0x14800] =	vst v0  }
0x144: {  	s17 =	simm.s32 $0x14800;
	s18 =	simm.s32 $0x0;
	[tilespmem:s1+$0x14800] =	vst v3;
	s1 =	simm.s32 @!p0 $0x6  }
0x145: {  	[hbm4b:s14+s19] =	stream.strided.scatter [tilespmem:s17], [sflag:$0x5], $0x2000, s20, s19, $0x38;
	[tilespmem:$0x18800] =	vst v63  }
0x146: {  	s5 =	sand.u32 $0x40, s18;
	_ =	swait.ge @!p0 [sflag:s1], $0x2000  }
0x147: {  	s21 =	sand.u32 $0x780, s18;
	s22 =	sor.u32 $0x30, s5;
	[sflag:s1] =	ssyncset.done @!p0 $0x0  }
0x148: {  	s26 =	simm.s32 $0x40;
	s23 =	sor.u32 s22, s21;
	[sflag:s1] =	ssyncadd.s32 @!p0 $0xFFFFE000  }
0x149: {  	s28 =	sand.u32 $0x780, s26;
	v0 =	vld [tilespmem:s23+$0x0]  }
0x14a: {  	s8 =	sor.u32 $0x10, s5;
	s7 =	sor.u32 $0x20, s5;
	s13 =	sand.u32 $0x40, s26  }
0x14b: {  	s24 =	sor.u32 s8, s21;
	s25 =	sor.u32 s7, s21;
	s21 =	sor.u32 $0x30, s13  }
0x14c: {  	s1 =	sor.u32 s21, s28;
	v1 =	vld [tilespmem:s24+$0x0]  }
0x14d: {  	v9 =	vld [tilespmem:s1+$0x0]  }
0x14e: {  	v2 =	vshll.u32 v0, $0x3  }
0x14f: {  	v0 =	vand.u32 $0x7F, v0;
	v2 =	vand.u32 $0xFFFFFC00, v2  }
0x150: {  	v0 =	vor.u32 v0, v2  }
0x151: {  	s12 =	sor.u32 $0x10, s13;
	v6 =	vld [tilespmem:s25+$0x0];
	v4 =	vshll.u32 v1, $0x3;
	v2 =	vadd.s32 $0x4200, v0  }
0x152: {  	s29 =	sor.u32 s12, s28;
	s1 =	sor.u32 $0x20, s13;
	v1 =	vand.u32 $0x7F, v1;
	v13 =	vshll.u32 v9, $0x3;
	v3 =	vadd.s32 $0x4280, v0  }
0x153: {  	v11 =	vld [tilespmem:s29+$0x0];
	s6 =	sor.u32 s1, s28;
	v9 =	vand.u32 $0x7F, v9;
	v4 =	vand.u32 $0xFFFFFC00, v4;
	v5 =	vadd.s32 $0x4300, v0  }
0x154: {  	s30 =	simm.s32 $0x0;
	v15 =	vld [tilespmem:s6+$0x0];
	v13 =	vand.u32 $0xFFFFFC00, v13;
	v1 =	vor.u32 v1, v4;
	v0 =	vadd.s32 $0x4380, v0  }
0x155: {  	v9 =	vor.u32 v9, v13;
	v13 =	vld [tilespmem:s30+$0x0];
	v4 =	vadd.s32 $0x4200, v1  }
0x156: {  	v10 =	vshll.u32 v6, $0x3;
	v7 =	vadd.s32 $0x4280, v1;
	v2 =	vld.idx.msk [tilespmem:v2+s15+$0x0], $0xffff  }
0x157: {  	v6 =	vand.u32 $0x7F, v6;
	v10 =	vand.u32 $0xFFFFFC00, v10;
	v8 =	vadd.s32 $0x4300, v1;
	v3 =	vld.idx.msk [tilespmem:v3+s15+$0x0], $0xffff  }
0x158: {  	v6 =	vor.u32 v6, v10;
	v1 =	vadd.s32 $0x4380, v1;
	v5 =	vld.idx.msk [tilespmem:v5+s15+$0x0], $0xffff  }
0x159: {  	v10 =	vadd.s32 $0x4200, v6;
	v0 =	vld.idx.msk [tilespmem:v0+s15+$0x0], $0xffff  }
0x15a: {  	v12 =	vadd.s32 $0x4280, v6;
	v16 =	vadd.s32 $0x4200, v9;
	v4 =	vld.idx.msk [tilespmem:v4+s15+$0x0], $0xffff  }
0x15b: {  	v18 =	vadd.s32 $0x4280, v9;
	v19 =	vadd.s32 $0x4300, v9;
	v9 =	vadd.s32 $0x4380, v9;
	v7 =	vld.idx.msk [tilespmem:v7+s15+$0x0], $0xffff  }
0x15c: {  	s4 =	sand.u32 $0x1E00, s18;
	v14 =	vadd.s32 $0x4300, v6;
	v8 =	vld.idx.msk [tilespmem:v8+s15+$0x0], $0xffff  }
0x15d: {  	s9 =	simm.s32 $0x1;
	p0 =	por $0x0, $0x0;
	s6 =	sadd.s32 $0x16800, s4;
	v6 =	vadd.s32 $0x4380, v6;
	v1 =	vld.idx.msk [tilespmem:v1+s15+$0x0], $0xffff  }
0x15e: {  	s9 =	simm.s32 @!p0 $0x0;
	s14 =	sor.u32 s22, s6;
	v10 =	vld.idx.msk [tilespmem:v10+s15+$0x0], $0xffff  }
0x15f: {  	s9 =	sshll.u32 s9, $0x6;
	v12 =	vld.idx.msk [tilespmem:v12+s15+$0x0], $0xffff;
	[tilespmem:s14+$0x0] =	vst v2  }
0x160: {  	s4 =	sadd.s32 $0x0, s9;
	s8 =	sor.u32 s8, s6;
	v17 =	vshll.u32 v11, $0x3;
	v9 =	vld.idx.msk [tilespmem:v9+s15+$0x0], $0xffff;
	[tilespmem:s14+$0x80] =	vst v3  }
0x161: {  	s26 =	simm.s32 $0x80;
	s17 =	sadd.s32 $0x30, s4;
	v11 =	vand.u32 $0x7F, v11;
	v17 =	vand.u32 $0xFFFFFC00, v17;
	v2 =	vld.idx.msk [tilespmem:v14+s15+$0x0], $0xffff;
	[tilespmem:s8+$0x0] =	vst v4  }
0x162: {  	s29 =	simm.s32 $0x100;
	s23 =	sadd.s32 $0x10, s4;
	s18 =	sor.u32 $0x100, s17;
	v11 =	vor.u32 v11, v17;
	v3 =	vld.idx.msk [tilespmem:v6+s15+$0x0], $0xffff;
	[tilespmem:s8+$0x80] =	vst v7  }
0x163: {  	s28 =	sand.u32 $0x780, s26;
	s22 =	sor.u32 $0x180, s17;
	s24 =	sor.u32 $0x100, s23;
	v6 =	vadd.s32 $0x4200, v11;
	v14 =	vld.idx.msk [tilespmem:v16+s15+$0x0], $0xffff;
	[tilespmem:s18+$0x16800] =	vst v5  }
0x164: {  	s30 =	sand.u32 $0x1E00, s29;
	s29 =	simm.s32 $0x40;
	v16 =	vld.idx.msk [tilespmem:v18+s15+$0x0], $0xffff;
	v7 =	vadd.s32 $0x4380, v11;
	s8 =	sand.u32 $0x40, s26;
	[tilespmem:s24+$0x16800] =	vst v8  }
0x165: {  	s14 =	sor.u32 $0x180, s23;
	v4 =	vld.idx.msk [tilespmem:v19+s15+$0x0], $0xffff;
	s23 =	sor.u32 s7, s6;
	v5 =	vadd.s32 $0x4280, v11;
	s7 =	sor.u32 $0x30, s8;
	[tilespmem:s22+$0x16800] =	vst v0  }
0x166: {  	v0 =	vadd.s32 $0x4300, v11;
	v11 =	vshll.u32 v15, $0x3;
	[tilespmem:s14+$0x16800] =	vst v1;
	v1 =	vand.u32 $0x7F, v15;
	s24 =	sor.u32 s7, s28;
	v15 =	vld [tilespmem:s29+$0x0]  }
0x167: {  	p0 =	por !p0, !p0;
	s25 =	sadd.s32 $0x20, s4;
	[tilespmem:s23+$0x0] =	vst v10;
	v8 =	vand.u32 $0xFFFFFC00, v11;
	v10 =	vld [tilespmem:s24+$0x0]  }
0x168: {  	s18 =	sor.u32 $0x100, s25;
	s17 =	sor.u32 $0x10, s8;
	s14 =	simm.s32 $0x1;
	v1 =	vor.u32 v1, v8;
	v6 =	vld.idx.msk [tilespmem:v6+s15+$0x0], $0xffff  }
0x169: {  	[tilespmem:s23+$0x80] =	vst v12;
	s23 =	sadd.s32 $0x16800, s30;
	s22 =	sor.u32 $0x180, s25;
	s14 =	simm.s32 @!p0 $0x0;
	v8 =	vadd.s32 $0x4200, v1;
	v7 =	vld.idx.msk [tilespmem:v7+s15+$0x0], $0xffff  }
0x16a: {  	s26 =	sor.u32 s17, s28;
	v11 =	vshll.u32 v13, $0x3;
	s25 =	sshll.u32 s14, $0x6;
	s14 =	sor.u32 $0x20, s8;
	[tilespmem:s18+$0x16800] =	vst v2;
	v2 =	vadd.s32 $0x4280, v1;
	v5 =	vld.idx.msk [tilespmem:v5+s15+$0x0], $0xffff  }
0x16b: {  	v12 =	vand.u32 $0x7F, v13;
	s21 =	sor.u32 s21, s23;
	v11 =	vand.u32 $0xFFFFFC00, v11;
	v13 =	vadd.s32 $0x4300, v1;
	s24 =	sadd.s32 $0x100, s25;
	s9 =	sor.u32 s14, s28;
	[tilespmem:s22+$0x16800] =	vst v3;
	v3 =	vld [tilespmem:s26+$0x0]  }
0x16c: {  	v11 =	vor.u32 v12, v11;
	v1 =	vadd.s32 $0x4380, v1;
	[tilespmem:s21+$0x0] =	vst v14;
	s28 =	sadd.s32 $0x30, s24;
	v12 =	vld [tilespmem:s9+$0x0]  }
0x16d: {  	[tilespmem:s21+$0x80] =	vst v16;
	v14 =	vadd.s32 $0x4200, v11;
	v0 =	vld.idx.msk [tilespmem:v0+s15+$0x0], $0xffff;
	s30 =	sor.u32 $0x100, s28  }
0x16e: {  	v16 =	vadd.s32 $0x4280, v11;
	v17 =	vadd.s32 $0x4300, v11;
	s18 =	sor.u32 $0x180, s28;
	[tilespmem:s30+$0x16800] =	vst v4;
	v4 =	vshll.u32 v10, $0x3;
	v18 =	vld.idx.msk [tilespmem:v8+s15+$0x0], $0xffff  }
0x16f: {  	s21 =	sor.u32 s12, s23;
	v11 =	vadd.s32 $0x4380, v11;
	[tilespmem:s18+$0x16800] =	vst v9;
	v4 =	vand.u32 $0xFFFFFC00, v4;
	v8 =	vand.u32 $0x7F, v10;
	v2 =	vld.idx.msk [tilespmem:v2+s15+$0x0], $0xffff  }
0x170: {  	s22 =	sadd.s32 $0x10, s24;
	[tilespmem:s21+$0x0] =	vst v6;
	v19 =	vld.idx.msk [tilespmem:v13+s15+$0x0], $0xffff;
	v6 =	vand.u32 $0x7F, v3;
	v3 =	vshll.u32 v3, $0x3;
	v4 =	vor.u32 v8, v4  }
0x171: {  	s25 =	sor.u32 $0x100, s22;
	v1 =	vld.idx.msk [tilespmem:v1+s15+$0x0], $0xffff;
	[tilespmem:s21+$0x80] =	vst v5;
	v5 =	vshll.u32 v12, $0x3;
	v3 =	vand.u32 $0xFFFFFC00, v3;
	v20 =	vadd.s32 $0x4200, v4  }
0x172: {  	s26 =	sor.u32 $0x180, s22;
	v22 =	vld.idx.msk [tilespmem:v14+s15+$0x0], $0xffff;
	[tilespmem:s25+$0x16800] =	vst v0;
	v0 =	vand.u32 $0xFFFFFC00, v5;
	v21 =	vadd.s32 $0x4280, v4;
	v5 =	vshll.u32 v15, $0x3  }
0x173: {  	s1 =	sor.u32 s1, s23;
	v8 =	vld.idx.msk [tilespmem:v16+s15+$0x0], $0xffff;
	v23 =	vadd.s32 $0x4300, v4;
	v13 =	vadd.s32 $0x4380, v4;
	v4 =	vand.u32 $0x7F, v15;
	[tilespmem:s26+$0x16800] =	vst v7  }
0x174: {  	s28 =	sadd.s32 $0x20, s24;
	v9 =	vld.idx.msk [tilespmem:v17+s15+$0x0], $0xffff;
	v7 =	vand.u32 $0x7F, v12;
	v5 =	vand.u32 $0xFFFFFC00, v5;
	v3 =	vor.u32 v6, v3;
	[tilespmem:s1+$0x0] =	vst v18  }
0x175: {  	p0 =	por !p0, !p0;
	s12 =	sor.u32 $0x100, s4;
	s29 =	sor.u32 $0x100, s28;
	v10 =	vld.idx.msk [tilespmem:v11+s15+$0x0], $0xffff;
	v12 =	vadd.s32 $0x4200, v3;
	v0 =	vor.u32 v7, v0;
	v7 =	vor.u32 v4, v5;
	[tilespmem:s1+$0x80] =	vst v2  }
0x176: {  	s31 =	sor.u32 $0x100, s24;
	s22 =	sor.u32 s5, s6;
	s5 =	sor.u32 s13, s23;
	v15 =	vadd.s32 $0x4280, v3;
	v11 =	vadd.s32 $0x4300, v3;
	v6 =	vadd.s32 $0x4380, v3;
	[tilespmem:s29+$0x16800] =	vst v19;
	v14 =	vld.idx.msk [tilespmem:v20+s15+$0x0], $0xffff  }
0x177: {  	s13 =	sor.u32 $0x180, s24;
	s6 =	simm.s32 $0xC0;
	s30 =	sor.u32 $0x180, s28;
	v5 =	vadd.s32 $0x4200, v0;
	v4 =	vadd.s32 $0x4280, v0;
	v3 =	vadd.s32 $0x4300, v0;
	[tilespmem:s22+$0x0] =	vst v22;
	v17 =	vld.idx.msk [tilespmem:v21+s15+$0x0], $0xffff  }
0x178: {  	s21 =	sor.u32 $0x180, s4;
	s4 =	simm.s32 $0x200;
	s1 =	simm.s32 $0x8;
	v2 =	vadd.s32 $0x4380, v0;
	v0 =	vadd.s32 $0x4280, v7;
	[tilespmem:s30+$0x16800] =	vst v1;
	v16 =	vld.idx.msk [tilespmem:v23+s15+$0x0], $0xffff;
	v1 =	vadd.s32 $0x4200, v7  }
.LBB2_9:
0x179: {  	s18 =	simm.s32 $0x1  }
0x17a: {  	s9 =	sand.u32 $0x780, s6;
	s23 =	sand.u32 $0x1E00, s4;
	v13 =	vld.idx.msk [tilespmem:v13+s15+$0x0], $0xffff;
	v18 =	vadd.s32 $0x4300, v7;
	v19 =	vadd.s32 $0x4380, v7;
	[tilespmem:s22+$0x80] =	vst v8;
	s18 =	simm.s32 @!p0 $0x0  }
0x17b: {  	s22 =	sand.u32 $0x40, s6;
	s25 =	sadd.s32 $0x16800, s23;
	s18 =	sshll.u32 s18, $0x6;
	v7 =	vld.idx.msk [tilespmem:v12+s15+$0x0], $0xffff;
	[tilespmem:s12+$0x16800] =	vst v9  }
0x17c: {  	s12 =	sadd.s32 s18, s4;
	v8 =	vld.idx.msk [tilespmem:v15+s15+$0x0], $0xffff;
	s18 =	sor.u32 s7, s25;
	s7 =	sor.u32 $0x30, s22;
	[tilespmem:s21+$0x16800] =	vst v10  }
0x17d: {  	s21 =	sor.u32 $0x10, s22;
	s23 =	sor.u32 s7, s9;
	v9 =	vld.idx.msk [tilespmem:v11+s15+$0x0], $0xffff;
	[tilespmem:s18+$0x0] =	vst v14;
	s24 =	sadd.s32 $0x30, s12  }
0x17e: {  	s1 =	sadd.s32 $0x4, s1;
	s26 =	sor.u32 $0x20, s22;
	v10 =	vld [tilespmem:s23+$0x0];
	[tilespmem:s18+$0x80] =	vst v17;
	s18 =	sor.u32 $0x100, s24  }
0x17f: {  	p1 =	slt.u32 s1, $0x7C;
	s23 =	sor.u32 s21, s9;
	v6 =	vld.idx.msk [tilespmem:v6+s15+$0x0], $0xffff;
	[tilespmem:s18+$0x16800] =	vst v16;
	s18 =	sor.u32 $0x180, s24  }
0x180: {  	s9 =	sor.u32 s26, s9;
	s24 =	sadd.s32 $0x10, s12;
	v11 =	vld [tilespmem:s23+$0x0];
	s23 =	sshra.s32 s4, $0x2;
	[tilespmem:s18+$0x16800] =	vst v13  }
0x181: {  	s28 =	sadd.s32 $0x20, s12;
	s18 =	sor.u32 $0x180, s24;
	v12 =	vld [tilespmem:s9+$0x0];
	s9 =	sor.u32 $0x100, s24  }
0x182: {  	s29 =	sor.u32 $0x100, s12;
	s24 =	sor.u32 $0x100, s28;
	v14 =	vld [tilespmem:s23+$0x0];
	s23 =	sor.u32 $0x180, s28  }
0x183: {  	s30 =	sor.u32 $0x180, s12;
	s12 =	sor.u32 s17, s25;
	s28 =	sor.u32 s8, s25;
	v13 =	vshll.u32 v10, $0x3;
	v5 =	vld.idx.msk [tilespmem:v5+s15+$0x0], $0xffff  }
0x184: {  	s17 =	smov.u32 s21;
	s25 =	sor.u32 s14, s25;
	s8 =	smov.u32 s22;
	v10 =	vand.u32 $0x7F, v10;
	v13 =	vand.u32 $0xFFFFFC00, v13;
	[tilespmem:s12+$0x0] =	vst v7;
	v4 =	vld.idx.msk [tilespmem:v4+s15+$0x0], $0xffff  }
0x185: {  	s14 =	smov.u32 s26;
	v7 =	vand.u32 $0x7F, v11;
	v11 =	vshll.u32 v11, $0x3;
	v10 =	vor.u32 v10, v13;
	[tilespmem:s12+$0x80] =	vst v8;
	v3 =	vld.idx.msk [tilespmem:v3+s15+$0x0], $0xffff;
	s12 =	smov.u32 s31;
	s31 =	smov.u32 s29  }
0x186: {  	s21 =	smov.u32 s13;
	s22 =	smov.u32 s5;
	s5 =	smov.u32 s28;
	v11 =	vand.u32 $0xFFFFFC00, v11;
	v8 =	vshll.u32 v12, $0x3;
	v16 =	vadd.s32 $0x4200, v10;
	[tilespmem:s9+$0x16800] =	vst v9;
	v2 =	vld.idx.msk [tilespmem:v2+s15+$0x0], $0xffff  }
0x187: {  	s13 =	smov.u32 s30;
	v17 =	vadd.s32 $0x4280, v10;
	v15 =	vand.u32 $0xFFFFFC00, v8;
	v8 =	vshll.u32 v14, $0x3;
	[tilespmem:s18+$0x16800] =	vst v6;
	v20 =	vld.idx.msk [tilespmem:v1+s15+$0x0], $0xffff  }
0x188: {  	v21 =	vadd.s32 $0x4300, v10;
	v1 =	vand.u32 $0x7F, v12;
	v6 =	vand.u32 $0xFFFFFC00, v8;
	v8 =	vld.idx.msk [tilespmem:v0+s15+$0x0], $0xffff  }
.Ltmp5:
0x189: {  	v13 =	vadd.s32 $0x4380, v10;
	v0 =	vor.u32 v7, v11;
	v7 =	vand.u32 $0x7F, v14;
	[tilespmem:s25+$0x0] =	vst v5;
	v9 =	vld.idx.msk [tilespmem:v18+s15+$0x0], $0xffff;
	(pc) =	sbr.rel @p1 .LBB2_9-.Ltmp5, $4  }
0x18a: {  	v1 =	vor.u32 v1, v15;
	v12 =	vadd.s32 $0x4200, v0;
	v7 =	vor.u32 v7, v6;
	[tilespmem:s25+$0x80] =	vst v4;
	v10 =	vld.idx.msk [tilespmem:v19+s15+$0x0], $0xffff  }
0x18b: {  	v15 =	vadd.s32 $0x4280, v0;
	v11 =	vadd.s32 $0x4300, v0;
	v6 =	vadd.s32 $0x4380, v0;
	v14 =	vld.idx.msk [tilespmem:v16+s15+$0x0], $0xffff;
	[tilespmem:s24+$0x16800] =	vst v3  }
0x18c: {  	v5 =	vadd.s32 $0x4200, v1;
	v4 =	vadd.s32 $0x4280, v1;
	v3 =	vadd.s32 $0x4300, v1;
	v17 =	vld.idx.msk [tilespmem:v17+s15+$0x0], $0xffff;
	[tilespmem:s23+$0x16800] =	vst v2  }
0x18d: {  	s6 =	sadd.s32 $0x40, s6;
	p0 =	por !p0, !p0;
	s4 =	sadd.s32 $0x100, s4;
	v0 =	vadd.s32 $0x4280, v7;
	v2 =	vadd.s32 $0x4380, v1;
	v1 =	vadd.s32 $0x4200, v7;
	v16 =	vld.idx.msk [tilespmem:v21+s15+$0x0], $0xffff;
	[tilespmem:s22+$0x0] =	vst v20  }
0x18e: {  	_ =	sdelay $0x1  }
0x18f: {  	s1 =	simm.s32 $0x1;
	s9 =	sshra.s32 s4, $0x2  }
0x190: {  	s6 =	sand.u32 $0x1E00, s4;
	[tilespmem:s22+$0x80] =	vst v8;
	s1 =	simm.s32 @!p0 $0x0;
	v8 =	vld [tilespmem:s9+$0x0]  }
0x191: {  	s6 =	sadd.s32 $0x16800, s6;
	[tilespmem:s12+$0x16800] =	vst v9;
	v9 =	vld.idx.msk [tilespmem:v12+s15+$0x0], $0xffff;
	s1 =	sshll.u32 s1, $0x6  }
0x192: {  	v13 =	vld.idx.msk [tilespmem:v13+s15+$0x0], $0xffff;
	s29 =	sor.u32 s7, s6;
	[tilespmem:s21+$0x16800] =	vst v10;
	s1 =	sadd.s32 s1, s4  }
0x193: {  	v10 =	vld.idx.msk [tilespmem:v15+s15+$0x0], $0xffff;
	[tilespmem:s29+$0x0] =	vst v14;
	s30 =	sadd.s32 $0x30, s1  }
0x194: {  	v11 =	vld.idx.msk [tilespmem:v11+s15+$0x0], $0xffff;
	[tilespmem:s29+$0x80] =	vst v17;
	s9 =	sor.u32 $0x100, s30  }
0x195: {  	v6 =	vld.idx.msk [tilespmem:v6+s15+$0x0], $0xffff;
	s17 =	sor.u32 s17, s6;
	[tilespmem:s9+$0x16800] =	vst v16  }
0x196: {  	v5 =	vld.idx.msk [tilespmem:v5+s15+$0x0], $0xffff;
	s12 =	sor.u32 $0x180, s30;
	v12 =	vshll.u32 v8, $0x3;
	[tilespmem:s17+$0x0] =	vst v9  }
0x197: {  	v4 =	vld.idx.msk [tilespmem:v4+s15+$0x0], $0xffff;
	s18 =	sadd.s32 $0x10, s1;
	v8 =	vand.u32 $0x7F, v8;
	[tilespmem:s12+$0x16800] =	vst v13;
	v13 =	vadd.s32 $0x4300, v7;
	v9 =	vand.u32 $0xFFFFFC00, v12  }
0x198: {  	v3 =	vld.idx.msk [tilespmem:v3+s15+$0x0], $0xffff;
	s21 =	sor.u32 $0x100, s18;
	v7 =	vadd.s32 $0x4380, v7;
	[tilespmem:s17+$0x80] =	vst v10;
	v8 =	vor.u32 v8, v9  }
0x199: {  	v2 =	vld.idx.msk [tilespmem:v2+s15+$0x0], $0xffff;
	s22 =	sor.u32 $0x180, s18;
	[tilespmem:s21+$0x16800] =	vst v11;
	v9 =	vadd.s32 $0x4200, v8  }
0x19a: {  	v1 =	vld.idx.msk [tilespmem:v1+s15+$0x0], $0xffff;
	s23 =	sor.u32 s14, s6;
	[tilespmem:s22+$0x16800] =	vst v6;
	v6 =	vadd.s32 $0x4280, v8  }
0x19b: {  	v0 =	vld.idx.msk [tilespmem:v0+s15+$0x0], $0xffff;
	s24 =	sadd.s32 $0x20, s1;
	[tilespmem:s23+$0x0] =	vst v5;
	v5 =	vadd.s32 $0x4300, v8  }
0x19c: {  	s25 =	sor.u32 $0x100, s24;
	[tilespmem:s23+$0x80] =	vst v4;
	v4 =	vadd.s32 $0x4380, v8;
	v10 =	vld.idx.msk [tilespmem:v13+s15+$0x0], $0xffff  }
0x19d: {  	s4 =	sor.u32 $0x180, s24;
	[tilespmem:s25+$0x16800] =	vst v3;
	v7 =	vld.idx.msk [tilespmem:v7+s15+$0x0], $0xffff  }
0x19e: {  	[tilespmem:s4+$0x16800] =	vst v2;
	v2 =	vld.idx.msk [tilespmem:v9+s15+$0x0], $0xffff  }
0x19f: {  	[tilespmem:s5+$0x0] =	vst v1;
	v1 =	vld.idx.msk [tilespmem:v6+s15+$0x0], $0xffff  }
0x1a0: {  	[tilespmem:s5+$0x80] =	vst v0;
	v0 =	vld.idx.msk [tilespmem:v5+s15+$0x0], $0xffff  }
0x1a1: {  	v3 =	vld.idx.msk [tilespmem:v4+s15+$0x0], $0xffff;
	[tilespmem:s31+$0x16800] =	vst v10  }
0x1a2: {  	s26 =	sor.u32 s8, s6;
	[tilespmem:s13+$0x16800] =	vst v7  }
0x1a3: {  	[tilespmem:s26+$0x0] =	vst v2  }
0x1a4: {  	s28 =	sor.u32 $0x100, s1;
	[tilespmem:s26+$0x80] =	vst v1  }
0x1a5: {  	s1 =	sor.u32 $0x180, s1;
	[tilespmem:s28+$0x16800] =	vst v0  }
0x1a6: {  	s29 =	sadd.s32 s3, s11;
	s30 =	simm.s32 $0x16800;
	[tilespmem:s1+$0x16800] =	vst v3  }
0x1a7: {  	[hbm4b:s29+s19] =	stream.strided.scatter [tilespmem:s30], [sflag:$0x6], $0x2000, s20, s19, $0x38;
	[tilespmem:$0x18800] =	vst v63  }
0x1a8: {  	p0 =	seq.s32 s2, $0x7;
	s1 =	rddreg [dreg:$0x8]  }
0x1a9: {  	s1 =	sadd.s32 @!p0 s0, s1  }
0x1aa: {  	s4 =	rddreg [dreg:$0x0];
	s1 =	sshll.u32 @!p0 s1, $0x8  }
0x1ab: {  	s5 =	simm.s32 @!p0 $0x800;
	s1 =	sadd.s32 @!p0 s4, s1;
	s4 =	simm.s32 @!p0 $0x0  }
0x1ac: {  	[tilespmem:s5], [sflag:$0x1] =	stream.linear.gather @!p0 [hbm4b:s1+s4], $0x8000, $0x38;
	[tilespmem:$0x18800] =	vst v63  }
0x1ad: {  	s5 =	simm.s32 $0x2  }
0x1ae: {  	_ =	swait.ge [sflag:s5], $0x8000  }
0x1af: {  	[sflag:s5] =	ssyncset.done $0x0  }
0x1b0: {  	s6 =	simm.s32 $0x0;
	s28 =	simm.s32 $0x3;
	[sflag:s5] =	ssyncadd.s32 $0xFFFF8000  }
0x1b1: {  	s1 =	sand.u32 $0x40, s6;
	_ =	swait.ge [sflag:s28], $0x2000  }
0x1b2: {  	s29 =	sand.u32 $0x780, s6;
	s30 =	sor.u32 $0x30, s1;
	[sflag:s28] =	ssyncset.done $0x0  }
0x1b3: {  	s21 =	sor.u32 s30, s29;
	[sflag:s28] =	ssyncadd.s32 $0xFFFFE000  }
0x1b4: {  	s4 =	sor.u32 $0x10, s1;
	v0 =	vld [tilespmem:s21+$0x0]  }
0x1b5: {  	s22 =	sor.u32 s4, s29  }
0x1b6: {  	v1 =	vld [tilespmem:s22+$0x0];
	_ =	sdelay $0x2  }
0x1b7: {  	s23 =	sor.u32 $0x20, s1;
	v2 =	vshll.u32 v0, $0x3  }
0x1b8: {  	s25 =	simm.s32 $0x40;
	s7 =	sor.u32 s23, s29;
	v0 =	vand.u32 $0x7F, v0;
	v2 =	vand.u32 $0xFFFFFC00, v2  }
0x1b9: {  	s8 =	sand.u32 $0x40, s25;
	v4 =	vshll.u32 v1, $0x3;
	v0 =	vor.u32 v0, v2;
	v2 =	vld [tilespmem:s7+$0x0]  }
0x1ba: {  	s17 =	sor.u32 $0x30, s8;
	s26 =	sand.u32 $0x780, s25;
	v1 =	vand.u32 $0x7F, v1;
	v4 =	vand.u32 $0xFFFFFC00, v4  }
0x1bb: {  	v1 =	vor.u32 v1, v4;
	s7 =	sor.u32 s17, s26  }
0x1bc: {  	s24 =	simm.s32 $0x0;
	v6 =	vor.u32 $0x180, v0;
	v13 =	vld [tilespmem:s7+$0x0];
	s7 =	sor.u32 $0x20, s8  }
0x1bd: {  	v10 =	vld [tilespmem:s24+$0x0];
	v3 =	vor.u32 $0x80, v0;
	s9 =	sor.u32 s7, s26  }
0x1be: {  	v5 =	vor.u32 $0x100, v0;
	v16 =	vld [tilespmem:s9+$0x0];
	v7 =	vshll.u32 v2, $0x3  }
0x1bf: {  	v4 =	vor.u32 $0x80, v1;
	v0 =	vld.idx.msk [tilespmem:v0+s16+$0x0], $0xffff;
	v2 =	vand.u32 $0x7F, v2;
	v7 =	vand.u32 $0xFFFFFC00, v7  }
0x1c0: {  	v8 =	vor.u32 $0x100, v1;
	v9 =	vor.u32 $0x180, v1;
	v1 =	vld.idx.msk [tilespmem:v1+s16+$0x0], $0xffff;
	v2 =	vor.u32 v2, v7  }
0x1c1: {  	v7 =	vld.idx.msk [tilespmem:v6+s16+$0x0], $0xffff;
	v6 =	vor.u32 $0x80, v2  }
0x1c2: {  	v3 =	vld.idx.msk [tilespmem:v3+s16+$0x0], $0xffff  }
0x1c3: {  	v5 =	vld.idx.msk [tilespmem:v5+s16+$0x0], $0xffff;
	v11 =	vor.u32 $0x100, v2  }
0x1c4: {  	v4 =	vld.idx.msk [tilespmem:v4+s16+$0x0], $0xffff  }
0x1c5: {  	s14 =	sor.u32 $0x10, s8;
	v14 =	vshll.u32 v10, $0x3;
	v8 =	vld.idx.msk [tilespmem:v8+s16+$0x0], $0xffff;
	v12 =	vor.u32 $0x180, v2  }
0x1c6: {  	s12 =	sand.u32 $0x1E00, s6;
	s28 =	sor.u32 s14, s26;
	v14 =	vand.u32 $0xFFFFFC00, v14;
	v15 =	vld.idx.msk [tilespmem:v6+s16+$0x0], $0xffff;
	v6 =	vand.u32 $0x7F, v10  }
0x1c7: {  	p1 =	por $0x0, $0x0;
	s18 =	simm.s32 $0x1;
	s12 =	sadd.s32 $0x10800, s12;
	v10 =	vld [tilespmem:s28+$0x0];
	v14 =	vor.u32 v6, v14  }
0x1c8: {  	s18 =	simm.s32 @!p1 $0x0;
	s6 =	sor.u32 s30, s12;
	v18 =	vld.idx.msk [tilespmem:v11+s16+$0x0], $0xffff;
	v11 =	vor.u32 $0x100, v14  }
0x1c9: {  	s29 =	sshll.u32 s18, $0x6;
	s4 =	sor.u32 s4, s12;
	v9 =	vld.idx.msk [tilespmem:v9+s16+$0x0], $0xffff;
	v19 =	vshll.u32 v13, $0x3;
	[tilespmem:s6+$0x0] =	vst v0;
	v17 =	vor.u32 $0x80, v14  }
0x1ca: {  	s9 =	sadd.s32 $0x0, s29;
	v0 =	vand.u32 $0x7F, v13;
	v13 =	vand.u32 $0xFFFFFC00, v19;
	[tilespmem:s4+$0x0] =	vst v1;
	v6 =	vld.idx.msk [tilespmem:v12+s16+$0x0], $0xffff;
	v12 =	vor.u32 $0x180, v14  }
0x1cb: {  	s30 =	sadd.s32 $0x30, s9;
	[tilespmem:s6+$0x80] =	vst v3;
	v13 =	vor.u32 v0, v13;
	v19 =	vld.idx.msk [tilespmem:v2+s16+$0x0], $0xffff  }
0x1cc: {  	s18 =	sor.u32 $0x100, s30;
	[tilespmem:s4+$0x80] =	vst v4;
	v20 =	vor.u32 $0x80, v13;
	v0 =	vld.idx.msk [tilespmem:v14+s16+$0x0], $0xffff  }
0x1cd: {  	s21 =	sor.u32 $0x180, s30;
	[tilespmem:s18+$0x10800] =	vst v5;
	v2 =	vld.idx.msk [tilespmem:v11+s16+$0x0], $0xffff;
	v11 =	vshll.u32 v10, $0x3  }
0x1ce: {  	p1 =	por !p1, !p1;
	s23 =	sor.u32 s23, s12;
	[tilespmem:s21+$0x10800] =	vst v7;
	v7 =	vor.u32 $0x100, v13;
	v4 =	vand.u32 $0x7F, v10;
	v5 =	vld.idx.msk [tilespmem:v17+s16+$0x0], $0xffff;
	v1 =	vand.u32 $0xFFFFFC00, v11  }
0x1cf: {  	s13 =	sor.u32 s1, s12;
	s12 =	simm.s32 $0x1;
	s22 =	sadd.s32 $0x10, s9;
	[tilespmem:s23+$0x80] =	vst v15;
	v15 =	vor.u32 $0x180, v13;
	v3 =	vld.idx.msk [tilespmem:v12+s16+$0x0], $0xffff;
	v4 =	vor.u32 v4, v1  }
0x1d0: {  	s31 =	simm.s32 $0x4;
	s12 =	simm.s32 @!p1 $0x0;
	s25 =	sor.u32 $0x100, s22;
	v12 =	vshll.u32 v16, $0x3;
	v10 =	vld.idx.msk [tilespmem:v13+s16+$0x0], $0xffff;
	v17 =	vor.u32 $0x80, v4  }
0x1d1: {  	s29 =	simm.s32 $0x40;
	s26 =	sadd.s32 $0x20, s9;
	[tilespmem:s25+$0x10800] =	vst v8;
	s28 =	sor.u32 $0x180, s22;
	v11 =	vand.u32 $0x7F, v16;
	v13 =	vand.u32 $0xFFFFFC00, v12;
	v12 =	vld.idx.msk [tilespmem:v20+s16+$0x0], $0xffff;
	v14 =	vor.u32 $0x100, v4  }
0x1d2: {  	s5 =	sor.u32 $0x100, s9;
	s1 =	sor.u32 $0x180, s9;
	s4 =	simm.s32 $0x100;
	[tilespmem:s28+$0x10800] =	vst v9;
	v16 =	vld [tilespmem:s29+$0x0];
	v1 =	vor.u32 v11, v13;
	v13 =	vor.u32 $0x180, v4  }
0x1d3: {  	s24 =	sor.u32 $0x100, s26;
	s6 =	sor.u32 $0x180, s26;
	s30 =	sand.u32 $0x1E00, s4;
	[tilespmem:s23+$0x0] =	vst v19;
	v11 =	vld.idx.msk [tilespmem:v7+s16+$0x0], $0xffff  }
0x1d4: {  	s21 =	sadd.s32 $0x10800, s30;
	s23 =	sshll.u32 s12, $0x6;
	s12 =	simm.s32 $0x80;
	[tilespmem:s24+$0x10800] =	vst v18;
	v9 =	vor.u32 $0x80, v1;
	v8 =	vor.u32 $0x100, v1;
	v7 =	vor.u32 $0x180, v1;
	v15 =	vld.idx.msk [tilespmem:v15+s16+$0x0], $0xffff  }
.LBB2_11:
0x1d5: {  	s9 =	sand.u32 $0x40, s12;
	s18 =	sadd.s32 s23, s4;
	v17 =	vld.idx.msk [tilespmem:v17+s16+$0x0], $0xffff;
	s22 =	sor.u32 s17, s21;
	[tilespmem:s6+$0x10800] =	vst v6  }
0x1d6: {  	s6 =	sand.u32 $0x780, s12;
	s17 =	sor.u32 $0x30, s9;
	v18 =	vld.idx.msk [tilespmem:v14+s16+$0x0], $0xffff;
	[tilespmem:s22+$0x0] =	vst v10;
	s23 =	sadd.s32 $0x30, s18  }
0x1d7: {  	s31 =	sadd.s32 $0x4, s31;
	s24 =	sor.u32 s17, s6;
	v19 =	vld.idx.msk [tilespmem:v13+s16+$0x0], $0xffff;
	[tilespmem:s22+$0x80] =	vst v12;
	s22 =	sor.u32 $0x100, s23  }
0x1d8: {  	s25 =	sor.u32 $0x10, s9;
	p2 =	slt.u32 s31, $0x7C;
	v10 =	vld [tilespmem:s24+$0x0];
	[tilespmem:s22+$0x10800] =	vst v11;
	s22 =	sor.u32 $0x180, s23  }
0x1d9: {  	s26 =	sor.u32 $0x20, s9;
	s23 =	sor.u32 s25, s6;
	s24 =	sadd.s32 $0x10, s18;
	v6 =	vand.u32 $0x7F, v16;
	v11 =	vshll.u32 v16, $0x3;
	v9 =	vld.idx.msk [tilespmem:v9+s16+$0x0], $0xffff;
	[tilespmem:s22+$0x10800] =	vst v15  }
0x1da: {  	s28 =	sadd.s32 $0x20, s18;
	s6 =	sor.u32 s26, s6;
	v12 =	vld [tilespmem:s23+$0x0];
	v11 =	vand.u32 $0xFFFFFC00, v11;
	s23 =	sor.u32 $0x100, s24;
	[tilespmem:s13+$0x80] =	vst v5  }
0x1db: {  	s22 =	sor.u32 $0x100, s28;
	s24 =	sor.u32 $0x180, s24;
	v5 =	vld [tilespmem:s6+$0x0];
	v11 =	vor.u32 v6, v11;
	s6 =	sor.u32 $0x180, s28;
	[tilespmem:s13+$0x0] =	vst v0  }
0x1dc: {  	s13 =	sor.u32 s8, s21;
	s28 =	sor.u32 $0x180, s18;
	v13 =	vor.u32 $0x80, v11;
	v14 =	vor.u32 $0x100, v11;
	v15 =	vor.u32 $0x180, v11;
	v20 =	vld.idx.msk [tilespmem:v8+s16+$0x0], $0xffff;
	[tilespmem:s5+$0x10800] =	vst v2;
	s5 =	sor.u32 $0x100, s18  }
0x1dd: {  	s8 =	smov.u32 s9;
	s18 =	sor.u32 s14, s21;
	s21 =	sor.u32 s7, s21;
	v0 =	vshll.u32 v10, $0x3;
	v6 =	vld.idx.msk [tilespmem:v7+s16+$0x0], $0xffff;
	[tilespmem:s1+$0x10800] =	vst v3  }
0x1de: {  	s14 =	smov.u32 s25;
	s7 =	smov.u32 s26;
	v2 =	vand.u32 $0x7F, v10;
	s1 =	smov.u32 s28;
	v0 =	vand.u32 $0xFFFFFC00, v0;
	v16 =	vld.idx.msk [tilespmem:v4+s16+$0x0], $0xffff;
	[tilespmem:s18+$0x80] =	vst v17  }
0x1df: {  	v3 =	vand.u32 $0x7F, v12;
	v4 =	vshll.u32 v12, $0x3;
	v10 =	vor.u32 v2, v0;
	v21 =	vld.idx.msk [tilespmem:v1+s16+$0x0], $0xffff;
	[tilespmem:s21+$0x80] =	vst v9  }
0x1e0: {  	v1 =	vand.u32 $0xFFFFFC00, v4;
	v2 =	vshll.u32 v5, $0x3;
	v12 =	vor.u32 $0x80, v10;
	v0 =	vld.idx.msk [tilespmem:v11+s16+$0x0], $0xffff  }
0x1e1: {  	v7 =	vand.u32 $0x7F, v5;
	v11 =	vor.u32 $0x100, v10;
	v2 =	vand.u32 $0xFFFFFC00, v2;
	v5 =	vld.idx.msk [tilespmem:v13+s16+$0x0], $0xffff  }
0x1e2: {  	v22 =	vor.u32 $0x180, v10;
	v4 =	vor.u32 v3, v1;
	v1 =	vor.u32 v7, v2;
	v2 =	vld.idx.msk [tilespmem:v14+s16+$0x0], $0xffff  }
0x1e3: {  	v17 =	vor.u32 $0x80, v4;
	v14 =	vor.u32 $0x100, v4;
	v13 =	vor.u32 $0x180, v4;
	v3 =	vld.idx.msk [tilespmem:v15+s16+$0x0], $0xffff  }
.Ltmp6:
0x1e4: {  	v9 =	vor.u32 $0x80, v1;
	v8 =	vor.u32 $0x100, v1;
	v7 =	vor.u32 $0x180, v1;
	v10 =	vld.idx.msk [tilespmem:v10+s16+$0x0], $0xffff;
	[tilespmem:s18+$0x0] =	vst v16;
	(pc) =	sbr.rel @p2 .LBB2_11-.Ltmp6, $4  }
0x1e5: {  	v12 =	vld.idx.msk [tilespmem:v12+s16+$0x0], $0xffff;
	[tilespmem:s23+$0x10800] =	vst v18  }
0x1e6: {  	s4 =	sadd.s32 $0x100, s4;
	p1 =	por !p1, !p1;
	s9 =	simm.s32 $0x1;
	v11 =	vld.idx.msk [tilespmem:v11+s16+$0x0], $0xffff;
	[tilespmem:s24+$0x10800] =	vst v19  }
0x1e7: {  	s9 =	simm.s32 @!p1 $0x0;
	s18 =	sshra.s32 s4, $0x2;
	s24 =	sand.u32 $0x1E00, s4;
	v15 =	vld.idx.msk [tilespmem:v22+s16+$0x0], $0xffff;
	[tilespmem:s21+$0x0] =	vst v21  }
0x1e8: {  	s12 =	sadd.s32 $0x40, s12;
	s23 =	sshll.u32 s9, $0x6;
	s21 =	sadd.s32 $0x10800, s24;
	v16 =	vld [tilespmem:s18+$0x0];
	[tilespmem:s22+$0x10800] =	vst v20  }
0x1e9: {  	_ = 	snop  }
0x1ea: {  	[tilespmem:s6+$0x10800] =	vst v6  }
0x1eb: {  	[tilespmem:s13+$0x80] =	vst v5  }
0x1ec: {  	s4 =	sadd.s32 s23, s4;
	s9 =	sor.u32 s17, s21;
	[tilespmem:s13+$0x0] =	vst v0  }
0x1ed: {  	v6 =	vld.idx.msk [tilespmem:v17+s16+$0x0], $0xffff;
	[tilespmem:s9+$0x0] =	vst v10;
	s29 =	sadd.s32 $0x30, s4  }
0x1ee: {  	v9 =	vld.idx.msk [tilespmem:v9+s16+$0x0], $0xffff;
	[tilespmem:s9+$0x80] =	vst v12;
	s30 =	sor.u32 $0x100, s29;
	v12 =	vshll.u32 v16, $0x3  }
0x1ef: {  	[tilespmem:s30+$0x10800] =	vst v11;
	v11 =	vld.idx.msk [tilespmem:v13+s16+$0x0], $0xffff;
	v13 =	vand.u32 $0x7F, v16;
	v12 =	vand.u32 $0xFFFFFC00, v12  }
0x1f0: {  	v0 =	vld.idx.msk [tilespmem:v4+s16+$0x0], $0xffff;
	[tilespmem:s5+$0x10800] =	vst v2;
	v5 =	vor.u32 v13, v12  }
0x1f1: {  	v1 =	vld.idx.msk [tilespmem:v1+s16+$0x0], $0xffff;
	s6 =	sor.u32 $0x180, s29;
	[tilespmem:s1+$0x10800] =	vst v3;
	v4 =	vor.u32 $0x80, v5  }
0x1f2: {  	s12 =	sor.u32 s14, s21;
	v10 =	vld.idx.msk [tilespmem:v14+s16+$0x0], $0xffff;
	[tilespmem:s6+$0x10800] =	vst v15  }
0x1f3: {  	v8 =	vld.idx.msk [tilespmem:v8+s16+$0x0], $0xffff;
	s13 =	sor.u32 s7, s21;
	[tilespmem:s12+$0x80] =	vst v6;
	v3 =	vor.u32 $0x100, v5  }
0x1f4: {  	v2 =	vld.idx.msk [tilespmem:v7+s16+$0x0], $0xffff;
	[tilespmem:s13+$0x80] =	vst v9;
	v6 =	vor.u32 $0x180, v5  }
0x1f5: {  	s14 =	sadd.s32 $0x10, s4;
	[tilespmem:s12+$0x0] =	vst v0  }
0x1f6: {  	s22 =	sadd.s32 $0x20, s4;
	s17 =	sor.u32 $0x100, s14;
	[tilespmem:s13+$0x0] =	vst v1;
	v0 =	vld.idx.msk [tilespmem:v4+s16+$0x0], $0xffff  }
0x1f7: {  	s23 =	sor.u32 $0x100, s22;
	[tilespmem:s17+$0x10800] =	vst v10;
	v4 =	vld.idx.msk [tilespmem:v5+s16+$0x0], $0xffff  }
0x1f8: {  	s24 =	sor.u32 $0x180, s22;
	[tilespmem:s23+$0x10800] =	vst v8;
	v3 =	vld.idx.msk [tilespmem:v3+s16+$0x0], $0xffff  }
0x1f9: {  	s18 =	sor.u32 $0x180, s14;
	[tilespmem:s24+$0x10800] =	vst v2;
	v1 =	vld.idx.msk [tilespmem:v6+s16+$0x0], $0xffff  }
0x1fa: {  	s25 =	sor.u32 s8, s21;
	[tilespmem:s18+$0x10800] =	vst v11  }
0x1fb: {  	[tilespmem:s25+$0x80] =	vst v0  }
0x1fc: {  	s3 =	sor.u32 $0x1000, s3;
	s28 =	rddreg [dreg:$0x2];
	s26 =	sor.u32 $0x100, s4;
	[tilespmem:s25+$0x0] =	vst v4  }
0x1fd: {  	s4 =	sor.u32 $0x180, s4;
	s1 =	sadd.s32 s28, s3;
	[tilespmem:s26+$0x10800] =	vst v3  }
0x1fe: {  	s29 =	simm.s32 $0x10800;
	s14 =	simm.s32 $0x4;
	s30 =	simm.s32 $0x0;
	[tilespmem:s4+$0x10800] =	vst v1  }
0x1ff: {  	[hbm4b:s1+s19] =	stream.strided.scatter [tilespmem:s29], [sflag:$0x3], $0x2000, s20, s19, $0x38;
	[tilespmem:$0x18800] =	vst v63  }
0x200: {  	s5 =	sand.u32 $0x40, s30;
	_ =	swait.ge [sflag:s14], $0x2000  }
0x201: {  	s17 =	sand.u32 $0x780, s30;
	s18 =	sor.u32 $0x30, s5;
	[sflag:s14] =	ssyncset.done $0x0  }
0x202: {  	s22 =	sor.u32 s18, s17;
	[sflag:s14] =	ssyncadd.s32 $0xFFFFE000  }
0x203: {  	v0 =	vld [tilespmem:s22+$0x0]  }
0x204: {  	s8 =	sor.u32 $0x10, s5;
	s24 =	simm.s32 $0x40  }
0x205: {  	s7 =	sor.u32 $0x20, s5;
	s23 =	sor.u32 s8, s17;
	s13 =	sand.u32 $0x40, s24  }
0x206: {  	s21 =	sor.u32 $0x30, s13;
	s25 =	sand.u32 $0x780, s24;
	s1 =	sor.u32 s7, s17;
	v1 =	vld [tilespmem:s23+$0x0]  }
0x207: {  	v6 =	vld [tilespmem:s1+$0x0];
	s1 =	sor.u32 s21, s25  }
0x208: {  	v9 =	vld [tilespmem:s1+$0x0];
	v2 =	vshll.u32 v0, $0x3  }
0x209: {  	v0 =	vand.u32 $0x7F, v0;
	v2 =	vand.u32 $0xFFFFFC00, v2  }
0x20a: {  	v0 =	vor.u32 v0, v2  }
0x20b: {  	s12 =	sor.u32 $0x10, s13;
	v4 =	vshll.u32 v1, $0x3;
	v2 =	vor.u32 $0x200, v0  }
0x20c: {  	s26 =	sor.u32 s12, s25;
	s1 =	sor.u32 $0x20, s13;
	v1 =	vand.u32 $0x7F, v1;
	v4 =	vand.u32 $0xFFFFFC00, v4;
	v3 =	vor.u32 $0x280, v0  }
0x20d: {  	v11 =	vld [tilespmem:s26+$0x0];
	s6 =	sor.u32 s1, s25;
	v13 =	vshll.u32 v9, $0x3;
	v9 =	vand.u32 $0x7F, v9;
	v5 =	vor.u32 $0x300, v0  }
0x20e: {  	s28 =	simm.s32 $0x0;
	v15 =	vld [tilespmem:s6+$0x0];
	v1 =	vor.u32 v1, v4;
	v13 =	vand.u32 $0xFFFFFC00, v13;
	v0 =	vor.u32 $0x380, v0  }
0x20f: {  	v4 =	vor.u32 $0x200, v1;
	v9 =	vor.u32 v9, v13;
	v13 =	vld [tilespmem:s28+$0x0]  }
0x210: {  	v10 =	vshll.u32 v6, $0x3;
	v7 =	vor.u32 $0x280, v1;
	v2 =	vld.idx.msk [tilespmem:v2+s16+$0x0], $0xffff  }
0x211: {  	v6 =	vand.u32 $0x7F, v6;
	v10 =	vand.u32 $0xFFFFFC00, v10;
	v8 =	vor.u32 $0x300, v1;
	v3 =	vld.idx.msk [tilespmem:v3+s16+$0x0], $0xffff  }
0x212: {  	v6 =	vor.u32 v6, v10;
	v1 =	vor.u32 $0x380, v1;
	v5 =	vld.idx.msk [tilespmem:v5+s16+$0x0], $0xffff  }
0x213: {  	v10 =	vor.u32 $0x200, v6;
	v0 =	vld.idx.msk [tilespmem:v0+s16+$0x0], $0xffff  }
0x214: {  	v12 =	vor.u32 $0x280, v6;
	v16 =	vor.u32 $0x200, v9;
	v4 =	vld.idx.msk [tilespmem:v4+s16+$0x0], $0xffff  }
0x215: {  	v18 =	vor.u32 $0x280, v9;
	v19 =	vor.u32 $0x300, v9;
	v9 =	vor.u32 $0x380, v9;
	v7 =	vld.idx.msk [tilespmem:v7+s16+$0x0], $0xffff  }
0x216: {  	s4 =	sand.u32 $0x1E00, s30;
	v14 =	vor.u32 $0x300, v6;
	v8 =	vld.idx.msk [tilespmem:v8+s16+$0x0], $0xffff  }
0x217: {  	p1 =	por $0x0, $0x0;
	s9 =	simm.s32 $0x1;
	s6 =	sadd.s32 $0x12800, s4;
	v6 =	vor.u32 $0x380, v6;
	v1 =	vld.idx.msk [tilespmem:v1+s16+$0x0], $0xffff  }
0x218: {  	s9 =	simm.s32 @!p1 $0x0;
	s29 =	sor.u32 s18, s6;
	v10 =	vld.idx.msk [tilespmem:v10+s16+$0x0], $0xffff  }
0x219: {  	s9 =	sshll.u32 s9, $0x6;
	v12 =	vld.idx.msk [tilespmem:v12+s16+$0x0], $0xffff;
	[tilespmem:s29+$0x0] =	vst v2  }
0x21a: {  	s4 =	sadd.s32 $0x0, s9;
	s8 =	sor.u32 s8, s6;
	v17 =	vshll.u32 v11, $0x3;
	v9 =	vld.idx.msk [tilespmem:v9+s16+$0x0], $0xffff;
	[tilespmem:s29+$0x80] =	vst v3  }
0x21b: {  	s25 =	simm.s32 $0x80;
	s30 =	sadd.s32 $0x30, s4;
	s22 =	sadd.s32 $0x10, s4;
	v11 =	vand.u32 $0x7F, v11;
	v17 =	vand.u32 $0xFFFFFC00, v17;
	v2 =	vld.idx.msk [tilespmem:v14+s16+$0x0], $0xffff;
	[tilespmem:s8+$0x0] =	vst v4  }
0x21c: {  	s24 =	sadd.s32 $0x20, s4;
	s26 =	sor.u32 s7, s6;
	s17 =	sor.u32 $0x100, s30;
	v11 =	vor.u32 v11, v17;
	v3 =	vld.idx.msk [tilespmem:v6+s16+$0x0], $0xffff;
	[tilespmem:s8+$0x80] =	vst v7  }
0x21d: {  	s18 =	sor.u32 $0x180, s30;
	s23 =	sor.u32 $0x100, s22;
	s14 =	sor.u32 $0x180, s22;
	v6 =	vor.u32 $0x200, v11;
	v14 =	vld.idx.msk [tilespmem:v16+s16+$0x0], $0xffff;
	[tilespmem:s17+$0x12800] =	vst v5  }
0x21e: {  	s28 =	sand.u32 $0x780, s25;
	v16 =	vld.idx.msk [tilespmem:v18+s16+$0x0], $0xffff;
	v7 =	vor.u32 $0x380, v11;
	s8 =	sand.u32 $0x40, s25;
	s29 =	simm.s32 $0x100;
	[tilespmem:s23+$0x12800] =	vst v8  }
0x21f: {  	v4 =	vld.idx.msk [tilespmem:v19+s16+$0x0], $0xffff;
	v5 =	vor.u32 $0x280, v11;
	s7 =	sor.u32 $0x30, s8;
	s30 =	sand.u32 $0x1E00, s29;
	s29 =	simm.s32 $0x40;
	[tilespmem:s18+$0x12800] =	vst v0  }
0x220: {  	s22 =	sor.u32 $0x180, s24;
	v0 =	vor.u32 $0x300, v11;
	s18 =	sor.u32 $0x100, s24;
	v11 =	vshll.u32 v15, $0x3;
	[tilespmem:s14+$0x12800] =	vst v1;
	v1 =	vand.u32 $0x7F, v15;
	s24 =	sor.u32 s7, s28;
	v15 =	vld [tilespmem:s29+$0x0]  }
0x221: {  	[tilespmem:s26+$0x0] =	vst v10;
	v8 =	vand.u32 $0xFFFFFC00, v11;
	v10 =	vld [tilespmem:s24+$0x0]  }
0x222: {  	p1 =	por !p1, !p1;
	s14 =	simm.s32 $0x1;
	v1 =	vor.u32 v1, v8;
	v6 =	vld.idx.msk [tilespmem:v6+s16+$0x0], $0xffff  }
0x223: {  	[tilespmem:s26+$0x80] =	vst v12;
	s17 =	sor.u32 $0x10, s8;
	s23 =	sadd.s32 $0x12800, s30;
	s14 =	simm.s32 @!p1 $0x0;
	v8 =	vor.u32 $0x200, v1;
	v7 =	vld.idx.msk [tilespmem:v7+s16+$0x0], $0xffff  }
0x224: {  	s26 =	sor.u32 s17, s28;
	v11 =	vshll.u32 v13, $0x3;
	s25 =	sshll.u32 s14, $0x6;
	s14 =	sor.u32 $0x20, s8;
	[tilespmem:s18+$0x12800] =	vst v2;
	v2 =	vor.u32 $0x280, v1;
	v5 =	vld.idx.msk [tilespmem:v5+s16+$0x0], $0xffff  }
0x225: {  	v12 =	vand.u32 $0x7F, v13;
	s21 =	sor.u32 s21, s23;
	v11 =	vand.u32 $0xFFFFFC00, v11;
	v13 =	vor.u32 $0x300, v1;
	s24 =	sadd.s32 $0x100, s25;
	s9 =	sor.u32 s14, s28;
	[tilespmem:s22+$0x12800] =	vst v3;
	v3 =	vld [tilespmem:s26+$0x0]  }
0x226: {  	v11 =	vor.u32 v12, v11;
	v1 =	vor.u32 $0x380, v1;
	[tilespmem:s21+$0x0] =	vst v14;
	s28 =	sadd.s32 $0x30, s24;
	v12 =	vld [tilespmem:s9+$0x0]  }
0x227: {  	[tilespmem:s21+$0x80] =	vst v16;
	v14 =	vor.u32 $0x200, v11;
	v0 =	vld.idx.msk [tilespmem:v0+s16+$0x0], $0xffff;
	s30 =	sor.u32 $0x100, s28  }
0x228: {  	v16 =	vor.u32 $0x280, v11;
	v17 =	vor.u32 $0x300, v11;
	s18 =	sor.u32 $0x180, s28;
	[tilespmem:s30+$0x12800] =	vst v4;
	v4 =	vshll.u32 v10, $0x3;
	v18 =	vld.idx.msk [tilespmem:v8+s16+$0x0], $0xffff  }
0x229: {  	s21 =	sor.u32 s12, s23;
	v11 =	vor.u32 $0x380, v11;
	[tilespmem:s18+$0x12800] =	vst v9;
	v4 =	vand.u32 $0xFFFFFC00, v4;
	v8 =	vand.u32 $0x7F, v10;
	v2 =	vld.idx.msk [tilespmem:v2+s16+$0x0], $0xffff  }
0x22a: {  	s22 =	sadd.s32 $0x10, s24;
	[tilespmem:s21+$0x0] =	vst v6;
	v19 =	vld.idx.msk [tilespmem:v13+s16+$0x0], $0xffff;
	v6 =	vand.u32 $0x7F, v3;
	v3 =	vshll.u32 v3, $0x3;
	v4 =	vor.u32 v8, v4  }
0x22b: {  	s25 =	sor.u32 $0x100, s22;
	v1 =	vld.idx.msk [tilespmem:v1+s16+$0x0], $0xffff;
	[tilespmem:s21+$0x80] =	vst v5;
	v5 =	vshll.u32 v12, $0x3;
	v3 =	vand.u32 $0xFFFFFC00, v3;
	v20 =	vor.u32 $0x200, v4  }
0x22c: {  	s26 =	sor.u32 $0x180, s22;
	v22 =	vld.idx.msk [tilespmem:v14+s16+$0x0], $0xffff;
	[tilespmem:s25+$0x12800] =	vst v0;
	v0 =	vand.u32 $0xFFFFFC00, v5;
	v21 =	vor.u32 $0x280, v4;
	v5 =	vshll.u32 v15, $0x3  }
0x22d: {  	s1 =	sor.u32 s1, s23;
	v8 =	vld.idx.msk [tilespmem:v16+s16+$0x0], $0xffff;
	v23 =	vor.u32 $0x300, v4;
	v13 =	vor.u32 $0x380, v4;
	v4 =	vand.u32 $0x7F, v15;
	[tilespmem:s26+$0x12800] =	vst v7  }
0x22e: {  	s28 =	sadd.s32 $0x20, s24;
	v9 =	vld.idx.msk [tilespmem:v17+s16+$0x0], $0xffff;
	v7 =	vand.u32 $0x7F, v12;
	v5 =	vand.u32 $0xFFFFFC00, v5;
	v3 =	vor.u32 v6, v3;
	[tilespmem:s1+$0x0] =	vst v18  }
0x22f: {  	p1 =	por !p1, !p1;
	s12 =	sor.u32 $0x100, s4;
	s29 =	sor.u32 $0x100, s28;
	v10 =	vld.idx.msk [tilespmem:v11+s16+$0x0], $0xffff;
	v12 =	vor.u32 $0x200, v3;
	v0 =	vor.u32 v7, v0;
	v7 =	vor.u32 v4, v5;
	[tilespmem:s1+$0x80] =	vst v2  }
0x230: {  	s31 =	sor.u32 $0x100, s24;
	s22 =	sor.u32 s5, s6;
	s5 =	sor.u32 s13, s23;
	v15 =	vor.u32 $0x280, v3;
	v11 =	vor.u32 $0x300, v3;
	v6 =	vor.u32 $0x380, v3;
	[tilespmem:s29+$0x12800] =	vst v19;
	v14 =	vld.idx.msk [tilespmem:v20+s16+$0x0], $0xffff  }
0x231: {  	s13 =	sor.u32 $0x180, s24;
	s6 =	simm.s32 $0xC0;
	s30 =	sor.u32 $0x180, s28;
	v5 =	vor.u32 $0x200, v0;
	v4 =	vor.u32 $0x280, v0;
	v3 =	vor.u32 $0x300, v0;
	[tilespmem:s22+$0x0] =	vst v22;
	v17 =	vld.idx.msk [tilespmem:v21+s16+$0x0], $0xffff  }
0x232: {  	s21 =	sor.u32 $0x180, s4;
	s4 =	simm.s32 $0x200;
	s1 =	simm.s32 $0x8;
	v2 =	vor.u32 $0x380, v0;
	v0 =	vor.u32 $0x280, v7;
	[tilespmem:s30+$0x12800] =	vst v1;
	v16 =	vld.idx.msk [tilespmem:v23+s16+$0x0], $0xffff;
	v1 =	vor.u32 $0x200, v7  }
.LBB2_13:
0x233: {  	s18 =	simm.s32 $0x1  }
0x234: {  	s9 =	sand.u32 $0x780, s6;
	s23 =	sand.u32 $0x1E00, s4;
	v13 =	vld.idx.msk [tilespmem:v13+s16+$0x0], $0xffff;
	v18 =	vor.u32 $0x300, v7;
	v19 =	vor.u32 $0x380, v7;
	[tilespmem:s22+$0x80] =	vst v8;
	s18 =	simm.s32 @!p1 $0x0  }
0x235: {  	s22 =	sand.u32 $0x40, s6;
	s25 =	sadd.s32 $0x12800, s23;
	s18 =	sshll.u32 s18, $0x6;
	v7 =	vld.idx.msk [tilespmem:v12+s16+$0x0], $0xffff;
	[tilespmem:s12+$0x12800] =	vst v9  }
0x236: {  	s12 =	sadd.s32 s18, s4;
	v8 =	vld.idx.msk [tilespmem:v15+s16+$0x0], $0xffff;
	s18 =	sor.u32 s7, s25;
	s7 =	sor.u32 $0x30, s22;
	[tilespmem:s21+$0x12800] =	vst v10  }
0x237: {  	s21 =	sor.u32 $0x10, s22;
	s23 =	sor.u32 s7, s9;
	v9 =	vld.idx.msk [tilespmem:v11+s16+$0x0], $0xffff;
	[tilespmem:s18+$0x0] =	vst v14;
	s24 =	sadd.s32 $0x30, s12  }
0x238: {  	s1 =	sadd.s32 $0x4, s1;
	s26 =	sor.u32 $0x20, s22;
	v10 =	vld [tilespmem:s23+$0x0];
	[tilespmem:s18+$0x80] =	vst v17;
	s18 =	sor.u32 $0x100, s24  }
0x239: {  	p2 =	slt.u32 s1, $0x7C;
	s23 =	sor.u32 s21, s9;
	v6 =	vld.idx.msk [tilespmem:v6+s16+$0x0], $0xffff;
	[tilespmem:s18+$0x12800] =	vst v16;
	s18 =	sor.u32 $0x180, s24  }
0x23a: {  	s9 =	sor.u32 s26, s9;
	s24 =	sadd.s32 $0x10, s12;
	v11 =	vld [tilespmem:s23+$0x0];
	s23 =	sshra.s32 s4, $0x2;
	[tilespmem:s18+$0x12800] =	vst v13  }
0x23b: {  	s28 =	sadd.s32 $0x20, s12;
	s18 =	sor.u32 $0x180, s24;
	v12 =	vld [tilespmem:s9+$0x0];
	s9 =	sor.u32 $0x100, s24  }
0x23c: {  	s29 =	sor.u32 $0x100, s12;
	s24 =	sor.u32 $0x100, s28;
	v14 =	vld [tilespmem:s23+$0x0];
	s23 =	sor.u32 $0x180, s28  }
0x23d: {  	s30 =	sor.u32 $0x180, s12;
	s12 =	sor.u32 s17, s25;
	s28 =	sor.u32 s8, s25;
	v13 =	vshll.u32 v10, $0x3;
	v5 =	vld.idx.msk [tilespmem:v5+s16+$0x0], $0xffff  }
0x23e: {  	s17 =	smov.u32 s21;
	s25 =	sor.u32 s14, s25;
	s8 =	smov.u32 s22;
	v10 =	vand.u32 $0x7F, v10;
	v13 =	vand.u32 $0xFFFFFC00, v13;
	[tilespmem:s12+$0x0] =	vst v7;
	v4 =	vld.idx.msk [tilespmem:v4+s16+$0x0], $0xffff  }
0x23f: {  	s14 =	smov.u32 s26;
	v7 =	vand.u32 $0x7F, v11;
	v11 =	vshll.u32 v11, $0x3;
	v10 =	vor.u32 v10, v13;
	[tilespmem:s12+$0x80] =	vst v8;
	v3 =	vld.idx.msk [tilespmem:v3+s16+$0x0], $0xffff;
	s12 =	smov.u32 s31;
	s31 =	smov.u32 s29  }
0x240: {  	s21 =	smov.u32 s13;
	s22 =	smov.u32 s5;
	s5 =	smov.u32 s28;
	v11 =	vand.u32 $0xFFFFFC00, v11;
	v8 =	vshll.u32 v12, $0x3;
	v16 =	vor.u32 $0x200, v10;
	[tilespmem:s9+$0x12800] =	vst v9;
	v2 =	vld.idx.msk [tilespmem:v2+s16+$0x0], $0xffff  }
0x241: {  	s13 =	smov.u32 s30;
	v17 =	vor.u32 $0x280, v10;
	v15 =	vand.u32 $0xFFFFFC00, v8;
	v8 =	vshll.u32 v14, $0x3;
	[tilespmem:s18+$0x12800] =	vst v6;
	v20 =	vld.idx.msk [tilespmem:v1+s16+$0x0], $0xffff  }
0x242: {  	v21 =	vor.u32 $0x300, v10;
	v1 =	vand.u32 $0x7F, v12;
	v6 =	vand.u32 $0xFFFFFC00, v8;
	v8 =	vld.idx.msk [tilespmem:v0+s16+$0x0], $0xffff  }
.Ltmp7:
0x243: {  	v13 =	vor.u32 $0x380, v10;
	v0 =	vor.u32 v7, v11;
	v7 =	vand.u32 $0x7F, v14;
	[tilespmem:s25+$0x0] =	vst v5;
	v9 =	vld.idx.msk [tilespmem:v18+s16+$0x0], $0xffff;
	(pc) =	sbr.rel @p2 .LBB2_13-.Ltmp7, $4  }
0x244: {  	v1 =	vor.u32 v1, v15;
	v12 =	vor.u32 $0x200, v0;
	v7 =	vor.u32 v7, v6;
	[tilespmem:s25+$0x80] =	vst v4;
	v10 =	vld.idx.msk [tilespmem:v19+s16+$0x0], $0xffff  }
0x245: {  	v15 =	vor.u32 $0x280, v0;
	v11 =	vor.u32 $0x300, v0;
	v6 =	vor.u32 $0x380, v0;
	v14 =	vld.idx.msk [tilespmem:v16+s16+$0x0], $0xffff;
	[tilespmem:s24+$0x12800] =	vst v3  }
0x246: {  	v5 =	vor.u32 $0x200, v1;
	v4 =	vor.u32 $0x280, v1;
	v3 =	vor.u32 $0x300, v1;
	v17 =	vld.idx.msk [tilespmem:v17+s16+$0x0], $0xffff;
	[tilespmem:s23+$0x12800] =	vst v2  }
0x247: {  	s6 =	sadd.s32 $0x40, s6;
	p1 =	por !p1, !p1;
	s4 =	sadd.s32 $0x100, s4;
	v0 =	vor.u32 $0x280, v7;
	v2 =	vor.u32 $0x380, v1;
	v1 =	vor.u32 $0x200, v7;
	v16 =	vld.idx.msk [tilespmem:v21+s16+$0x0], $0xffff;
	[tilespmem:s22+$0x0] =	vst v20  }
0x248: {  	_ =	sdelay $0x1  }
0x249: {  	s1 =	simm.s32 $0x1;
	s9 =	sshra.s32 s4, $0x2  }
0x24a: {  	s6 =	sand.u32 $0x1E00, s4;
	[tilespmem:s22+$0x80] =	vst v8;
	s1 =	simm.s32 @!p1 $0x0;
	v8 =	vld [tilespmem:s9+$0x0]  }
0x24b: {  	s6 =	sadd.s32 $0x12800, s6;
	[tilespmem:s12+$0x12800] =	vst v9;
	v9 =	vld.idx.msk [tilespmem:v12+s16+$0x0], $0xffff;
	s1 =	sshll.u32 s1, $0x6  }
0x24c: {  	v13 =	vld.idx.msk [tilespmem:v13+s16+$0x0], $0xffff;
	s12 =	sor.u32 s7, s6;
	[tilespmem:s21+$0x12800] =	vst v10;
	s1 =	sadd.s32 s1, s4  }
0x24d: {  	v10 =	vld.idx.msk [tilespmem:v15+s16+$0x0], $0xffff;
	[tilespmem:s12+$0x0] =	vst v14;
	s18 =	sadd.s32 $0x30, s1  }
0x24e: {  	v11 =	vld.idx.msk [tilespmem:v11+s16+$0x0], $0xffff;
	[tilespmem:s12+$0x80] =	vst v17;
	s21 =	sor.u32 $0x100, s18  }
0x24f: {  	v6 =	vld.idx.msk [tilespmem:v6+s16+$0x0], $0xffff;
	s23 =	sor.u32 s17, s6;
	[tilespmem:s21+$0x12800] =	vst v16  }
0x250: {  	v5 =	vld.idx.msk [tilespmem:v5+s16+$0x0], $0xffff;
	s22 =	sor.u32 $0x180, s18;
	v12 =	vshll.u32 v8, $0x3;
	[tilespmem:s23+$0x0] =	vst v9  }
0x251: {  	v4 =	vld.idx.msk [tilespmem:v4+s16+$0x0], $0xffff;
	s24 =	sadd.s32 $0x10, s1;
	v8 =	vand.u32 $0x7F, v8;
	[tilespmem:s22+$0x12800] =	vst v13;
	v13 =	vor.u32 $0x300, v7;
	v9 =	vand.u32 $0xFFFFFC00, v12  }
0x252: {  	v3 =	vld.idx.msk [tilespmem:v3+s16+$0x0], $0xffff;
	s25 =	sor.u32 $0x100, s24;
	v7 =	vor.u32 $0x380, v7;
	[tilespmem:s23+$0x80] =	vst v10;
	v8 =	vor.u32 v8, v9  }
0x253: {  	v2 =	vld.idx.msk [tilespmem:v2+s16+$0x0], $0xffff;
	s26 =	sor.u32 $0x180, s24;
	[tilespmem:s25+$0x12800] =	vst v11;
	v9 =	vor.u32 $0x200, v8  }
0x254: {  	v1 =	vld.idx.msk [tilespmem:v1+s16+$0x0], $0xffff;
	s28 =	sor.u32 s14, s6;
	[tilespmem:s26+$0x12800] =	vst v6;
	v6 =	vor.u32 $0x280, v8  }
0x255: {  	v0 =	vld.idx.msk [tilespmem:v0+s16+$0x0], $0xffff;
	s29 =	sadd.s32 $0x20, s1;
	[tilespmem:s28+$0x0] =	vst v5;
	v5 =	vor.u32 $0x300, v8  }
0x256: {  	s30 =	sor.u32 $0x100, s29;
	[tilespmem:s28+$0x80] =	vst v4;
	v4 =	vor.u32 $0x380, v8;
	v10 =	vld.idx.msk [tilespmem:v13+s16+$0x0], $0xffff  }
0x257: {  	s4 =	sor.u32 $0x180, s29;
	[tilespmem:s30+$0x12800] =	vst v3;
	v7 =	vld.idx.msk [tilespmem:v7+s16+$0x0], $0xffff  }
0x258: {  	[tilespmem:s4+$0x12800] =	vst v2;
	v2 =	vld.idx.msk [tilespmem:v9+s16+$0x0], $0xffff  }
0x259: {  	[tilespmem:s5+$0x0] =	vst v1;
	v1 =	vld.idx.msk [tilespmem:v6+s16+$0x0], $0xffff  }
0x25a: {  	[tilespmem:s5+$0x80] =	vst v0;
	v0 =	vld.idx.msk [tilespmem:v5+s16+$0x0], $0xffff  }
0x25b: {  	v3 =	vld.idx.msk [tilespmem:v4+s16+$0x0], $0xffff;
	[tilespmem:s31+$0x12800] =	vst v10  }
0x25c: {  	s12 =	sor.u32 s8, s6;
	[tilespmem:s13+$0x12800] =	vst v7  }
0x25d: {  	[tilespmem:s12+$0x0] =	vst v2  }
0x25e: {  	s13 =	sor.u32 $0x100, s1;
	[tilespmem:s12+$0x80] =	vst v1  }
0x25f: {  	s1 =	sor.u32 $0x180, s1;
	[tilespmem:s13+$0x12800] =	vst v0  }
0x260: {  	[tilespmem:s1+$0x12800] =	vst v3  }
0x261: {  	s14 =	simm.s32 $0x12800;
	s1 =	rddreg [dreg:$0x7]  }
0x262: {  	s17 =	simm.s32 $0x0;
	s18 =	simm.s32 $0x5;
	s1 =	sadd.s32 s3, s1  }
0x263: {  	[hbm4b:s1+s19] =	stream.strided.scatter [tilespmem:s14], [sflag:$0x4], $0x2000, s20, s19, $0x38;
	[tilespmem:$0x18800] =	vst v63  }
0x264: {  	s5 =	sand.u32 $0x40, s17;
	_ =	swait.ge [sflag:s18], $0x2000  }
0x265: {  	s21 =	sand.u32 $0x780, s17;
	s22 =	sor.u32 $0x30, s5;
	[sflag:s18] =	ssyncset.done $0x0  }
0x266: {  	s23 =	sor.u32 s22, s21;
	[sflag:s18] =	ssyncadd.s32 $0xFFFFE000  }
0x267: {  	v0 =	vld [tilespmem:s23+$0x0]  }
0x268: {  	s26 =	simm.s32 $0x40;
	s24 =	sor.u32 $0x10, s5  }
0x269: {  	s7 =	sor.u32 $0x20, s5;
	s25 =	sor.u32 s24, s21;
	s13 =	sand.u32 $0x40, s26  }
0x26a: {  	s28 =	sand.u32 $0x780, s26;
	s1 =	sor.u32 s7, s21;
	s21 =	sor.u32 $0x30, s13;
	v1 =	vld [tilespmem:s25+$0x0]  }
0x26b: {  	v6 =	vld [tilespmem:s1+$0x0];
	s1 =	sor.u32 s21, s28  }
0x26c: {  	v9 =	vld [tilespmem:s1+$0x0];
	v2 =	vshll.u32 v0, $0x3  }
0x26d: {  	v0 =	vand.u32 $0x7F, v0;
	v2 =	vand.u32 $0xFFFFFC00, v2  }
0x26e: {  	v0 =	vor.u32 v0, v2  }
0x26f: {  	s12 =	sor.u32 $0x10, s13;
	v4 =	vshll.u32 v1, $0x3;
	v2 =	vadd.s32 $0x4000, v0  }
0x270: {  	s29 =	sor.u32 s12, s28;
	s1 =	sor.u32 $0x20, s13;
	v1 =	vand.u32 $0x7F, v1;
	v4 =	vand.u32 $0xFFFFFC00, v4;
	v3 =	vadd.s32 $0x4080, v0  }
0x271: {  	v11 =	vld [tilespmem:s29+$0x0];
	s6 =	sor.u32 s1, s28;
	v13 =	vshll.u32 v9, $0x3;
	v9 =	vand.u32 $0x7F, v9;
	v5 =	vadd.s32 $0x4100, v0  }
0x272: {  	s30 =	simm.s32 $0x0;
	v15 =	vld [tilespmem:s6+$0x0];
	v1 =	vor.u32 v1, v4;
	v13 =	vand.u32 $0xFFFFFC00, v13;
	v0 =	vadd.s32 $0x4180, v0  }
0x273: {  	v4 =	vadd.s32 $0x4000, v1;
	v9 =	vor.u32 v9, v13;
	v13 =	vld [tilespmem:s30+$0x0]  }
0x274: {  	v10 =	vshll.u32 v6, $0x3;
	v7 =	vadd.s32 $0x4080, v1;
	v2 =	vld.idx.msk [tilespmem:v2+s16+$0x0], $0xffff  }
0x275: {  	v6 =	vand.u32 $0x7F, v6;
	v10 =	vand.u32 $0xFFFFFC00, v10;
	v8 =	vadd.s32 $0x4100, v1;
	v3 =	vld.idx.msk [tilespmem:v3+s16+$0x0], $0xffff  }
0x276: {  	v6 =	vor.u32 v6, v10;
	v1 =	vadd.s32 $0x4180, v1;
	v5 =	vld.idx.msk [tilespmem:v5+s16+$0x0], $0xffff  }
0x277: {  	v10 =	vadd.s32 $0x4000, v6;
	v0 =	vld.idx.msk [tilespmem:v0+s16+$0x0], $0xffff  }
0x278: {  	v12 =	vadd.s32 $0x4080, v6;
	v16 =	vadd.s32 $0x4000, v9;
	v4 =	vld.idx.msk [tilespmem:v4+s16+$0x0], $0xffff  }
0x279: {  	v18 =	vadd.s32 $0x4080, v9;
	v19 =	vadd.s32 $0x4100, v9;
	v9 =	vadd.s32 $0x4180, v9;
	v7 =	vld.idx.msk [tilespmem:v7+s16+$0x0], $0xffff  }
0x27a: {  	s4 =	sand.u32 $0x1E00, s17;
	v14 =	vadd.s32 $0x4100, v6;
	v8 =	vld.idx.msk [tilespmem:v8+s16+$0x0], $0xffff  }
0x27b: {  	p1 =	por $0x0, $0x0;
	s9 =	simm.s32 $0x1;
	s6 =	sadd.s32 $0x14800, s4;
	v6 =	vadd.s32 $0x4180, v6;
	v1 =	vld.idx.msk [tilespmem:v1+s16+$0x0], $0xffff  }
0x27c: {  	s9 =	simm.s32 @!p1 $0x0;
	s14 =	sor.u32 s22, s6;
	v10 =	vld.idx.msk [tilespmem:v10+s16+$0x0], $0xffff  }
0x27d: {  	s9 =	sshll.u32 s9, $0x6;
	v12 =	vld.idx.msk [tilespmem:v12+s16+$0x0], $0xffff;
	[tilespmem:s14+$0x0] =	vst v2  }
0x27e: {  	s4 =	sadd.s32 $0x0, s9;
	s8 =	sor.u32 s24, s6;
	v17 =	vshll.u32 v11, $0x3;
	v9 =	vld.idx.msk [tilespmem:v9+s16+$0x0], $0xffff;
	[tilespmem:s14+$0x80] =	vst v3  }
0x27f: {  	s26 =	simm.s32 $0x80;
	s17 =	sadd.s32 $0x30, s4;
	v11 =	vand.u32 $0x7F, v11;
	v17 =	vand.u32 $0xFFFFFC00, v17;
	v2 =	vld.idx.msk [tilespmem:v14+s16+$0x0], $0xffff;
	[tilespmem:s8+$0x0] =	vst v4  }
0x280: {  	s29 =	simm.s32 $0x100;
	s23 =	sadd.s32 $0x10, s4;
	s18 =	sor.u32 $0x100, s17;
	v11 =	vor.u32 v11, v17;
	v3 =	vld.idx.msk [tilespmem:v6+s16+$0x0], $0xffff;
	[tilespmem:s8+$0x80] =	vst v7  }
0x281: {  	s28 =	sand.u32 $0x780, s26;
	s22 =	sor.u32 $0x180, s17;
	s24 =	sor.u32 $0x100, s23;
	v6 =	vadd.s32 $0x4000, v11;
	v14 =	vld.idx.msk [tilespmem:v16+s16+$0x0], $0xffff;
	[tilespmem:s18+$0x14800] =	vst v5  }
0x282: {  	s30 =	sand.u32 $0x1E00, s29;
	s29 =	simm.s32 $0x40;
	v16 =	vld.idx.msk [tilespmem:v18+s16+$0x0], $0xffff;
	v7 =	vadd.s32 $0x4180, v11;
	s8 =	sand.u32 $0x40, s26;
	[tilespmem:s24+$0x14800] =	vst v8  }
0x283: {  	s14 =	sor.u32 $0x180, s23;
	v4 =	vld.idx.msk [tilespmem:v19+s16+$0x0], $0xffff;
	s23 =	sor.u32 s7, s6;
	v5 =	vadd.s32 $0x4080, v11;
	s7 =	sor.u32 $0x30, s8;
	[tilespmem:s22+$0x14800] =	vst v0  }
0x284: {  	v0 =	vadd.s32 $0x4100, v11;
	v11 =	vshll.u32 v15, $0x3;
	[tilespmem:s14+$0x14800] =	vst v1;
	v1 =	vand.u32 $0x7F, v15;
	s24 =	sor.u32 s7, s28;
	v15 =	vld [tilespmem:s29+$0x0]  }
0x285: {  	p1 =	por !p1, !p1;
	s25 =	sadd.s32 $0x20, s4;
	[tilespmem:s23+$0x0] =	vst v10;
	v8 =	vand.u32 $0xFFFFFC00, v11;
	v10 =	vld [tilespmem:s24+$0x0]  }
0x286: {  	s18 =	sor.u32 $0x100, s25;
	s17 =	sor.u32 $0x10, s8;
	s14 =	simm.s32 $0x1;
	v1 =	vor.u32 v1, v8;
	v6 =	vld.idx.msk [tilespmem:v6+s16+$0x0], $0xffff  }
0x287: {  	[tilespmem:s23+$0x80] =	vst v12;
	s23 =	sadd.s32 $0x14800, s30;
	s22 =	sor.u32 $0x180, s25;
	s14 =	simm.s32 @!p1 $0x0;
	v8 =	vadd.s32 $0x4000, v1;
	v7 =	vld.idx.msk [tilespmem:v7+s16+$0x0], $0xffff  }
0x288: {  	s26 =	sor.u32 s17, s28;
	v11 =	vshll.u32 v13, $0x3;
	s25 =	sshll.u32 s14, $0x6;
	s14 =	sor.u32 $0x20, s8;
	[tilespmem:s18+$0x14800] =	vst v2;
	v2 =	vadd.s32 $0x4080, v1;
	v5 =	vld.idx.msk [tilespmem:v5+s16+$0x0], $0xffff  }
0x289: {  	v12 =	vand.u32 $0x7F, v13;
	s21 =	sor.u32 s21, s23;
	v11 =	vand.u32 $0xFFFFFC00, v11;
	v13 =	vadd.s32 $0x4100, v1;
	s24 =	sadd.s32 $0x100, s25;
	s9 =	sor.u32 s14, s28;
	[tilespmem:s22+$0x14800] =	vst v3;
	v3 =	vld [tilespmem:s26+$0x0]  }
0x28a: {  	v11 =	vor.u32 v12, v11;
	v1 =	vadd.s32 $0x4180, v1;
	[tilespmem:s21+$0x0] =	vst v14;
	s28 =	sadd.s32 $0x30, s24;
	v12 =	vld [tilespmem:s9+$0x0]  }
0x28b: {  	[tilespmem:s21+$0x80] =	vst v16;
	v14 =	vadd.s32 $0x4000, v11;
	v0 =	vld.idx.msk [tilespmem:v0+s16+$0x0], $0xffff;
	s30 =	sor.u32 $0x100, s28  }
0x28c: {  	v16 =	vadd.s32 $0x4080, v11;
	v17 =	vadd.s32 $0x4100, v11;
	s18 =	sor.u32 $0x180, s28;
	[tilespmem:s30+$0x14800] =	vst v4;
	v4 =	vshll.u32 v10, $0x3;
	v18 =	vld.idx.msk [tilespmem:v8+s16+$0x0], $0xffff  }
0x28d: {  	s21 =	sor.u32 s12, s23;
	v11 =	vadd.s32 $0x4180, v11;
	[tilespmem:s18+$0x14800] =	vst v9;
	v4 =	vand.u32 $0xFFFFFC00, v4;
	v8 =	vand.u32 $0x7F, v10;
	v2 =	vld.idx.msk [tilespmem:v2+s16+$0x0], $0xffff  }
0x28e: {  	s22 =	sadd.s32 $0x10, s24;
	[tilespmem:s21+$0x0] =	vst v6;
	v19 =	vld.idx.msk [tilespmem:v13+s16+$0x0], $0xffff;
	v6 =	vand.u32 $0x7F, v3;
	v3 =	vshll.u32 v3, $0x3;
	v4 =	vor.u32 v8, v4  }
0x28f: {  	s25 =	sor.u32 $0x100, s22;
	v1 =	vld.idx.msk [tilespmem:v1+s16+$0x0], $0xffff;
	[tilespmem:s21+$0x80] =	vst v5;
	v5 =	vshll.u32 v12, $0x3;
	v3 =	vand.u32 $0xFFFFFC00, v3;
	v20 =	vadd.s32 $0x4000, v4  }
0x290: {  	s26 =	sor.u32 $0x180, s22;
	v22 =	vld.idx.msk [tilespmem:v14+s16+$0x0], $0xffff;
	[tilespmem:s25+$0x14800] =	vst v0;
	v0 =	vand.u32 $0xFFFFFC00, v5;
	v21 =	vadd.s32 $0x4080, v4;
	v5 =	vshll.u32 v15, $0x3  }
0x291: {  	s1 =	sor.u32 s1, s23;
	v8 =	vld.idx.msk [tilespmem:v16+s16+$0x0], $0xffff;
	v23 =	vadd.s32 $0x4100, v4;
	v13 =	vadd.s32 $0x4180, v4;
	v4 =	vand.u32 $0x7F, v15;
	[tilespmem:s26+$0x14800] =	vst v7  }
0x292: {  	s28 =	sadd.s32 $0x20, s24;
	v9 =	vld.idx.msk [tilespmem:v17+s16+$0x0], $0xffff;
	v7 =	vand.u32 $0x7F, v12;
	v5 =	vand.u32 $0xFFFFFC00, v5;
	v3 =	vor.u32 v6, v3;
	[tilespmem:s1+$0x0] =	vst v18  }
0x293: {  	p1 =	por !p1, !p1;
	s12 =	sor.u32 $0x100, s4;
	s29 =	sor.u32 $0x100, s28;
	v10 =	vld.idx.msk [tilespmem:v11+s16+$0x0], $0xffff;
	v12 =	vadd.s32 $0x4000, v3;
	v0 =	vor.u32 v7, v0;
	v7 =	vor.u32 v4, v5;
	[tilespmem:s1+$0x80] =	vst v2  }
0x294: {  	s31 =	sor.u32 $0x100, s24;
	s22 =	sor.u32 s5, s6;
	s5 =	sor.u32 s13, s23;
	v15 =	vadd.s32 $0x4080, v3;
	v11 =	vadd.s32 $0x4100, v3;
	v6 =	vadd.s32 $0x4180, v3;
	[tilespmem:s29+$0x14800] =	vst v19;
	v14 =	vld.idx.msk [tilespmem:v20+s16+$0x0], $0xffff  }
0x295: {  	s13 =	sor.u32 $0x180, s24;
	s6 =	simm.s32 $0xC0;
	s30 =	sor.u32 $0x180, s28;
	v5 =	vadd.s32 $0x4000, v0;
	v4 =	vadd.s32 $0x4080, v0;
	v3 =	vadd.s32 $0x4100, v0;
	[tilespmem:s22+$0x0] =	vst v22;
	v17 =	vld.idx.msk [tilespmem:v21+s16+$0x0], $0xffff  }
0x296: {  	s21 =	sor.u32 $0x180, s4;
	s4 =	simm.s32 $0x200;
	s1 =	simm.s32 $0x8;
	v2 =	vadd.s32 $0x4180, v0;
	v0 =	vadd.s32 $0x4080, v7;
	[tilespmem:s30+$0x14800] =	vst v1;
	v16 =	vld.idx.msk [tilespmem:v23+s16+$0x0], $0xffff;
	v1 =	vadd.s32 $0x4000, v7  }
.LBB2_15:
0x297: {  	s18 =	simm.s32 $0x1  }
0x298: {  	s9 =	sand.u32 $0x780, s6;
	s23 =	sand.u32 $0x1E00, s4;
	v13 =	vld.idx.msk [tilespmem:v13+s16+$0x0], $0xffff;
	v18 =	vadd.s32 $0x4100, v7;
	v19 =	vadd.s32 $0x4180, v7;
	[tilespmem:s22+$0x80] =	vst v8;
	s18 =	simm.s32 @!p1 $0x0  }
0x299: {  	s22 =	sand.u32 $0x40, s6;
	s25 =	sadd.s32 $0x14800, s23;
	s18 =	sshll.u32 s18, $0x6;
	v7 =	vld.idx.msk [tilespmem:v12+s16+$0x0], $0xffff;
	[tilespmem:s12+$0x14800] =	vst v9  }
0x29a: {  	s12 =	sadd.s32 s18, s4;
	v8 =	vld.idx.msk [tilespmem:v15+s16+$0x0], $0xffff;
	s18 =	sor.u32 s7, s25;
	s7 =	sor.u32 $0x30, s22;
	[tilespmem:s21+$0x14800] =	vst v10  }
0x29b: {  	s21 =	sor.u32 $0x10, s22;
	s23 =	sor.u32 s7, s9;
	v9 =	vld.idx.msk [tilespmem:v11+s16+$0x0], $0xffff;
	[tilespmem:s18+$0x0] =	vst v14;
	s24 =	sadd.s32 $0x30, s12  }
0x29c: {  	s1 =	sadd.s32 $0x4, s1;
	s26 =	sor.u32 $0x20, s22;
	v10 =	vld [tilespmem:s23+$0x0];
	[tilespmem:s18+$0x80] =	vst v17;
	s18 =	sor.u32 $0x100, s24  }
0x29d: {  	p2 =	slt.u32 s1, $0x7C;
	s23 =	sor.u32 s21, s9;
	v6 =	vld.idx.msk [tilespmem:v6+s16+$0x0], $0xffff;
	[tilespmem:s18+$0x14800] =	vst v16;
	s18 =	sor.u32 $0x180, s24  }
0x29e: {  	s9 =	sor.u32 s26, s9;
	s24 =	sadd.s32 $0x10, s12;
	v11 =	vld [tilespmem:s23+$0x0];
	s23 =	sshra.s32 s4, $0x2;
	[tilespmem:s18+$0x14800] =	vst v13  }
0x29f: {  	s28 =	sadd.s32 $0x20, s12;
	s18 =	sor.u32 $0x180, s24;
	v12 =	vld [tilespmem:s9+$0x0];
	s9 =	sor.u32 $0x100, s24  }
0x2a0: {  	s29 =	sor.u32 $0x100, s12;
	s24 =	sor.u32 $0x100, s28;
	v14 =	vld [tilespmem:s23+$0x0];
	s23 =	sor.u32 $0x180, s28  }
0x2a1: {  	s30 =	sor.u32 $0x180, s12;
	s12 =	sor.u32 s17, s25;
	s28 =	sor.u32 s8, s25;
	v13 =	vshll.u32 v10, $0x3;
	v5 =	vld.idx.msk [tilespmem:v5+s16+$0x0], $0xffff  }
0x2a2: {  	s17 =	smov.u32 s21;
	s25 =	sor.u32 s14, s25;
	s8 =	smov.u32 s22;
	v10 =	vand.u32 $0x7F, v10;
	v13 =	vand.u32 $0xFFFFFC00, v13;
	[tilespmem:s12+$0x0] =	vst v7;
	v4 =	vld.idx.msk [tilespmem:v4+s16+$0x0], $0xffff  }
0x2a3: {  	s14 =	smov.u32 s26;
	v7 =	vand.u32 $0x7F, v11;
	v11 =	vshll.u32 v11, $0x3;
	v10 =	vor.u32 v10, v13;
	[tilespmem:s12+$0x80] =	vst v8;
	v3 =	vld.idx.msk [tilespmem:v3+s16+$0x0], $0xffff;
	s12 =	smov.u32 s31;
	s31 =	smov.u32 s29  }
0x2a4: {  	s21 =	smov.u32 s13;
	s22 =	smov.u32 s5;
	s5 =	smov.u32 s28;
	v11 =	vand.u32 $0xFFFFFC00, v11;
	v8 =	vshll.u32 v12, $0x3;
	v16 =	vadd.s32 $0x4000, v10;
	[tilespmem:s9+$0x14800] =	vst v9;
	v2 =	vld.idx.msk [tilespmem:v2+s16+$0x0], $0xffff  }
0x2a5: {  	s13 =	smov.u32 s30;
	v17 =	vadd.s32 $0x4080, v10;
	v15 =	vand.u32 $0xFFFFFC00, v8;
	v8 =	vshll.u32 v14, $0x3;
	[tilespmem:s18+$0x14800] =	vst v6;
	v20 =	vld.idx.msk [tilespmem:v1+s16+$0x0], $0xffff  }
0x2a6: {  	v21 =	vadd.s32 $0x4100, v10;
	v1 =	vand.u32 $0x7F, v12;
	v6 =	vand.u32 $0xFFFFFC00, v8;
	v8 =	vld.idx.msk [tilespmem:v0+s16+$0x0], $0xffff  }
.Ltmp8:
0x2a7: {  	v13 =	vadd.s32 $0x4180, v10;
	v0 =	vor.u32 v7, v11;
	v7 =	vand.u32 $0x7F, v14;
	[tilespmem:s25+$0x0] =	vst v5;
	v9 =	vld.idx.msk [tilespmem:v18+s16+$0x0], $0xffff;
	(pc) =	sbr.rel @p2 .LBB2_15-.Ltmp8, $4  }
0x2a8: {  	v1 =	vor.u32 v1, v15;
	v12 =	vadd.s32 $0x4000, v0;
	v7 =	vor.u32 v7, v6;
	[tilespmem:s25+$0x80] =	vst v4;
	v10 =	vld.idx.msk [tilespmem:v19+s16+$0x0], $0xffff  }
0x2a9: {  	v15 =	vadd.s32 $0x4080, v0;
	v11 =	vadd.s32 $0x4100, v0;
	v6 =	vadd.s32 $0x4180, v0;
	v14 =	vld.idx.msk [tilespmem:v16+s16+$0x0], $0xffff;
	[tilespmem:s24+$0x14800] =	vst v3  }
0x2aa: {  	v5 =	vadd.s32 $0x4000, v1;
	v4 =	vadd.s32 $0x4080, v1;
	v3 =	vadd.s32 $0x4100, v1;
	v17 =	vld.idx.msk [tilespmem:v17+s16+$0x0], $0xffff;
	[tilespmem:s23+$0x14800] =	vst v2  }
0x2ab: {  	s6 =	sadd.s32 $0x40, s6;
	p1 =	por !p1, !p1;
	s4 =	sadd.s32 $0x100, s4;
	v0 =	vadd.s32 $0x4080, v7;
	v2 =	vadd.s32 $0x4180, v1;
	v1 =	vadd.s32 $0x4000, v7;
	v16 =	vld.idx.msk [tilespmem:v21+s16+$0x0], $0xffff;
	[tilespmem:s22+$0x0] =	vst v20  }
0x2ac: {  	_ =	sdelay $0x1  }
0x2ad: {  	s1 =	simm.s32 $0x1;
	s9 =	sshra.s32 s4, $0x2  }
0x2ae: {  	s6 =	sand.u32 $0x1E00, s4;
	[tilespmem:s22+$0x80] =	vst v8;
	s1 =	simm.s32 @!p1 $0x0;
	v8 =	vld [tilespmem:s9+$0x0]  }
0x2af: {  	s6 =	sadd.s32 $0x14800, s6;
	[tilespmem:s12+$0x14800] =	vst v9;
	v9 =	vld.idx.msk [tilespmem:v12+s16+$0x0], $0xffff;
	s1 =	sshll.u32 s1, $0x6  }
0x2b0: {  	v13 =	vld.idx.msk [tilespmem:v13+s16+$0x0], $0xffff;
	s12 =	sor.u32 s7, s6;
	[tilespmem:s21+$0x14800] =	vst v10;
	s1 =	sadd.s32 s1, s4  }
0x2b1: {  	v10 =	vld.idx.msk [tilespmem:v15+s16+$0x0], $0xffff;
	[tilespmem:s12+$0x0] =	vst v14;
	s18 =	sadd.s32 $0x30, s1  }
0x2b2: {  	v11 =	vld.idx.msk [tilespmem:v11+s16+$0x0], $0xffff;
	[tilespmem:s12+$0x80] =	vst v17;
	s21 =	sor.u32 $0x100, s18  }
0x2b3: {  	v6 =	vld.idx.msk [tilespmem:v6+s16+$0x0], $0xffff;
	s23 =	sor.u32 s17, s6;
	[tilespmem:s21+$0x14800] =	vst v16  }
0x2b4: {  	v5 =	vld.idx.msk [tilespmem:v5+s16+$0x0], $0xffff;
	s22 =	sor.u32 $0x180, s18;
	v12 =	vshll.u32 v8, $0x3;
	[tilespmem:s23+$0x0] =	vst v9  }
0x2b5: {  	v4 =	vld.idx.msk [tilespmem:v4+s16+$0x0], $0xffff;
	s24 =	sadd.s32 $0x10, s1;
	v8 =	vand.u32 $0x7F, v8;
	[tilespmem:s22+$0x14800] =	vst v13;
	v13 =	vadd.s32 $0x4100, v7;
	v9 =	vand.u32 $0xFFFFFC00, v12  }
0x2b6: {  	v3 =	vld.idx.msk [tilespmem:v3+s16+$0x0], $0xffff;
	s25 =	sor.u32 $0x100, s24;
	v7 =	vadd.s32 $0x4180, v7;
	[tilespmem:s23+$0x80] =	vst v10;
	v8 =	vor.u32 v8, v9  }
0x2b7: {  	v2 =	vld.idx.msk [tilespmem:v2+s16+$0x0], $0xffff;
	s26 =	sor.u32 $0x180, s24;
	[tilespmem:s25+$0x14800] =	vst v11;
	v9 =	vadd.s32 $0x4000, v8  }
0x2b8: {  	v1 =	vld.idx.msk [tilespmem:v1+s16+$0x0], $0xffff;
	s28 =	sor.u32 s14, s6;
	[tilespmem:s26+$0x14800] =	vst v6;
	v6 =	vadd.s32 $0x4080, v8  }
0x2b9: {  	v0 =	vld.idx.msk [tilespmem:v0+s16+$0x0], $0xffff;
	s29 =	sadd.s32 $0x20, s1;
	[tilespmem:s28+$0x0] =	vst v5;
	v5 =	vadd.s32 $0x4100, v8  }
0x2ba: {  	s30 =	sor.u32 $0x100, s29;
	[tilespmem:s28+$0x80] =	vst v4;
	v4 =	vadd.s32 $0x4180, v8;
	v10 =	vld.idx.msk [tilespmem:v13+s16+$0x0], $0xffff  }
0x2bb: {  	s4 =	sor.u32 $0x180, s29;
	[tilespmem:s30+$0x14800] =	vst v3;
	v7 =	vld.idx.msk [tilespmem:v7+s16+$0x0], $0xffff  }
0x2bc: {  	[tilespmem:s4+$0x14800] =	vst v2;
	v2 =	vld.idx.msk [tilespmem:v9+s16+$0x0], $0xffff  }
0x2bd: {  	[tilespmem:s5+$0x0] =	vst v1;
	v1 =	vld.idx.msk [tilespmem:v6+s16+$0x0], $0xffff  }
0x2be: {  	[tilespmem:s5+$0x80] =	vst v0;
	v0 =	vld.idx.msk [tilespmem:v5+s16+$0x0], $0xffff  }
0x2bf: {  	v3 =	vld.idx.msk [tilespmem:v4+s16+$0x0], $0xffff;
	[tilespmem:s31+$0x14800] =	vst v10  }
0x2c0: {  	s9 =	sor.u32 s8, s6;
	[tilespmem:s13+$0x14800] =	vst v7  }
0x2c1: {  	[tilespmem:s9+$0x0] =	vst v2  }
0x2c2: {  	s12 =	sor.u32 $0x100, s1;
	[tilespmem:s9+$0x80] =	vst v1  }
0x2c3: {  	s14 =	simm.s32 $0x14800;
	s1 =	sor.u32 $0x180, s1;
	[tilespmem:s12+$0x14800] =	vst v0  }
0x2c4: {  	s17 =	simm.s32 $0x0;
	s18 =	simm.s32 $0x6;
	s13 =	sadd.s32 s3, s10;
	[tilespmem:s1+$0x14800] =	vst v3  }
0x2c5: {  	[hbm4b:s13+s19] =	stream.strided.scatter [tilespmem:s14], [sflag:$0x5], $0x2000, s20, s19, $0x38;
	[tilespmem:$0x18800] =	vst v63  }
0x2c6: {  	s5 =	sand.u32 $0x40, s17;
	_ =	swait.ge [sflag:s18], $0x2000  }
0x2c7: {  	s21 =	sand.u32 $0x780, s17;
	s22 =	sor.u32 $0x30, s5;
	[sflag:s18] =	ssyncset.done $0x0  }
0x2c8: {  	s23 =	sor.u32 s22, s21;
	[sflag:s18] =	ssyncadd.s32 $0xFFFFE000  }
0x2c9: {  	v0 =	vld [tilespmem:s23+$0x0]  }
0x2ca: {  	s26 =	simm.s32 $0x40;
	s24 =	sor.u32 $0x10, s5  }
0x2cb: {  	s7 =	sor.u32 $0x20, s5;
	s25 =	sor.u32 s24, s21;
	s13 =	sand.u32 $0x40, s26  }
0x2cc: {  	s28 =	sand.u32 $0x780, s26;
	s1 =	sor.u32 s7, s21;
	s21 =	sor.u32 $0x30, s13;
	v1 =	vld [tilespmem:s25+$0x0]  }
0x2cd: {  	v6 =	vld [tilespmem:s1+$0x0];
	s1 =	sor.u32 s21, s28  }
0x2ce: {  	v9 =	vld [tilespmem:s1+$0x0];
	v2 =	vshll.u32 v0, $0x3  }
0x2cf: {  	v0 =	vand.u32 $0x7F, v0;
	v2 =	vand.u32 $0xFFFFFC00, v2  }
0x2d0: {  	v0 =	vor.u32 v0, v2  }
0x2d1: {  	s12 =	sor.u32 $0x10, s13;
	v4 =	vshll.u32 v1, $0x3;
	v2 =	vadd.s32 $0x4200, v0  }
0x2d2: {  	s29 =	sor.u32 s12, s28;
	s1 =	sor.u32 $0x20, s13;
	v1 =	vand.u32 $0x7F, v1;
	v4 =	vand.u32 $0xFFFFFC00, v4;
	v3 =	vadd.s32 $0x4280, v0  }
0x2d3: {  	v11 =	vld [tilespmem:s29+$0x0];
	s6 =	sor.u32 s1, s28;
	v13 =	vshll.u32 v9, $0x3;
	v9 =	vand.u32 $0x7F, v9;
	v5 =	vadd.s32 $0x4300, v0  }
0x2d4: {  	s30 =	simm.s32 $0x0;
	v15 =	vld [tilespmem:s6+$0x0];
	v1 =	vor.u32 v1, v4;
	v13 =	vand.u32 $0xFFFFFC00, v13;
	v0 =	vadd.s32 $0x4380, v0  }
0x2d5: {  	v4 =	vadd.s32 $0x4200, v1;
	v9 =	vor.u32 v9, v13;
	v13 =	vld [tilespmem:s30+$0x0]  }
0x2d6: {  	v10 =	vshll.u32 v6, $0x3;
	v7 =	vadd.s32 $0x4280, v1;
	v2 =	vld.idx.msk [tilespmem:v2+s16+$0x0], $0xffff  }
0x2d7: {  	v6 =	vand.u32 $0x7F, v6;
	v10 =	vand.u32 $0xFFFFFC00, v10;
	v8 =	vadd.s32 $0x4300, v1;
	v3 =	vld.idx.msk [tilespmem:v3+s16+$0x0], $0xffff  }
0x2d8: {  	v6 =	vor.u32 v6, v10;
	v1 =	vadd.s32 $0x4380, v1;
	v5 =	vld.idx.msk [tilespmem:v5+s16+$0x0], $0xffff  }
0x2d9: {  	v10 =	vadd.s32 $0x4200, v6;
	v0 =	vld.idx.msk [tilespmem:v0+s16+$0x0], $0xffff  }
0x2da: {  	v12 =	vadd.s32 $0x4280, v6;
	v16 =	vadd.s32 $0x4200, v9;
	v4 =	vld.idx.msk [tilespmem:v4+s16+$0x0], $0xffff  }
0x2db: {  	v18 =	vadd.s32 $0x4280, v9;
	v19 =	vadd.s32 $0x4300, v9;
	v9 =	vadd.s32 $0x4380, v9;
	v7 =	vld.idx.msk [tilespmem:v7+s16+$0x0], $0xffff  }
0x2dc: {  	s4 =	sand.u32 $0x1E00, s17;
	v14 =	vadd.s32 $0x4300, v6;
	v8 =	vld.idx.msk [tilespmem:v8+s16+$0x0], $0xffff  }
0x2dd: {  	p1 =	por $0x0, $0x0;
	s9 =	simm.s32 $0x1;
	s6 =	sadd.s32 $0x16800, s4;
	v6 =	vadd.s32 $0x4380, v6;
	v1 =	vld.idx.msk [tilespmem:v1+s16+$0x0], $0xffff  }
0x2de: {  	s9 =	simm.s32 @!p1 $0x0;
	s14 =	sor.u32 s22, s6;
	v10 =	vld.idx.msk [tilespmem:v10+s16+$0x0], $0xffff  }
0x2df: {  	s9 =	sshll.u32 s9, $0x6;
	v12 =	vld.idx.msk [tilespmem:v12+s16+$0x0], $0xffff;
	[tilespmem:s14+$0x0] =	vst v2  }
0x2e0: {  	s4 =	sadd.s32 $0x0, s9;
	s8 =	sor.u32 s24, s6;
	v17 =	vshll.u32 v11, $0x3;
	v9 =	vld.idx.msk [tilespmem:v9+s16+$0x0], $0xffff;
	[tilespmem:s14+$0x80] =	vst v3  }
0x2e1: {  	s26 =	simm.s32 $0x80;
	s17 =	sadd.s32 $0x30, s4;
	v11 =	vand.u32 $0x7F, v11;
	v17 =	vand.u32 $0xFFFFFC00, v17;
	v2 =	vld.idx.msk [tilespmem:v14+s16+$0x0], $0xffff;
	[tilespmem:s8+$0x0] =	vst v4  }
0x2e2: {  	s29 =	simm.s32 $0x100;
	s23 =	sadd.s32 $0x10, s4;
	s18 =	sor.u32 $0x100, s17;
	v11 =	vor.u32 v11, v17;
	v3 =	vld.idx.msk [tilespmem:v6+s16+$0x0], $0xffff;
	[tilespmem:s8+$0x80] =	vst v7  }
0x2e3: {  	s28 =	sand.u32 $0x780, s26;
	s22 =	sor.u32 $0x180, s17;
	s24 =	sor.u32 $0x100, s23;
	v6 =	vadd.s32 $0x4200, v11;
	v14 =	vld.idx.msk [tilespmem:v16+s16+$0x0], $0xffff;
	[tilespmem:s18+$0x16800] =	vst v5  }
0x2e4: {  	s30 =	sand.u32 $0x1E00, s29;
	s29 =	simm.s32 $0x40;
	v16 =	vld.idx.msk [tilespmem:v18+s16+$0x0], $0xffff;
	v7 =	vadd.s32 $0x4380, v11;
	s8 =	sand.u32 $0x40, s26;
	[tilespmem:s24+$0x16800] =	vst v8  }
0x2e5: {  	s14 =	sor.u32 $0x180, s23;
	v4 =	vld.idx.msk [tilespmem:v19+s16+$0x0], $0xffff;
	s23 =	sor.u32 s7, s6;
	v5 =	vadd.s32 $0x4280, v11;
	s7 =	sor.u32 $0x30, s8;
	[tilespmem:s22+$0x16800] =	vst v0  }
0x2e6: {  	v0 =	vadd.s32 $0x4300, v11;
	v11 =	vshll.u32 v15, $0x3;
	[tilespmem:s14+$0x16800] =	vst v1;
	v1 =	vand.u32 $0x7F, v15;
	s24 =	sor.u32 s7, s28;
	v15 =	vld [tilespmem:s29+$0x0]  }
0x2e7: {  	p1 =	por !p1, !p1;
	s25 =	sadd.s32 $0x20, s4;
	[tilespmem:s23+$0x0] =	vst v10;
	v8 =	vand.u32 $0xFFFFFC00, v11;
	v10 =	vld [tilespmem:s24+$0x0]  }
0x2e8: {  	s18 =	sor.u32 $0x100, s25;
	s17 =	sor.u32 $0x10, s8;
	s14 =	simm.s32 $0x1;
	v1 =	vor.u32 v1, v8;
	v6 =	vld.idx.msk [tilespmem:v6+s16+$0x0], $0xffff  }
0x2e9: {  	[tilespmem:s23+$0x80] =	vst v12;
	s23 =	sadd.s32 $0x16800, s30;
	s22 =	sor.u32 $0x180, s25;
	s14 =	simm.s32 @!p1 $0x0;
	v8 =	vadd.s32 $0x4200, v1;
	v7 =	vld.idx.msk [tilespmem:v7+s16+$0x0], $0xffff  }
0x2ea: {  	s26 =	sor.u32 s17, s28;
	v11 =	vshll.u32 v13, $0x3;
	s25 =	sshll.u32 s14, $0x6;
	s14 =	sor.u32 $0x20, s8;
	[tilespmem:s18+$0x16800] =	vst v2;
	v2 =	vadd.s32 $0x4280, v1;
	v5 =	vld.idx.msk [tilespmem:v5+s16+$0x0], $0xffff  }
0x2eb: {  	v12 =	vand.u32 $0x7F, v13;
	s21 =	sor.u32 s21, s23;
	v11 =	vand.u32 $0xFFFFFC00, v11;
	v13 =	vadd.s32 $0x4300, v1;
	s24 =	sadd.s32 $0x100, s25;
	s9 =	sor.u32 s14, s28;
	[tilespmem:s22+$0x16800] =	vst v3;
	v3 =	vld [tilespmem:s26+$0x0]  }
0x2ec: {  	v11 =	vor.u32 v12, v11;
	v1 =	vadd.s32 $0x4380, v1;
	[tilespmem:s21+$0x0] =	vst v14;
	s28 =	sadd.s32 $0x30, s24;
	v12 =	vld [tilespmem:s9+$0x0]  }
0x2ed: {  	[tilespmem:s21+$0x80] =	vst v16;
	v14 =	vadd.s32 $0x4200, v11;
	v0 =	vld.idx.msk [tilespmem:v0+s16+$0x0], $0xffff;
	s30 =	sor.u32 $0x100, s28  }
0x2ee: {  	v16 =	vadd.s32 $0x4280, v11;
	v17 =	vadd.s32 $0x4300, v11;
	s18 =	sor.u32 $0x180, s28;
	[tilespmem:s30+$0x16800] =	vst v4;
	v4 =	vshll.u32 v10, $0x3;
	v18 =	vld.idx.msk [tilespmem:v8+s16+$0x0], $0xffff  }
0x2ef: {  	s21 =	sor.u32 s12, s23;
	v11 =	vadd.s32 $0x4380, v11;
	[tilespmem:s18+$0x16800] =	vst v9;
	v4 =	vand.u32 $0xFFFFFC00, v4;
	v8 =	vand.u32 $0x7F, v10;
	v2 =	vld.idx.msk [tilespmem:v2+s16+$0x0], $0xffff  }
0x2f0: {  	s22 =	sadd.s32 $0x10, s24;
	[tilespmem:s21+$0x0] =	vst v6;
	v19 =	vld.idx.msk [tilespmem:v13+s16+$0x0], $0xffff;
	v6 =	vand.u32 $0x7F, v3;
	v3 =	vshll.u32 v3, $0x3;
	v4 =	vor.u32 v8, v4  }
0x2f1: {  	s25 =	sor.u32 $0x100, s22;
	v1 =	vld.idx.msk [tilespmem:v1+s16+$0x0], $0xffff;
	[tilespmem:s21+$0x80] =	vst v5;
	v5 =	vshll.u32 v12, $0x3;
	v3 =	vand.u32 $0xFFFFFC00, v3;
	v20 =	vadd.s32 $0x4200, v4  }
0x2f2: {  	s26 =	sor.u32 $0x180, s22;
	v22 =	vld.idx.msk [tilespmem:v14+s16+$0x0], $0xffff;
	[tilespmem:s25+$0x16800] =	vst v0;
	v0 =	vand.u32 $0xFFFFFC00, v5;
	v21 =	vadd.s32 $0x4280, v4;
	v5 =	vshll.u32 v15, $0x3  }
0x2f3: {  	s1 =	sor.u32 s1, s23;
	v8 =	vld.idx.msk [tilespmem:v16+s16+$0x0], $0xffff;
	v23 =	vadd.s32 $0x4300, v4;
	v13 =	vadd.s32 $0x4380, v4;
	v4 =	vand.u32 $0x7F, v15;
	[tilespmem:s26+$0x16800] =	vst v7  }
0x2f4: {  	s28 =	sadd.s32 $0x20, s24;
	v9 =	vld.idx.msk [tilespmem:v17+s16+$0x0], $0xffff;
	v7 =	vand.u32 $0x7F, v12;
	v5 =	vand.u32 $0xFFFFFC00, v5;
	v3 =	vor.u32 v6, v3;
	[tilespmem:s1+$0x0] =	vst v18  }
0x2f5: {  	p1 =	por !p1, !p1;
	s12 =	sor.u32 $0x100, s4;
	s29 =	sor.u32 $0x100, s28;
	v10 =	vld.idx.msk [tilespmem:v11+s16+$0x0], $0xffff;
	v12 =	vadd.s32 $0x4200, v3;
	v0 =	vor.u32 v7, v0;
	v7 =	vor.u32 v4, v5;
	[tilespmem:s1+$0x80] =	vst v2  }
0x2f6: {  	s31 =	sor.u32 $0x100, s24;
	s22 =	sor.u32 s5, s6;
	s5 =	sor.u32 s13, s23;
	v15 =	vadd.s32 $0x4280, v3;
	v11 =	vadd.s32 $0x4300, v3;
	v6 =	vadd.s32 $0x4380, v3;
	[tilespmem:s29+$0x16800] =	vst v19;
	v14 =	vld.idx.msk [tilespmem:v20+s16+$0x0], $0xffff  }
0x2f7: {  	s13 =	sor.u32 $0x180, s24;
	s6 =	simm.s32 $0xC0;
	s30 =	sor.u32 $0x180, s28;
	v5 =	vadd.s32 $0x4200, v0;
	v4 =	vadd.s32 $0x4280, v0;
	v3 =	vadd.s32 $0x4300, v0;
	[tilespmem:s22+$0x0] =	vst v22;
	v17 =	vld.idx.msk [tilespmem:v21+s16+$0x0], $0xffff  }
0x2f8: {  	s21 =	sor.u32 $0x180, s4;
	s4 =	simm.s32 $0x200;
	s1 =	simm.s32 $0x8;
	v2 =	vadd.s32 $0x4380, v0;
	v0 =	vadd.s32 $0x4280, v7;
	[tilespmem:s30+$0x16800] =	vst v1;
	v16 =	vld.idx.msk [tilespmem:v23+s16+$0x0], $0xffff;
	v1 =	vadd.s32 $0x4200, v7  }
.LBB2_17:
0x2f9: {  	s18 =	simm.s32 $0x1  }
0x2fa: {  	s9 =	sand.u32 $0x780, s6;
	s23 =	sand.u32 $0x1E00, s4;
	v13 =	vld.idx.msk [tilespmem:v13+s16+$0x0], $0xffff;
	v18 =	vadd.s32 $0x4300, v7;
	v19 =	vadd.s32 $0x4380, v7;
	[tilespmem:s22+$0x80] =	vst v8;
	s18 =	simm.s32 @!p1 $0x0  }
0x2fb: {  	s22 =	sand.u32 $0x40, s6;
	s25 =	sadd.s32 $0x16800, s23;
	s18 =	sshll.u32 s18, $0x6;
	v7 =	vld.idx.msk [tilespmem:v12+s16+$0x0], $0xffff;
	[tilespmem:s12+$0x16800] =	vst v9  }
0x2fc: {  	s12 =	sadd.s32 s18, s4;
	v8 =	vld.idx.msk [tilespmem:v15+s16+$0x0], $0xffff;
	s18 =	sor.u32 s7, s25;
	s7 =	sor.u32 $0x30, s22;
	[tilespmem:s21+$0x16800] =	vst v10  }
0x2fd: {  	s21 =	sor.u32 $0x10, s22;
	s23 =	sor.u32 s7, s9;
	v9 =	vld.idx.msk [tilespmem:v11+s16+$0x0], $0xffff;
	[tilespmem:s18+$0x0] =	vst v14;
	s24 =	sadd.s32 $0x30, s12  }
0x2fe: {  	s1 =	sadd.s32 $0x4, s1;
	s26 =	sor.u32 $0x20, s22;
	v10 =	vld [tilespmem:s23+$0x0];
	[tilespmem:s18+$0x80] =	vst v17;
	s18 =	sor.u32 $0x100, s24  }
0x2ff: {  	p2 =	slt.u32 s1, $0x7C;
	s23 =	sor.u32 s21, s9;
	v6 =	vld.idx.msk [tilespmem:v6+s16+$0x0], $0xffff;
	[tilespmem:s18+$0x16800] =	vst v16;
	s18 =	sor.u32 $0x180, s24  }
0x300: {  	s9 =	sor.u32 s26, s9;
	s24 =	sadd.s32 $0x10, s12;
	v11 =	vld [tilespmem:s23+$0x0];
	s23 =	sshra.s32 s4, $0x2;
	[tilespmem:s18+$0x16800] =	vst v13  }
0x301: {  	s28 =	sadd.s32 $0x20, s12;
	s18 =	sor.u32 $0x180, s24;
	v12 =	vld [tilespmem:s9+$0x0];
	s9 =	sor.u32 $0x100, s24  }
0x302: {  	s29 =	sor.u32 $0x100, s12;
	s24 =	sor.u32 $0x100, s28;
	v14 =	vld [tilespmem:s23+$0x0];
	s23 =	sor.u32 $0x180, s28  }
0x303: {  	s30 =	sor.u32 $0x180, s12;
	s12 =	sor.u32 s17, s25;
	s28 =	sor.u32 s8, s25;
	v13 =	vshll.u32 v10, $0x3;
	v5 =	vld.idx.msk [tilespmem:v5+s16+$0x0], $0xffff  }
0x304: {  	s17 =	smov.u32 s21;
	s25 =	sor.u32 s14, s25;
	s8 =	smov.u32 s22;
	v10 =	vand.u32 $0x7F, v10;
	v13 =	vand.u32 $0xFFFFFC00, v13;
	[tilespmem:s12+$0x0] =	vst v7;
	v4 =	vld.idx.msk [tilespmem:v4+s16+$0x0], $0xffff  }
0x305: {  	s14 =	smov.u32 s26;
	v7 =	vand.u32 $0x7F, v11;
	v11 =	vshll.u32 v11, $0x3;
	v10 =	vor.u32 v10, v13;
	[tilespmem:s12+$0x80] =	vst v8;
	v3 =	vld.idx.msk [tilespmem:v3+s16+$0x0], $0xffff;
	s12 =	smov.u32 s31;
	s31 =	smov.u32 s29  }
0x306: {  	s21 =	smov.u32 s13;
	s22 =	smov.u32 s5;
	s5 =	smov.u32 s28;
	v11 =	vand.u32 $0xFFFFFC00, v11;
	v8 =	vshll.u32 v12, $0x3;
	v16 =	vadd.s32 $0x4200, v10;
	[tilespmem:s9+$0x16800] =	vst v9;
	v2 =	vld.idx.msk [tilespmem:v2+s16+$0x0], $0xffff  }
0x307: {  	s13 =	smov.u32 s30;
	v17 =	vadd.s32 $0x4280, v10;
	v15 =	vand.u32 $0xFFFFFC00, v8;
	v8 =	vshll.u32 v14, $0x3;
	[tilespmem:s18+$0x16800] =	vst v6;
	v20 =	vld.idx.msk [tilespmem:v1+s16+$0x0], $0xffff  }
0x308: {  	v21 =	vadd.s32 $0x4300, v10;
	v1 =	vand.u32 $0x7F, v12;
	v6 =	vand.u32 $0xFFFFFC00, v8;
	v8 =	vld.idx.msk [tilespmem:v0+s16+$0x0], $0xffff  }
.Ltmp9:
0x309: {  	v13 =	vadd.s32 $0x4380, v10;
	v0 =	vor.u32 v7, v11;
	v7 =	vand.u32 $0x7F, v14;
	[tilespmem:s25+$0x0] =	vst v5;
	v9 =	vld.idx.msk [tilespmem:v18+s16+$0x0], $0xffff;
	(pc) =	sbr.rel @p2 .LBB2_17-.Ltmp9, $4  }
0x30a: {  	v1 =	vor.u32 v1, v15;
	v12 =	vadd.s32 $0x4200, v0;
	v7 =	vor.u32 v7, v6;
	[tilespmem:s25+$0x80] =	vst v4;
	v10 =	vld.idx.msk [tilespmem:v19+s16+$0x0], $0xffff  }
0x30b: {  	v15 =	vadd.s32 $0x4280, v0;
	v11 =	vadd.s32 $0x4300, v0;
	v6 =	vadd.s32 $0x4380, v0;
	v14 =	vld.idx.msk [tilespmem:v16+s16+$0x0], $0xffff;
	[tilespmem:s24+$0x16800] =	vst v3  }
0x30c: {  	v5 =	vadd.s32 $0x4200, v1;
	v4 =	vadd.s32 $0x4280, v1;
	v3 =	vadd.s32 $0x4300, v1;
	v17 =	vld.idx.msk [tilespmem:v17+s16+$0x0], $0xffff;
	[tilespmem:s23+$0x16800] =	vst v2  }
0x30d: {  	s6 =	sadd.s32 $0x40, s6;
	p1 =	por !p1, !p1;
	s4 =	sadd.s32 $0x100, s4;
	v0 =	vadd.s32 $0x4280, v7;
	v2 =	vadd.s32 $0x4380, v1;
	v1 =	vadd.s32 $0x4200, v7;
	v16 =	vld.idx.msk [tilespmem:v21+s16+$0x0], $0xffff;
	[tilespmem:s22+$0x0] =	vst v20  }
0x30e: {  	_ =	sdelay $0x3  }
0x30f: {  	v13 =	vld.idx.msk [tilespmem:v13+s16+$0x0], $0xffff  }
0x310: {  	v50 =	vld.idx.msk [tilespmem:v12+s16+$0x0], $0xffff  }
0x311: {  	v51 =	vld.idx.msk [tilespmem:v15+s16+$0x0], $0xffff  }
0x312: {  	v11 =	vld.idx.msk [tilespmem:v11+s16+$0x0], $0xffff  }
0x313: {  	s6 =	sand.u32 $0x1E00, s4;
	[tilespmem:s22+$0x80] =	vst v8;
	s9 =	sshra.s32 s4, $0x2;
	v6 =	vld.idx.msk [tilespmem:v6+s16+$0x0], $0xffff  }
0x314: {  	s6 =	sadd.s32 $0x16800, s6;
	[tilespmem:s12+$0x16800] =	vst v9;
	v49 =	vld [tilespmem:s9+$0x0]  }
0x315: {  	v5 =	vld.idx.msk [tilespmem:v5+s16+$0x0], $0xffff;
	s29 =	sor.u32 s7, s6;
	[tilespmem:s21+$0x16800] =	vst v10  }
0x316: {  	v53 =	vadd.s32 $0x4300, v7;
	v4 =	vld.idx.msk [tilespmem:v4+s16+$0x0], $0xffff;
	[tilespmem:s29+$0x0] =	vst v14  }
0x317: {  	v55 =	vadd.s32 $0x4380, v7;
	v1 =	vld.idx.msk [tilespmem:v1+s16+$0x0], $0xffff;
	s18 =	sor.u32 s17, s6;
	[tilespmem:s29+$0x80] =	vst v17  }
0x318: {  	s1 =	simm.s32 $0x1;
	v0 =	vld.idx.msk [tilespmem:v0+s16+$0x0], $0xffff;
	[tilespmem:s18+$0x0] =	vst v50  }
0x319: {  	v3 =	vld.idx.msk [tilespmem:v3+s16+$0x0], $0xffff;
	s1 =	simm.s32 @!p1 $0x0;
	s24 =	sor.u32 s14, s6;
	[tilespmem:s18+$0x80] =	vst v51;
	v52 =	vshll.u32 v49, $0x3  }
0x31a: {  	v2 =	vld.idx.msk [tilespmem:v2+s16+$0x0], $0xffff;
	s1 =	sshll.u32 s1, $0x6;
	[tilespmem:s24+$0x0] =	vst v5;
	v8 =	vand.u32 $0x7F, v49;
	v54 =	vand.u32 $0xFFFFFC00, v52  }
0x31b: {  	s1 =	sadd.s32 s1, s4;
	v58 =	vld.idx.msk [tilespmem:v53+s16+$0x0], $0xffff;
	[tilespmem:s24+$0x80] =	vst v4;
	v8 =	vor.u32 v8, v54  }
0x31c: {  	s30 =	sadd.s32 $0x30, s1;
	v7 =	vld.idx.msk [tilespmem:v55+s16+$0x0], $0xffff;
	[tilespmem:s5+$0x0] =	vst v1;
	v9 =	vadd.s32 $0x4200, v8  }
0x31d: {  	s21 =	sadd.s32 $0x10, s1;
	s9 =	sor.u32 $0x100, s30;
	[tilespmem:s5+$0x80] =	vst v0;
	v56 =	vadd.s32 $0x4280, v8  }
0x31e: {  	s25 =	sadd.s32 $0x20, s1;
	s22 =	sor.u32 $0x100, s21;
	[tilespmem:s9+$0x16800] =	vst v16;
	v57 =	vadd.s32 $0x4300, v8  }
0x31f: {  	s26 =	sor.u32 $0x100, s25;
	[tilespmem:s22+$0x16800] =	vst v11;
	v59 =	vadd.s32 $0x4380, v8  }
0x320: {  	s12 =	sor.u32 $0x180, s30;
	[tilespmem:s26+$0x16800] =	vst v3  }
0x321: {  	s23 =	sor.u32 $0x180, s21;
	[tilespmem:s12+$0x16800] =	vst v13;
	v60 =	vld.idx.msk [tilespmem:v9+s16+$0x0], $0xffff  }
0x322: {  	s4 =	sor.u32 $0x180, s25;
	[tilespmem:s23+$0x16800] =	vst v6;
	v61 =	vld.idx.msk [tilespmem:v56+s16+$0x0], $0xffff  }
0x323: {  	[tilespmem:s4+$0x16800] =	vst v2;
	v62 =	vld.idx.msk [tilespmem:v57+s16+$0x0], $0xffff  }
0x324: {  	[tilespmem:s31+$0x16800] =	vst v58;
	v63 =	vld.idx.msk [tilespmem:v59+s16+$0x0], $0xffff  }
0x325: {  	s28 =	sor.u32 s8, s6;
	[tilespmem:s13+$0x16800] =	vst v7  }
.Ltmp10:
0x326: {  	[tilespmem:s28+$0x0] =	vst v60;
	(pc) =	sbr.rel @p0 .LBB2_20-.Ltmp10, $4  }
0x327: {  	s29 =	sor.u32 $0x100, s1;
	[tilespmem:s28+$0x80] =	vst v61  }
0x328: {  	s1 =	sor.u32 $0x180, s1;
	[tilespmem:s29+$0x16800] =	vst v62  }
0x329: {  	s30 =	sadd.s32 s3, s11;
	s31 =	simm.s32 $0x16800;
	[tilespmem:s1+$0x16800] =	vst v63  }
0x32a: {  	[hbm4b:s30+s19] =	stream.strided.scatter [tilespmem:s31], [sflag:$0x6], $0x2000, s20, s19, $0x38;
	[tilespmem:$0x18800] =	vst v63  }
.Ltmp11:
0x32b: {  	s1 =	rddreg [dreg:$0x9];
	(pc) =	sbr.rel .LBB2_2-.Ltmp11, $4  }
0x32c: {  	s0 =	sadd.s32 s0, s1  }
0x32d: {  	s30 =	rddreg [dreg:$0x0];
	s0 =	sshll.u32 s0, $0x8  }
0x32e: {  	s31 =	simm.s32 $0x0;
	s2 =	sadd.s32 $0x1, s2;
	s0 =	sadd.s32 s30, s0  }
0x32f: {  	[tilespmem:s16], [sflag:$0x2] =	stream.linear.gather [hbm4b:s0+s31], $0x8000, $0x38;
	[tilespmem:$0x18800] =	vst v63  }
.LBB2_21:
0x330: {  	_ =	sfence.sel $0x180000  }
0x331: {  	[bflag:$0x0] =	sbarrier.arrive $0xFFFF  }
0x332: {  	_ =	strace $0x90000047  }
0x333: {  	s0 =	stileid.u32;
	[bflag:$0x2] =	sbarrier.arrive $0xFFFF  }
0x334: {  	p0 =	sne.s32 s0, $0x0;
	s0 =	rddreg [dreg:$0x3]  }
0x335: {  	s0 =	sadd.s32 @!p0 $0x100000, s0  }
0x336: {  	[sflag:s0] =	ssyncadd.tile.s32 @!p0 $0x1;
	_ =	shalt  }
.Lfunc_end2:
_tile_overlayer_lowered:
.L_overlay_start_2:
0x337: {  	(tag) =	ssettag $0x2  }
0x338: {  	s0 =	rddreg [dreg:$0x0];
	s2 =	stileid.u32  }
0x339: {  	s1 =	rddreg [dreg:$0x1];
	p0 =	sne.s32 s2, $0x0  }
0x33a: {  	s3 =	rddreg [dreg:$0x2];
	[bflag:$0x3] =	sbarrier.arrive $0xFFFF;
	s2 =	simm.s32 @!p0 $0x1C08  }
0x33b: {  	[timem:s3], [sflag:s2] =	dma.local @!p0 [hbm:s0], s1  }
0x33c: {  	s0 =	simm.s32 @!p0 $0x8  }
0x33d: {  	_ =	swait.ge @!p0 [sflag:s0], s1  }
0x33e: {  	s1 =	ssub.s32 @!p0 $0x0, s1;
	[sflag:s0] =	ssyncset.done @!p0 $0x0  }
0x33f: {  	[sflag:s0] =	ssyncadd.s32 @!p0 s1  }
0x340: {  	[bflag:$0x3] =	sbarrier.arrive $0xFFFF  }
0x341: {  	_ =	shalt  }

</sc_bundles>
